<compile_context>
chip_gen: v7x
topology: tpu7x:2x2x1
jax: 0.10.2.dev20260603
libtpu: 0.0.44.dev20260713+nightly
codegen_flags: <defaults>
</compile_context>

<pallas_src>
import jax
import jax.numpy as jnp
from jax import lax
from jax.experimental import pallas as pl
from jax.experimental.pallas import tpu as pltpu
from jax.experimental.pallas import tpu_sc as plsc

_NBUF = 16


def _gather_body(nc, npos, tab_hbm, idx_hbm, out_hbm, idx_v, stage_v, *bufsems):
    bufs = bufsems[:_NBUF]
    sems = bufsems[_NBUF:]
    wid = lax.axis_index("s") * nc + lax.axis_index("c")
    tile_row = wid // 4
    quarter = wid % 4
    ngroups = npos // 16
    d0 = pl.multiple_of(tile_row * 8, 8)

    pltpu.sync_copy(idx_hbm.at[pl.ds(quarter * npos, npos)], idx_v)

    lane = lax.iota(jnp.int32, 16)
    dvec = lane % 8
    lo_mask = lane < 8
    pend = [[] for _ in range(_NBUF)]

    def fire(r, bsel):
        rj = pl.multiple_of((r // 128) * 128, 128)
        pend[bsel].append(
            pltpu.async_copy(
                tab_hbm.at[pl.ds(d0, 8), pl.ds(rj, 128)], bufs[bsel], sems[bsel]
            )
        )

    chunk0 = idx_v[pl.ds(0, 16)]
    for j in range(_NBUF):
        fire(chunk0[j], j)

    def group(g, carry):
        chunk = idx_v[pl.ds(g * 16, 16)]
        noff = jnp.where(g + 1 < ngroups, (g + 1) * 16, 0)
        chunk_next = idx_v[pl.ds(noff, 16)]
        for j in range(16):
            pend[j].pop(0).wait()
            cvec = jnp.full((16,), chunk[j] % 128, jnp.int32)
            vals = plsc.load_gather(bufs[j], [dvec, cvec])

            @pl.when(g + 1 < ngroups)
            def _():
                fire(chunk_next[j], j)

            pvec = jnp.full((16,), g * 16 + j, jnp.int32)
            plsc.store_scatter(stage_v, [dvec, pvec], vals, mask=lo_mask)
        return carry

    lax.fori_loop(0, ngroups, group, 0, unroll=False)
    pltpu.sync_copy(
        stage_v, out_hbm.at[pl.ds(d0, 8), pl.ds(quarter * npos, npos)]
    )


def kernel(x, embeddings):
    b = x.shape[0]
    cap, d = embeddings.shape
    idx = jax.random.randint(jax.random.key(1), (b,), 0, cap, dtype=jnp.int32)

    info = plsc.get_sparse_core_info()
    nc, ns = info.num_cores, info.num_subcores
    npos = b // 4

    gather = pl.kernel(
        lambda *refs: _gather_body(nc, npos, *refs),
        mesh=plsc.VectorSubcoreMesh(core_axis_name="c", subcore_axis_name="s"),
        out_type=jax.ShapeDtypeStruct((d, b), jnp.float32),
        scratch_types=(
            [pltpu.VMEM((npos,), jnp.int32), pltpu.VMEM((8, npos), jnp.float32)]
            + [pltpu.VMEM((8, 128), jnp.float32) for _ in range(_NBUF)]
            + [pltpu.SemaphoreType.DMA for _ in range(_NBUF)]
        ),
        compiler_params=pltpu.CompilerParams(needs_layout_passes=False),
    )
    out_t = gather(embeddings.T, idx)
    return out_t.T

# --- scband reference (transcript-rebuilt; emitter-appended) ---
"""Pipeline reference for scband-episodic-store-58712202936562 (READ-ONLY COPY).

The authoritative reference and input builder live on the scoring server;
editing this copy changes nothing except your own understanding.
"""

import jax, jax.numpy as jnp
import numpy as np

CAPACITY = 1000000
EMBED_DIM = 64

def setup_inputs(seed: int = 0) -> dict:
    key = jax.random.key(seed)
    k1, k2 = jax.random.split(key)
    x = jax.random.normal(k1, (4096, 50, 128), dtype=jnp.float32)
    embeddings = jax.random.normal(k2, (CAPACITY, EMBED_DIM), dtype=jnp.float32) * 0.02
    return {"x": x, "embeddings": embeddings}

def reference(x, embeddings):
    # Faithful translation of EpisodicStore.query:
    #   idx = torch.randint(0, capacity, (B,))   (made deterministic via fixed key)
    #   episodic_vec = self.embeddings[idx]
    B = x.shape[0]
    idx = jax.random.randint(jax.random.key(1), (B,), 0, embeddings.shape[0], dtype=jnp.int32)
    episodic_vec = jnp.take(embeddings, idx, axis=0)
    return episodic_vec

if __name__ == "__main__":
    import jax
    _d = setup_inputs()
    print(jax.jit(kernel)(*tuple(_d.values())))

</pallas_src>

<mosaic_0001>
#map = affine_map<(d0, d1) -> (0, 0)>
#map1 = affine_map<(d0, d1) -> (0)>
module attributes {stable_mosaic.version = 14 : i64} {
  func.func @_lambda_(%arg0: i32, %arg1: i32, %arg2: memref<64x1000000xf32, #tpu.memory_space<hbm>>, %arg3: memref<4096xi32, #tpu.memory_space<hbm>>, %arg4: memref<64x4096xf32, #tpu.memory_space<hbm>>, %arg5: memref<1024xi32, #tpu.memory_space<vmem>>, %arg6: memref<8x1024xf32, #tpu.memory_space<vmem>>, %arg7: memref<8x128xf32, #tpu.memory_space<vmem>>, %arg8: memref<8x128xf32, #tpu.memory_space<vmem>>, %arg9: memref<8x128xf32, #tpu.memory_space<vmem>>, %arg10: memref<8x128xf32, #tpu.memory_space<vmem>>, %arg11: memref<8x128xf32, #tpu.memory_space<vmem>>, %arg12: memref<8x128xf32, #tpu.memory_space<vmem>>, %arg13: memref<8x128xf32, #tpu.memory_space<vmem>>, %arg14: memref<8x128xf32, #tpu.memory_space<vmem>>, %arg15: memref<8x128xf32, #tpu.memory_space<vmem>>, %arg16: memref<8x128xf32, #tpu.memory_space<vmem>>, %arg17: memref<8x128xf32, #tpu.memory_space<vmem>>, %arg18: memref<8x128xf32, #tpu.memory_space<vmem>>, %arg19: memref<8x128xf32, #tpu.memory_space<vmem>>, %arg20: memref<8x128xf32, #tpu.memory_space<vmem>>, %arg21: memref<8x128xf32, #tpu.memory_space<vmem>>, %arg22: memref<8x128xf32, #tpu.memory_space<vmem>>, %arg23: memref<!tpu.dma_semaphore, #tpu.memory_space<semaphore_mem>>, %arg24: memref<!tpu.dma_semaphore, #tpu.memory_space<semaphore_mem>>, %arg25: memref<!tpu.dma_semaphore, #tpu.memory_space<semaphore_mem>>, %arg26: memref<!tpu.dma_semaphore, #tpu.memory_space<semaphore_mem>>, %arg27: memref<!tpu.dma_semaphore, #tpu.memory_space<semaphore_mem>>, %arg28: memref<!tpu.dma_semaphore, #tpu.memory_space<semaphore_mem>>, %arg29: memref<!tpu.dma_semaphore, #tpu.memory_space<semaphore_mem>>, %arg30: memref<!tpu.dma_semaphore, #tpu.memory_space<semaphore_mem>>, %arg31: memref<!tpu.dma_semaphore, #tpu.memory_space<semaphore_mem>>, %arg32: memref<!tpu.dma_semaphore, #tpu.memory_space<semaphore_mem>>, %arg33: memref<!tpu.dma_semaphore, #tpu.memory_space<semaphore_mem>>, %arg34: memref<!tpu.dma_semaphore, #tpu.memory_space<semaphore_mem>>, %arg35: memref<!tpu.dma_semaphore, #tpu.memory_space<semaphore_mem>>, %arg36: memref<!tpu.dma_semaphore, #tpu.memory_space<semaphore_mem>>, %arg37: memref<!tpu.dma_semaphore, #tpu.memory_space<semaphore_mem>>, %arg38: memref<!tpu.dma_semaphore, #tpu.memory_space<semaphore_mem>>) attributes {dimension_semantics = [#tpu.dimension_semantics<core_parallel>, #tpu.dimension_semantics<subcore_parallel>], iteration_bounds = array<i64: 2, 16>, scalar_prefetch = 0 : i64, scratch_operands = 34 : i64, tpu.core_type = #tpu.core_type<sc_vector_subcore>, window_params = [{transform_indices = #map}, {transform_indices = #map1}, {transform_indices = #map}]} {
    %mul3A = arith.constant 2 : i32
    %mul3A_0 = arith.muli %arg1, %mul3A : i32
    %add3A = arith.addi %mul3A_0, %arg0 : i32
    %jit3A = arith.constant 4 : i32
    %div3A = arith.divsi %add3A, %jit3A : i32
    %sign3A = arith.constant 0 : i32
    %sign3A_1 = arith.cmpi sgt, %add3A, %sign3A : i32
    %sign3A_2 = arith.extui %sign3A_1 : i1 to i32
    %sign3A_3 = arith.constant 0 : i32
    %sign3A_4 = arith.cmpi slt, %add3A, %sign3A_3 : i32
    %sign3A_5 = arith.extui %sign3A_4 : i1 to i32
    %sign3A_6 = arith.subi %sign3A_2, %sign3A_5 : i32
    %sign3A_7 = arith.constant 0 : i32
    %sign3A_8 = arith.cmpi sgt, %jit3A, %sign3A_7 : i32
    %sign3A_9 = arith.extui %sign3A_8 : i1 to i32
    %sign3A_10 = arith.constant 0 : i32
    %sign3A_11 = arith.cmpi slt, %jit3A, %sign3A_10 : i32
    %sign3A_12 = arith.extui %sign3A_11 : i1 to i32
    %sign3A_13 = arith.subi %sign3A_9, %sign3A_12 : i32
    %ne3A = arith.cmpi ne, %sign3A_6, %sign3A_13 : i32
    %rem3A = arith.remsi %add3A, %jit3A : i32
    %ne3A_14 = arith.constant 0 : i32
    %ne3A_15 = arith.cmpi ne, %rem3A, %ne3A_14 : i32
    %and3A = arith.andi %ne3A, %ne3A_15 : i1
    %sub3A = arith.constant 1 : i32
    %sub3A_16 = arith.subi %div3A, %sub3A : i32
    %select_n3A = arith.select %and3A, %sub3A_16, %div3A : i32
    %jit3A_17 = arith.constant 4 : i32
    %eq3A = arith.constant 0 : i32
    %eq3A_18 = arith.cmpi eq, %jit3A_17, %eq3A : i32
    %jit3A_19 = arith.constant 1 : i32
    %select_n3A_20 = arith.select %eq3A_18, %jit3A_19, %jit3A_17 : i32
    %rem3A_21 = arith.remsi %add3A, %select_n3A_20 : i32
    %ne3A_22 = arith.constant 0 : i32
    %ne3A_23 = arith.cmpi ne, %rem3A_21, %ne3A_22 : i32
    %lt3A = arith.constant 0 : i32
    %lt3A_24 = arith.cmpi slt, %rem3A_21, %lt3A : i32
    %lt3A_25 = arith.constant 0 : i32
    %lt3A_26 = arith.cmpi slt, %select_n3A_20, %lt3A_25 : i32
    %ne3A_27 = arith.xori %lt3A_24, %lt3A_26 : i1
    %and3A_28 = arith.andi %ne3A_27, %ne3A_23 : i1
    %add3A_29 = arith.addi %rem3A_21, %select_n3A_20 : i32
    %select_n3A_30 = arith.select %and3A_28, %add3A_29, %rem3A_21 : i32
    %mul3A_31 = arith.constant 8 : i32
    %mul3A_32 = arith.muli %select_n3A, %mul3A_31 : i32
    %multiple_of3A = tpu.assume_multiple %mul3A_32, 8 : i32
    %mul3A_33 = arith.constant 1024 : i32
    %mul3A_34 = arith.muli %select_n3A_30, %mul3A_33 : i32
    "tpu.region"() ({
      %run_scoped3A = tpu.sem_alloc : memref<!tpu.dma_semaphore, #tpu.memory_space<semaphore_mem>>
      %dma_start3A_561 = tpu.memref_slice %arg3[%mul3A_34] : memref<4096xi32, #tpu.memory_space<hbm>> -> memref<1024xi32, #tpu.memory_space<hbm>>
      %dma_start3A_562 = tpu.memref_slice %arg3[%mul3A_34] : memref<4096xi32, #tpu.memory_space<hbm>> -> memref<1024xi32, #tpu.memory_space<hbm>>
      tpu.enqueue_dma source(%dma_start3A_562 : memref<1024xi32, #tpu.memory_space<hbm>>) target(%arg5 : memref<1024xi32, #tpu.memory_space<vmem>>) target_semaphore(%run_scoped3A : memref<!tpu.dma_semaphore, #tpu.memory_space<semaphore_mem>>)
      %dma_wait3A = tpu.memref_slice %arg3[%mul3A_34] : memref<4096xi32, #tpu.memory_space<hbm>> -> memref<1024xi32, #tpu.memory_space<hbm>>
      %dma_wait3A_563 = tpu.memref_slice %arg3[%mul3A_34] : memref<4096xi32, #tpu.memory_space<hbm>> -> memref<1024xi32, #tpu.memory_space<hbm>>
      tpu.wait_dma2 semaphore(%run_scoped3A : memref<!tpu.dma_semaphore, #tpu.memory_space<semaphore_mem>>) src(%dma_wait3A_563 : memref<1024xi32, #tpu.memory_space<hbm>>) dst(%arg5 : memref<1024xi32, #tpu.memory_space<vmem>>)
      tpu.yield
    }) : () -> ()
    %iota3A = tpu.iota {dimensions = array<i32: 0>} : vector<16xi32>
    %jit3A_35 = arith.constant 8 : i32
    %eq3A_36 = arith.constant 0 : i32
    %eq3A_37 = arith.cmpi eq, %jit3A_35, %eq3A_36 : i32
    %jit3A_38 = arith.constant 1 : i32
    %select_n3A_39 = arith.select %eq3A_37, %jit3A_38, %jit3A_35 : i32
    %rem3A_40 = vector.broadcast %select_n3A_39 : i32 to vector<16xi32>
    %rem3A_41 = arith.remsi %iota3A, %rem3A_40 : vector<16xi32>
    %ne3A_42 = arith.constant 0 : i32
    %ne3A_43 = vector.broadcast %ne3A_42 : i32 to vector<16xi32>
    %ne3A_44 = arith.cmpi ne, %rem3A_41, %ne3A_43 : vector<16xi32>
    %lt3A_45 = arith.constant 0 : i32
    %lt3A_46 = vector.broadcast %lt3A_45 : i32 to vector<16xi32>
    %lt3A_47 = arith.cmpi slt, %rem3A_41, %lt3A_46 : vector<16xi32>
    %lt3A_48 = arith.constant 0 : i32
    %lt3A_49 = arith.cmpi slt, %select_n3A_39, %lt3A_48 : i32
    %ne3A_50 = vector.broadcast %lt3A_49 : i1 to vector<16xi1>
    %ne3A_51 = vector.broadcast %ne3A_50 : vector<16xi1> to vector<16xi1>
    %ne3A_52 = arith.xori %lt3A_47, %ne3A_51 : vector<16xi1>
    %and3A_53 = arith.andi %ne3A_52, %ne3A_44 : vector<16xi1>
    %add3A_54 = vector.broadcast %select_n3A_39 : i32 to vector<16xi32>
    %add3A_55 = arith.addi %rem3A_41, %add3A_54 : vector<16xi32>
    %select_n3A_56 = arith.select %and3A_53, %add3A_55, %rem3A_41 : vector<16xi1>, vector<16xi32>
    %lt3A_57 = arith.constant 8 : i32
    %lt3A_58 = vector.broadcast %lt3A_57 : i32 to vector<16xi32>
    %lt3A_59 = arith.cmpi slt, %iota3A, %lt3A_58 : vector<16xi32>
    %get3A = arith.constant 0 : index
    %get3A_60 = tpu.vector_load %arg5[%get3A] {strides = array<i32>} : memref<1024xi32, #tpu.memory_space<vmem>>, vector<16xi32>,
    %slice3A = vector.extract_strided_slice %get3A_60 {offsets = [0], sizes = [1], strides = [1]} : vector<16xi32> to vector<1xi32>
    %squeeze3A = vector.extract %slice3A[0] : i32 from vector<1xi32>
    %jit3A_61 = arith.constant 128 : i32
    %div3A_62 = arith.divsi %squeeze3A, %jit3A_61 : i32
    %sign3A_63 = arith.constant 0 : i32
    %sign3A_64 = arith.cmpi sgt, %squeeze3A, %sign3A_63 : i32
    %sign3A_65 = arith.extui %sign3A_64 : i1 to i32
    %sign3A_66 = arith.constant 0 : i32
    %sign3A_67 = arith.cmpi slt, %squeeze3A, %sign3A_66 : i32
    %sign3A_68 = arith.extui %sign3A_67 : i1 to i32
    %sign3A_69 = arith.subi %sign3A_65, %sign3A_68 : i32
    %sign3A_70 = arith.constant 0 : i32
    %sign3A_71 = arith.cmpi sgt, %jit3A_61, %sign3A_70 : i32
    %sign3A_72 = arith.extui %sign3A_71 : i1 to i32
    %sign3A_73 = arith.constant 0 : i32
    %sign3A_74 = arith.cmpi slt, %jit3A_61, %sign3A_73 : i32
    %sign3A_75 = arith.extui %sign3A_74 : i1 to i32
    %sign3A_76 = arith.subi %sign3A_72, %sign3A_75 : i32
    %ne3A_77 = arith.cmpi ne, %sign3A_69, %sign3A_76 : i32
    %rem3A_78 = arith.remsi %squeeze3A, %jit3A_61 : i32
    %ne3A_79 = arith.constant 0 : i32
    %ne3A_80 = arith.cmpi ne, %rem3A_78, %ne3A_79 : i32
    %and3A_81 = arith.andi %ne3A_77, %ne3A_80 : i1
    %sub3A_82 = arith.constant 1 : i32
    %sub3A_83 = arith.subi %div3A_62, %sub3A_82 : i32
    %select_n3A_84 = arith.select %and3A_81, %sub3A_83, %div3A_62 : i32
    %mul3A_85 = arith.constant 128 : i32
    %mul3A_86 = arith.muli %select_n3A_84, %mul3A_85 : i32
    %multiple_of3A_87 = tpu.assume_multiple %mul3A_86, 128 : i32
    %dma_start3A = tpu.memref_slice %arg2[%multiple_of3A, %multiple_of3A_87] : memref<64x1000000xf32, #tpu.memory_space<hbm>> -> memref<8x128xf32, #tpu.memory_space<hbm>>
    %dma_start3A_88 = tpu.memref_slice %arg2[%multiple_of3A, %multiple_of3A_87] : memref<64x1000000xf32, #tpu.memory_space<hbm>> -> memref<8x128xf32, #tpu.memory_space<hbm>>
    tpu.enqueue_dma source(%dma_start3A_88 : memref<8x128xf32, #tpu.memory_space<hbm>>) target(%arg7 : memref<8x128xf32, #tpu.memory_space<vmem>>) target_semaphore(%arg23 : memref<!tpu.dma_semaphore, #tpu.memory_space<semaphore_mem>>)
    %slice3A_89 = vector.extract_strided_slice %get3A_60 {offsets = [1], sizes = [1], strides = [1]} : vector<16xi32> to vector<1xi32>
    %squeeze3A_90 = vector.extract %slice3A_89[0] : i32 from vector<1xi32>
    %jit3A_91 = arith.constant 128 : i32
    %div3A_92 = arith.divsi %squeeze3A_90, %jit3A_91 : i32
    %sign3A_93 = arith.constant 0 : i32
    %sign3A_94 = arith.cmpi sgt, %squeeze3A_90, %sign3A_93 : i32
    %sign3A_95 = arith.extui %sign3A_94 : i1 to i32
    %sign3A_96 = arith.constant 0 : i32
    %sign3A_97 = arith.cmpi slt, %squeeze3A_90, %sign3A_96 : i32
    %sign3A_98 = arith.extui %sign3A_97 : i1 to i32
    %sign3A_99 = arith.subi %sign3A_95, %sign3A_98 : i32
    %sign3A_100 = arith.constant 0 : i32
    %sign3A_101 = arith.cmpi sgt, %jit3A_91, %sign3A_100 : i32
    %sign3A_102 = arith.extui %sign3A_101 : i1 to i32
    %sign3A_103 = arith.constant 0 : i32
    %sign3A_104 = arith.cmpi slt, %jit3A_91, %sign3A_103 : i32
    %sign3A_105 = arith.extui %sign3A_104 : i1 to i32
    %sign3A_106 = arith.subi %sign3A_102, %sign3A_105 : i32
    %ne3A_107 = arith.cmpi ne, %sign3A_99, %sign3A_106 : i32
    %rem3A_108 = arith.remsi %squeeze3A_90, %jit3A_91 : i32
    %ne3A_109 = arith.constant 0 : i32
    %ne3A_110 = arith.cmpi ne, %rem3A_108, %ne3A_109 : i32
    %and3A_111 = arith.andi %ne3A_107, %ne3A_110 : i1
    %sub3A_112 = arith.constant 1 : i32
    %sub3A_113 = arith.subi %div3A_92, %sub3A_112 : i32
    %select_n3A_114 = arith.select %and3A_111, %sub3A_113, %div3A_92 : i32
    %mul3A_115 = arith.constant 128 : i32
    %mul3A_116 = arith.muli %select_n3A_114, %mul3A_115 : i32
    %multiple_of3A_117 = tpu.assume_multiple %mul3A_116, 128 : i32
    %dma_start3A_118 = tpu.memref_slice %arg2[%multiple_of3A, %multiple_of3A_117] : memref<64x1000000xf32, #tpu.memory_space<hbm>> -> memref<8x128xf32, #tpu.memory_space<hbm>>
    %dma_start3A_119 = tpu.memref_slice %arg2[%multiple_of3A, %multiple_of3A_117] : memref<64x1000000xf32, #tpu.memory_space<hbm>> -> memref<8x128xf32, #tpu.memory_space<hbm>>
    tpu.enqueue_dma source(%dma_start3A_119 : memref<8x128xf32, #tpu.memory_space<hbm>>) target(%arg8 : memref<8x128xf32, #tpu.memory_space<vmem>>) target_semaphore(%arg24 : memref<!tpu.dma_semaphore, #tpu.memory_space<semaphore_mem>>)
    %slice3A_120 = vector.extract_strided_slice %get3A_60 {offsets = [2], sizes = [1], strides = [1]} : vector<16xi32> to vector<1xi32>
    %squeeze3A_121 = vector.extract %slice3A_120[0] : i32 from vector<1xi32>
    %jit3A_122 = arith.constant 128 : i32
    %div3A_123 = arith.divsi %squeeze3A_121, %jit3A_122 : i32
    %sign3A_124 = arith.constant 0 : i32
    %sign3A_125 = arith.cmpi sgt, %squeeze3A_121, %sign3A_124 : i32
    %sign3A_126 = arith.extui %sign3A_125 : i1 to i32
    %sign3A_127 = arith.constant 0 : i32
    %sign3A_128 = arith.cmpi slt, %squeeze3A_121, %sign3A_127 : i32
    %sign3A_129 = arith.extui %sign3A_128 : i1 to i32
    %sign3A_130 = arith.subi %sign3A_126, %sign3A_129 : i32
    %sign3A_131 = arith.constant 0 : i32
    %sign3A_132 = arith.cmpi sgt, %jit3A_122, %sign3A_131 : i32
    %sign3A_133 = arith.extui %sign3A_132 : i1 to i32
    %sign3A_134 = arith.constant 0 : i32
    %sign3A_135 = arith.cmpi slt, %jit3A_122, %sign3A_134 : i32
    %sign3A_136 = arith.extui %sign3A_135 : i1 to i32
    %sign3A_137 = arith.subi %sign3A_133, %sign3A_136 : i32
    %ne3A_138 = arith.cmpi ne, %sign3A_130, %sign3A_137 : i32
    %rem3A_139 = arith.remsi %squeeze3A_121, %jit3A_122 : i32
    %ne3A_140 = arith.constant 0 : i32
    %ne3A_141 = arith.cmpi ne, %rem3A_139, %ne3A_140 : i32
    %and3A_142 = arith.andi %ne3A_138, %ne3A_141 : i1
    %sub3A_143 = arith.constant 1 : i32
    %sub3A_144 = arith.subi %div3A_123, %sub3A_143 : i32
    %select_n3A_145 = arith.select %and3A_142, %sub3A_144, %div3A_123 : i32
    %mul3A_146 = arith.constant 128 : i32
    %mul3A_147 = arith.muli %select_n3A_145, %mul3A_146 : i32
    %multiple_of3A_148 = tpu.assume_multiple %mul3A_147, 128 : i32
    %dma_start3A_149 = tpu.memref_slice %arg2[%multiple_of3A, %multiple_of3A_148] : memref<64x1000000xf32, #tpu.memory_space<hbm>> -> memref<8x128xf32, #tpu.memory_space<hbm>>
    %dma_start3A_150 = tpu.memref_slice %arg2[%multiple_of3A, %multiple_of3A_148] : memref<64x1000000xf32, #tpu.memory_space<hbm>> -> memref<8x128xf32, #tpu.memory_space<hbm>>
    tpu.enqueue_dma source(%dma_start3A_150 : memref<8x128xf32, #tpu.memory_space<hbm>>) target(%arg9 : memref<8x128xf32, #tpu.memory_space<vmem>>) target_semaphore(%arg25 : memref<!tpu.dma_semaphore, #tpu.memory_space<semaphore_mem>>)
    %slice3A_151 = vector.extract_strided_slice %get3A_60 {offsets = [3], sizes = [1], strides = [1]} : vector<16xi32> to vector<1xi32>
    %squeeze3A_152 = vector.extract %slice3A_151[0] : i32 from vector<1xi32>
    %jit3A_153 = arith.constant 128 : i32
    %div3A_154 = arith.divsi %squeeze3A_152, %jit3A_153 : i32
    %sign3A_155 = arith.constant 0 : i32
    %sign3A_156 = arith.cmpi sgt, %squeeze3A_152, %sign3A_155 : i32
    %sign3A_157 = arith.extui %sign3A_156 : i1 to i32
    %sign3A_158 = arith.constant 0 : i32
    %sign3A_159 = arith.cmpi slt, %squeeze3A_152, %sign3A_158 : i32
    %sign3A_160 = arith.extui %sign3A_159 : i1 to i32
    %sign3A_161 = arith.subi %sign3A_157, %sign3A_160 : i32
    %sign3A_162 = arith.constant 0 : i32
    %sign3A_163 = arith.cmpi sgt, %jit3A_153, %sign3A_162 : i32
    %sign3A_164 = arith.extui %sign3A_163 : i1 to i32
    %sign3A_165 = arith.constant 0 : i32
    %sign3A_166 = arith.cmpi slt, %jit3A_153, %sign3A_165 : i32
    %sign3A_167 = arith.extui %sign3A_166 : i1 to i32
    %sign3A_168 = arith.subi %sign3A_164, %sign3A_167 : i32
    %ne3A_169 = arith.cmpi ne, %sign3A_161, %sign3A_168 : i32
    %rem3A_170 = arith.remsi %squeeze3A_152, %jit3A_153 : i32
    %ne3A_171 = arith.constant 0 : i32
    %ne3A_172 = arith.cmpi ne, %rem3A_170, %ne3A_171 : i32
    %and3A_173 = arith.andi %ne3A_169, %ne3A_172 : i1
    %sub3A_174 = arith.constant 1 : i32
    %sub3A_175 = arith.subi %div3A_154, %sub3A_174 : i32
    %select_n3A_176 = arith.select %and3A_173, %sub3A_175, %div3A_154 : i32
    %mul3A_177 = arith.constant 128 : i32
    %mul3A_178 = arith.muli %select_n3A_176, %mul3A_177 : i32
    %multiple_of3A_179 = tpu.assume_multiple %mul3A_178, 128 : i32
    %dma_start3A_180 = tpu.memref_slice %arg2[%multiple_of3A, %multiple_of3A_179] : memref<64x1000000xf32, #tpu.memory_space<hbm>> -> memref<8x128xf32, #tpu.memory_space<hbm>>
    %dma_start3A_181 = tpu.memref_slice %arg2[%multiple_of3A, %multiple_of3A_179] : memref<64x1000000xf32, #tpu.memory_space<hbm>> -> memref<8x128xf32, #tpu.memory_space<hbm>>
    tpu.enqueue_dma source(%dma_start3A_181 : memref<8x128xf32, #tpu.memory_space<hbm>>) target(%arg10 : memref<8x128xf32, #tpu.memory_space<vmem>>) target_semaphore(%arg26 : memref<!tpu.dma_semaphore, #tpu.memory_space<semaphore_mem>>)
    %slice3A_182 = vector.extract_strided_slice %get3A_60 {offsets = [4], sizes = [1], strides = [1]} : vector<16xi32> to vector<1xi32>
    %squeeze3A_183 = vector.extract %slice3A_182[0] : i32 from vector<1xi32>
    %jit3A_184 = arith.constant 128 : i32
    %div3A_185 = arith.divsi %squeeze3A_183, %jit3A_184 : i32
    %sign3A_186 = arith.constant 0 : i32
    %sign3A_187 = arith.cmpi sgt, %squeeze3A_183, %sign3A_186 : i32
    %sign3A_188 = arith.extui %sign3A_187 : i1 to i32
    %sign3A_189 = arith.constant 0 : i32
    %sign3A_190 = arith.cmpi slt, %squeeze3A_183, %sign3A_189 : i32
    %sign3A_191 = arith.extui %sign3A_190 : i1 to i32
    %sign3A_192 = arith.subi %sign3A_188, %sign3A_191 : i32
    %sign3A_193 = arith.constant 0 : i32
    %sign3A_194 = arith.cmpi sgt, %jit3A_184, %sign3A_193 : i32
    %sign3A_195 = arith.extui %sign3A_194 : i1 to i32
    %sign3A_196 = arith.constant 0 : i32
    %sign3A_197 = arith.cmpi slt, %jit3A_184, %sign3A_196 : i32
    %sign3A_198 = arith.extui %sign3A_197 : i1 to i32
    %sign3A_199 = arith.subi %sign3A_195, %sign3A_198 : i32
    %ne3A_200 = arith.cmpi ne, %sign3A_192, %sign3A_199 : i32
    %rem3A_201 = arith.remsi %squeeze3A_183, %jit3A_184 : i32
    %ne3A_202 = arith.constant 0 : i32
    %ne3A_203 = arith.cmpi ne, %rem3A_201, %ne3A_202 : i32
    %and3A_204 = arith.andi %ne3A_200, %ne3A_203 : i1
    %sub3A_205 = arith.constant 1 : i32
    %sub3A_206 = arith.subi %div3A_185, %sub3A_205 : i32
    %select_n3A_207 = arith.select %and3A_204, %sub3A_206, %div3A_185 : i32
    %mul3A_208 = arith.constant 128 : i32
    %mul3A_209 = arith.muli %select_n3A_207, %mul3A_208 : i32
    %multiple_of3A_210 = tpu.assume_multiple %mul3A_209, 128 : i32
    %dma_start3A_211 = tpu.memref_slice %arg2[%multiple_of3A, %multiple_of3A_210] : memref<64x1000000xf32, #tpu.memory_space<hbm>> -> memref<8x128xf32, #tpu.memory_space<hbm>>
    %dma_start3A_212 = tpu.memref_slice %arg2[%multiple_of3A, %multiple_of3A_210] : memref<64x1000000xf32, #tpu.memory_space<hbm>> -> memref<8x128xf32, #tpu.memory_space<hbm>>
    tpu.enqueue_dma source(%dma_start3A_212 : memref<8x128xf32, #tpu.memory_space<hbm>>) target(%arg11 : memref<8x128xf32, #tpu.memory_space<vmem>>) target_semaphore(%arg27 : memref<!tpu.dma_semaphore, #tpu.memory_space<semaphore_mem>>)
    %slice3A_213 = vector.extract_strided_slice %get3A_60 {offsets = [5], sizes = [1], strides = [1]} : vector<16xi32> to vector<1xi32>
    %squeeze3A_214 = vector.extract %slice3A_213[0] : i32 from vector<1xi32>
    %jit3A_215 = arith.constant 128 : i32
    %div3A_216 = arith.divsi %squeeze3A_214, %jit3A_215 : i32
    %sign3A_217 = arith.constant 0 : i32
    %sign3A_218 = arith.cmpi sgt, %squeeze3A_214, %sign3A_217 : i32
    %sign3A_219 = arith.extui %sign3A_218 : i1 to i32
    %sign3A_220 = arith.constant 0 : i32
    %sign3A_221 = arith.cmpi slt, %squeeze3A_214, %sign3A_220 : i32
    %sign3A_222 = arith.extui %sign3A_221 : i1 to i32
    %sign3A_223 = arith.subi %sign3A_219, %sign3A_222 : i32
    %sign3A_224 = arith.constant 0 : i32
    %sign3A_225 = arith.cmpi sgt, %jit3A_215, %sign3A_224 : i32
    %sign3A_226 = arith.extui %sign3A_225 : i1 to i32
    %sign3A_227 = arith.constant 0 : i32
    %sign3A_228 = arith.cmpi slt, %jit3A_215, %sign3A_227 : i32
    %sign3A_229 = arith.extui %sign3A_228 : i1 to i32
    %sign3A_230 = arith.subi %sign3A_226, %sign3A_229 : i32
    %ne3A_231 = arith.cmpi ne, %sign3A_223, %sign3A_230 : i32
    %rem3A_232 = arith.remsi %squeeze3A_214, %jit3A_215 : i32
    %ne3A_233 = arith.constant 0 : i32
    %ne3A_234 = arith.cmpi ne, %rem3A_232, %ne3A_233 : i32
    %and3A_235 = arith.andi %ne3A_231, %ne3A_234 : i1
    %sub3A_236 = arith.constant 1 : i32
    %sub3A_237 = arith.subi %div3A_216, %sub3A_236 : i32
    %select_n3A_238 = arith.select %and3A_235, %sub3A_237, %div3A_216 : i32
    %mul3A_239 = arith.constant 128 : i32
    %mul3A_240 = arith.muli %select_n3A_238, %mul3A_239 : i32
    %multiple_of3A_241 = tpu.assume_multiple %mul3A_240, 128 : i32
    %dma_start3A_242 = tpu.memref_slice %arg2[%multiple_of3A, %multiple_of3A_241] : memref<64x1000000xf32, #tpu.memory_space<hbm>> -> memref<8x128xf32, #tpu.memory_space<hbm>>
    %dma_start3A_243 = tpu.memref_slice %arg2[%multiple_of3A, %multiple_of3A_241] : memref<64x1000000xf32, #tpu.memory_space<hbm>> -> memref<8x128xf32, #tpu.memory_space<hbm>>
    tpu.enqueue_dma source(%dma_start3A_243 : memref<8x128xf32, #tpu.memory_space<hbm>>) target(%arg12 : memref<8x128xf32, #tpu.memory_space<vmem>>) target_semaphore(%arg28 : memref<!tpu.dma_semaphore, #tpu.memory_space<semaphore_mem>>)
    %slice3A_244 = vector.extract_strided_slice %get3A_60 {offsets = [6], sizes = [1], strides = [1]} : vector<16xi32> to vector<1xi32>
    %squeeze3A_245 = vector.extract %slice3A_244[0] : i32 from vector<1xi32>
    %jit3A_246 = arith.constant 128 : i32
    %div3A_247 = arith.divsi %squeeze3A_245, %jit3A_246 : i32
    %sign3A_248 = arith.constant 0 : i32
    %sign3A_249 = arith.cmpi sgt, %squeeze3A_245, %sign3A_248 : i32
    %sign3A_250 = arith.extui %sign3A_249 : i1 to i32
    %sign3A_251 = arith.constant 0 : i32
    %sign3A_252 = arith.cmpi slt, %squeeze3A_245, %sign3A_251 : i32
    %sign3A_253 = arith.extui %sign3A_252 : i1 to i32
    %sign3A_254 = arith.subi %sign3A_250, %sign3A_253 : i32
    %sign3A_255 = arith.constant 0 : i32
    %sign3A_256 = arith.cmpi sgt, %jit3A_246, %sign3A_255 : i32
    %sign3A_257 = arith.extui %sign3A_256 : i1 to i32
    %sign3A_258 = arith.constant 0 : i32
    %sign3A_259 = arith.cmpi slt, %jit3A_246, %sign3A_258 : i32
    %sign3A_260 = arith.extui %sign3A_259 : i1 to i32
    %sign3A_261 = arith.subi %sign3A_257, %sign3A_260 : i32
    %ne3A_262 = arith.cmpi ne, %sign3A_254, %sign3A_261 : i32
    %rem3A_263 = arith.remsi %squeeze3A_245, %jit3A_246 : i32
    %ne3A_264 = arith.constant 0 : i32
    %ne3A_265 = arith.cmpi ne, %rem3A_263, %ne3A_264 : i32
    %and3A_266 = arith.andi %ne3A_262, %ne3A_265 : i1
    %sub3A_267 = arith.constant 1 : i32
    %sub3A_268 = arith.subi %div3A_247, %sub3A_267 : i32
    %select_n3A_269 = arith.select %and3A_266, %sub3A_268, %div3A_247 : i32
    %mul3A_270 = arith.constant 128 : i32
    %mul3A_271 = arith.muli %select_n3A_269, %mul3A_270 : i32
    %multiple_of3A_272 = tpu.assume_multiple %mul3A_271, 128 : i32
    %dma_start3A_273 = tpu.memref_slice %arg2[%multiple_of3A, %multiple_of3A_272] : memref<64x1000000xf32, #tpu.memory_space<hbm>> -> memref<8x128xf32, #tpu.memory_space<hbm>>
    %dma_start3A_274 = tpu.memref_slice %arg2[%multiple_of3A, %multiple_of3A_272] : memref<64x1000000xf32, #tpu.memory_space<hbm>> -> memref<8x128xf32, #tpu.memory_space<hbm>>
    tpu.enqueue_dma source(%dma_start3A_274 : memref<8x128xf32, #tpu.memory_space<hbm>>) target(%arg13 : memref<8x128xf32, #tpu.memory_space<vmem>>) target_semaphore(%arg29 : memref<!tpu.dma_semaphore, #tpu.memory_space<semaphore_mem>>)
    %slice3A_275 = vector.extract_strided_slice %get3A_60 {offsets = [7], sizes = [1], strides = [1]} : vector<16xi32> to vector<1xi32>
    %squeeze3A_276 = vector.extract %slice3A_275[0] : i32 from vector<1xi32>
    %jit3A_277 = arith.constant 128 : i32
    %div3A_278 = arith.divsi %squeeze3A_276, %jit3A_277 : i32
    %sign3A_279 = arith.constant 0 : i32
    %sign3A_280 = arith.cmpi sgt, %squeeze3A_276, %sign3A_279 : i32
    %sign3A_281 = arith.extui %sign3A_280 : i1 to i32
    %sign3A_282 = arith.constant 0 : i32
    %sign3A_283 = arith.cmpi slt, %squeeze3A_276, %sign3A_282 : i32
    %sign3A_284 = arith.extui %sign3A_283 : i1 to i32
    %sign3A_285 = arith.subi %sign3A_281, %sign3A_284 : i32
    %sign3A_286 = arith.constant 0 : i32
    %sign3A_287 = arith.cmpi sgt, %jit3A_277, %sign3A_286 : i32
    %sign3A_288 = arith.extui %sign3A_287 : i1 to i32
    %sign3A_289 = arith.constant 0 : i32
    %sign3A_290 = arith.cmpi slt, %jit3A_277, %sign3A_289 : i32
    %sign3A_291 = arith.extui %sign3A_290 : i1 to i32
    %sign3A_292 = arith.subi %sign3A_288, %sign3A_291 : i32
    %ne3A_293 = arith.cmpi ne, %sign3A_285, %sign3A_292 : i32
    %rem3A_294 = arith.remsi %squeeze3A_276, %jit3A_277 : i32
    %ne3A_295 = arith.constant 0 : i32
    %ne3A_296 = arith.cmpi ne, %rem3A_294, %ne3A_295 : i32
    %and3A_297 = arith.andi %ne3A_293, %ne3A_296 : i1
    %sub3A_298 = arith.constant 1 : i32
    %sub3A_299 = arith.subi %div3A_278, %sub3A_298 : i32
    %select_n3A_300 = arith.select %and3A_297, %sub3A_299, %div3A_278 : i32
    %mul3A_301 = arith.constant 128 : i32
    %mul3A_302 = arith.muli %select_n3A_300, %mul3A_301 : i32
    %multiple_of3A_303 = tpu.assume_multiple %mul3A_302, 128 : i32
    %dma_start3A_304 = tpu.memref_slice %arg2[%multiple_of3A, %multiple_of3A_303] : memref<64x1000000xf32, #tpu.memory_space<hbm>> -> memref<8x128xf32, #tpu.memory_space<hbm>>
    %dma_start3A_305 = tpu.memref_slice %arg2[%multiple_of3A, %multiple_of3A_303] : memref<64x1000000xf32, #tpu.memory_space<hbm>> -> memref<8x128xf32, #tpu.memory_space<hbm>>
    tpu.enqueue_dma source(%dma_start3A_305 : memref<8x128xf32, #tpu.memory_space<hbm>>) target(%arg14 : memref<8x128xf32, #tpu.memory_space<vmem>>) target_semaphore(%arg30 : memref<!tpu.dma_semaphore, #tpu.memory_space<semaphore_mem>>)
    %slice3A_306 = vector.extract_strided_slice %get3A_60 {offsets = [8], sizes = [1], strides = [1]} : vector<16xi32> to vector<1xi32>
    %squeeze3A_307 = vector.extract %slice3A_306[0] : i32 from vector<1xi32>
    %jit3A_308 = arith.constant 128 : i32
    %div3A_309 = arith.divsi %squeeze3A_307, %jit3A_308 : i32
    %sign3A_310 = arith.constant 0 : i32
    %sign3A_311 = arith.cmpi sgt, %squeeze3A_307, %sign3A_310 : i32
    %sign3A_312 = arith.extui %sign3A_311 : i1 to i32
    %sign3A_313 = arith.constant 0 : i32
    %sign3A_314 = arith.cmpi slt, %squeeze3A_307, %sign3A_313 : i32
    %sign3A_315 = arith.extui %sign3A_314 : i1 to i32
    %sign3A_316 = arith.subi %sign3A_312, %sign3A_315 : i32
    %sign3A_317 = arith.constant 0 : i32
    %sign3A_318 = arith.cmpi sgt, %jit3A_308, %sign3A_317 : i32
    %sign3A_319 = arith.extui %sign3A_318 : i1 to i32
    %sign3A_320 = arith.constant 0 : i32
    %sign3A_321 = arith.cmpi slt, %jit3A_308, %sign3A_320 : i32
    %sign3A_322 = arith.extui %sign3A_321 : i1 to i32
    %sign3A_323 = arith.subi %sign3A_319, %sign3A_322 : i32
    %ne3A_324 = arith.cmpi ne, %sign3A_316, %sign3A_323 : i32
    %rem3A_325 = arith.remsi %squeeze3A_307, %jit3A_308 : i32
    %ne3A_326 = arith.constant 0 : i32
    %ne3A_327 = arith.cmpi ne, %rem3A_325, %ne3A_326 : i32
    %and3A_328 = arith.andi %ne3A_324, %ne3A_327 : i1
    %sub3A_329 = arith.constant 1 : i32
    %sub3A_330 = arith.subi %div3A_309, %sub3A_329 : i32
    %select_n3A_331 = arith.select %and3A_328, %sub3A_330, %div3A_309 : i32
    %mul3A_332 = arith.constant 128 : i32
    %mul3A_333 = arith.muli %select_n3A_331, %mul3A_332 : i32
    %multiple_of3A_334 = tpu.assume_multiple %mul3A_333, 128 : i32
    %dma_start3A_335 = tpu.memref_slice %arg2[%multiple_of3A, %multiple_of3A_334] : memref<64x1000000xf32, #tpu.memory_space<hbm>> -> memref<8x128xf32, #tpu.memory_space<hbm>>
    %dma_start3A_336 = tpu.memref_slice %arg2[%multiple_of3A, %multiple_of3A_334] : memref<64x1000000xf32, #tpu.memory_space<hbm>> -> memref<8x128xf32, #tpu.memory_space<hbm>>
    tpu.enqueue_dma source(%dma_start3A_336 : memref<8x128xf32, #tpu.memory_space<hbm>>) target(%arg15 : memref<8x128xf32, #tpu.memory_space<vmem>>) target_semaphore(%arg31 : memref<!tpu.dma_semaphore, #tpu.memory_space<semaphore_mem>>)
    %slice3A_337 = vector.extract_strided_slice %get3A_60 {offsets = [9], sizes = [1], strides = [1]} : vector<16xi32> to vector<1xi32>
    %squeeze3A_338 = vector.extract %slice3A_337[0] : i32 from vector<1xi32>
    %jit3A_339 = arith.constant 128 : i32
    %div3A_340 = arith.divsi %squeeze3A_338, %jit3A_339 : i32
    %sign3A_341 = arith.constant 0 : i32
    %sign3A_342 = arith.cmpi sgt, %squeeze3A_338, %sign3A_341 : i32
    %sign3A_343 = arith.extui %sign3A_342 : i1 to i32
    %sign3A_344 = arith.constant 0 : i32
    %sign3A_345 = arith.cmpi slt, %squeeze3A_338, %sign3A_344 : i32
    %sign3A_346 = arith.extui %sign3A_345 : i1 to i32
    %sign3A_347 = arith.subi %sign3A_343, %sign3A_346 : i32
    %sign3A_348 = arith.constant 0 : i32
    %sign3A_349 = arith.cmpi sgt, %jit3A_339, %sign3A_348 : i32
    %sign3A_350 = arith.extui %sign3A_349 : i1 to i32
    %sign3A_351 = arith.constant 0 : i32
    %sign3A_352 = arith.cmpi slt, %jit3A_339, %sign3A_351 : i32
    %sign3A_353 = arith.extui %sign3A_352 : i1 to i32
    %sign3A_354 = arith.subi %sign3A_350, %sign3A_353 : i32
    %ne3A_355 = arith.cmpi ne, %sign3A_347, %sign3A_354 : i32
    %rem3A_356 = arith.remsi %squeeze3A_338, %jit3A_339 : i32
    %ne3A_357 = arith.constant 0 : i32
    %ne3A_358 = arith.cmpi ne, %rem3A_356, %ne3A_357 : i32
    %and3A_359 = arith.andi %ne3A_355, %ne3A_358 : i1
    %sub3A_360 = arith.constant 1 : i32
    %sub3A_361 = arith.subi %div3A_340, %sub3A_360 : i32
    %select_n3A_362 = arith.select %and3A_359, %sub3A_361, %div3A_340 : i32
    %mul3A_363 = arith.constant 128 : i32
    %mul3A_364 = arith.muli %select_n3A_362, %mul3A_363 : i32
    %multiple_of3A_365 = tpu.assume_multiple %mul3A_364, 128 : i32
    %dma_start3A_366 = tpu.memref_slice %arg2[%multiple_of3A, %multiple_of3A_365] : memref<64x1000000xf32, #tpu.memory_space<hbm>> -> memref<8x128xf32, #tpu.memory_space<hbm>>
    %dma_start3A_367 = tpu.memref_slice %arg2[%multiple_of3A, %multiple_of3A_365] : memref<64x1000000xf32, #tpu.memory_space<hbm>> -> memref<8x128xf32, #tpu.memory_space<hbm>>
    tpu.enqueue_dma source(%dma_start3A_367 : memref<8x128xf32, #tpu.memory_space<hbm>>) target(%arg16 : memref<8x128xf32, #tpu.memory_space<vmem>>) target_semaphore(%arg32 : memref<!tpu.dma_semaphore, #tpu.memory_space<semaphore_mem>>)
    %slice3A_368 = vector.extract_strided_slice %get3A_60 {offsets = [10], sizes = [1], strides = [1]} : vector<16xi32> to vector<1xi32>
    %squeeze3A_369 = vector.extract %slice3A_368[0] : i32 from vector<1xi32>
    %jit3A_370 = arith.constant 128 : i32
    %div3A_371 = arith.divsi %squeeze3A_369, %jit3A_370 : i32
    %sign3A_372 = arith.constant 0 : i32
    %sign3A_373 = arith.cmpi sgt, %squeeze3A_369, %sign3A_372 : i32
    %sign3A_374 = arith.extui %sign3A_373 : i1 to i32
    %sign3A_375 = arith.constant 0 : i32
    %sign3A_376 = arith.cmpi slt, %squeeze3A_369, %sign3A_375 : i32
    %sign3A_377 = arith.extui %sign3A_376 : i1 to i32
    %sign3A_378 = arith.subi %sign3A_374, %sign3A_377 : i32
    %sign3A_379 = arith.constant 0 : i32
    %sign3A_380 = arith.cmpi sgt, %jit3A_370, %sign3A_379 : i32
    %sign3A_381 = arith.extui %sign3A_380 : i1 to i32
    %sign3A_382 = arith.constant 0 : i32
    %sign3A_383 = arith.cmpi slt, %jit3A_370, %sign3A_382 : i32
    %sign3A_384 = arith.extui %sign3A_383 : i1 to i32
    %sign3A_385 = arith.subi %sign3A_381, %sign3A_384 : i32
    %ne3A_386 = arith.cmpi ne, %sign3A_378, %sign3A_385 : i32
    %rem3A_387 = arith.remsi %squeeze3A_369, %jit3A_370 : i32
    %ne3A_388 = arith.constant 0 : i32
    %ne3A_389 = arith.cmpi ne, %rem3A_387, %ne3A_388 : i32
    %and3A_390 = arith.andi %ne3A_386, %ne3A_389 : i1
    %sub3A_391 = arith.constant 1 : i32
    %sub3A_392 = arith.subi %div3A_371, %sub3A_391 : i32
    %select_n3A_393 = arith.select %and3A_390, %sub3A_392, %div3A_371 : i32
    %mul3A_394 = arith.constant 128 : i32
    %mul3A_395 = arith.muli %select_n3A_393, %mul3A_394 : i32
    %multiple_of3A_396 = tpu.assume_multiple %mul3A_395, 128 : i32
    %dma_start3A_397 = tpu.memref_slice %arg2[%multiple_of3A, %multiple_of3A_396] : memref<64x1000000xf32, #tpu.memory_space<hbm>> -> memref<8x128xf32, #tpu.memory_space<hbm>>
    %dma_start3A_398 = tpu.memref_slice %arg2[%multiple_of3A, %multiple_of3A_396] : memref<64x1000000xf32, #tpu.memory_space<hbm>> -> memref<8x128xf32, #tpu.memory_space<hbm>>
    tpu.enqueue_dma source(%dma_start3A_398 : memref<8x128xf32, #tpu.memory_space<hbm>>) target(%arg17 : memref<8x128xf32, #tpu.memory_space<vmem>>) target_semaphore(%arg33 : memref<!tpu.dma_semaphore, #tpu.memory_space<semaphore_mem>>)
    %slice3A_399 = vector.extract_strided_slice %get3A_60 {offsets = [11], sizes = [1], strides = [1]} : vector<16xi32> to vector<1xi32>
    %squeeze3A_400 = vector.extract %slice3A_399[0] : i32 from vector<1xi32>
    %jit3A_401 = arith.constant 128 : i32
    %div3A_402 = arith.divsi %squeeze3A_400, %jit3A_401 : i32
    %sign3A_403 = arith.constant 0 : i32
    %sign3A_404 = arith.cmpi sgt, %squeeze3A_400, %sign3A_403 : i32
    %sign3A_405 = arith.extui %sign3A_404 : i1 to i32
    %sign3A_406 = arith.constant 0 : i32
    %sign3A_407 = arith.cmpi slt, %squeeze3A_400, %sign3A_406 : i32
    %sign3A_408 = arith.extui %sign3A_407 : i1 to i32
    %sign3A_409 = arith.subi %sign3A_405, %sign3A_408 : i32
    %sign3A_410 = arith.constant 0 : i32
    %sign3A_411 = arith.cmpi sgt, %jit3A_401, %sign3A_410 : i32
    %sign3A_412 = arith.extui %sign3A_411 : i1 to i32
    %sign3A_413 = arith.constant 0 : i32
    %sign3A_414 = arith.cmpi slt, %jit3A_401, %sign3A_413 : i32
    %sign3A_415 = arith.extui %sign3A_414 : i1 to i32
    %sign3A_416 = arith.subi %sign3A_412, %sign3A_415 : i32
    %ne3A_417 = arith.cmpi ne, %sign3A_409, %sign3A_416 : i32
    %rem3A_418 = arith.remsi %squeeze3A_400, %jit3A_401 : i32
    %ne3A_419 = arith.constant 0 : i32
    %ne3A_420 = arith.cmpi ne, %rem3A_418, %ne3A_419 : i32
    %and3A_421 = arith.andi %ne3A_417, %ne3A_420 : i1
    %sub3A_422 = arith.constant 1 : i32
    %sub3A_423 = arith.subi %div3A_402, %sub3A_422 : i32
    %select_n3A_424 = arith.select %and3A_421, %sub3A_423, %div3A_402 : i32
    %mul3A_425 = arith.constant 128 : i32
    %mul3A_426 = arith.muli %select_n3A_424, %mul3A_425 : i32
    %multiple_of3A_427 = tpu.assume_multiple %mul3A_426, 128 : i32
    %dma_start3A_428 = tpu.memref_slice %arg2[%multiple_of3A, %multiple_of3A_427] : memref<64x1000000xf32, #tpu.memory_space<hbm>> -> memref<8x128xf32, #tpu.memory_space<hbm>>
    %dma_start3A_429 = tpu.memref_slice %arg2[%multiple_of3A, %multiple_of3A_427] : memref<64x1000000xf32, #tpu.memory_space<hbm>> -> memref<8x128xf32, #tpu.memory_space<hbm>>
    tpu.enqueue_dma source(%dma_start3A_429 : memref<8x128xf32, #tpu.memory_space<hbm>>) target(%arg18 : memref<8x128xf32, #tpu.memory_space<vmem>>) target_semaphore(%arg34 : memref<!tpu.dma_semaphore, #tpu.memory_space<semaphore_mem>>)
    %slice3A_430 = vector.extract_strided_slice %get3A_60 {offsets = [12], sizes = [1], strides = [1]} : vector<16xi32> to vector<1xi32>
    %squeeze3A_431 = vector.extract %slice3A_430[0] : i32 from vector<1xi32>
    %jit3A_432 = arith.constant 128 : i32
    %div3A_433 = arith.divsi %squeeze3A_431, %jit3A_432 : i32
    %sign3A_434 = arith.constant 0 : i32
    %sign3A_435 = arith.cmpi sgt, %squeeze3A_431, %sign3A_434 : i32
    %sign3A_436 = arith.extui %sign3A_435 : i1 to i32
    %sign3A_437 = arith.constant 0 : i32
    %sign3A_438 = arith.cmpi slt, %squeeze3A_431, %sign3A_437 : i32
    %sign3A_439 = arith.extui %sign3A_438 : i1 to i32
    %sign3A_440 = arith.subi %sign3A_436, %sign3A_439 : i32
    %sign3A_441 = arith.constant 0 : i32
    %sign3A_442 = arith.cmpi sgt, %jit3A_432, %sign3A_441 : i32
    %sign3A_443 = arith.extui %sign3A_442 : i1 to i32
    %sign3A_444 = arith.constant 0 : i32
    %sign3A_445 = arith.cmpi slt, %jit3A_432, %sign3A_444 : i32
    %sign3A_446 = arith.extui %sign3A_445 : i1 to i32
    %sign3A_447 = arith.subi %sign3A_443, %sign3A_446 : i32
    %ne3A_448 = arith.cmpi ne, %sign3A_440, %sign3A_447 : i32
    %rem3A_449 = arith.remsi %squeeze3A_431, %jit3A_432 : i32
    %ne3A_450 = arith.constant 0 : i32
    %ne3A_451 = arith.cmpi ne, %rem3A_449, %ne3A_450 : i32
    %and3A_452 = arith.andi %ne3A_448, %ne3A_451 : i1
    %sub3A_453 = arith.constant 1 : i32
    %sub3A_454 = arith.subi %div3A_433, %sub3A_453 : i32
    %select_n3A_455 = arith.select %and3A_452, %sub3A_454, %div3A_433 : i32
    %mul3A_456 = arith.constant 128 : i32
    %mul3A_457 = arith.muli %select_n3A_455, %mul3A_456 : i32
    %multiple_of3A_458 = tpu.assume_multiple %mul3A_457, 128 : i32
    %dma_start3A_459 = tpu.memref_slice %arg2[%multiple_of3A, %multiple_of3A_458] : memref<64x1000000xf32, #tpu.memory_space<hbm>> -> memref<8x128xf32, #tpu.memory_space<hbm>>
    %dma_start3A_460 = tpu.memref_slice %arg2[%multiple_of3A, %multiple_of3A_458] : memref<64x1000000xf32, #tpu.memory_space<hbm>> -> memref<8x128xf32, #tpu.memory_space<hbm>>
    tpu.enqueue_dma source(%dma_start3A_460 : memref<8x128xf32, #tpu.memory_space<hbm>>) target(%arg19 : memref<8x128xf32, #tpu.memory_space<vmem>>) target_semaphore(%arg35 : memref<!tpu.dma_semaphore, #tpu.memory_space<semaphore_mem>>)
    %slice3A_461 = vector.extract_strided_slice %get3A_60 {offsets = [13], sizes = [1], strides = [1]} : vector<16xi32> to vector<1xi32>
    %squeeze3A_462 = vector.extract %slice3A_461[0] : i32 from vector<1xi32>
    %jit3A_463 = arith.constant 128 : i32
    %div3A_464 = arith.divsi %squeeze3A_462, %jit3A_463 : i32
    %sign3A_465 = arith.constant 0 : i32
    %sign3A_466 = arith.cmpi sgt, %squeeze3A_462, %sign3A_465 : i32
    %sign3A_467 = arith.extui %sign3A_466 : i1 to i32
    %sign3A_468 = arith.constant 0 : i32
    %sign3A_469 = arith.cmpi slt, %squeeze3A_462, %sign3A_468 : i32
    %sign3A_470 = arith.extui %sign3A_469 : i1 to i32
    %sign3A_471 = arith.subi %sign3A_467, %sign3A_470 : i32
    %sign3A_472 = arith.constant 0 : i32
    %sign3A_473 = arith.cmpi sgt, %jit3A_463, %sign3A_472 : i32
    %sign3A_474 = arith.extui %sign3A_473 : i1 to i32
    %sign3A_475 = arith.constant 0 : i32
    %sign3A_476 = arith.cmpi slt, %jit3A_463, %sign3A_475 : i32
    %sign3A_477 = arith.extui %sign3A_476 : i1 to i32
    %sign3A_478 = arith.subi %sign3A_474, %sign3A_477 : i32
    %ne3A_479 = arith.cmpi ne, %sign3A_471, %sign3A_478 : i32
    %rem3A_480 = arith.remsi %squeeze3A_462, %jit3A_463 : i32
    %ne3A_481 = arith.constant 0 : i32
    %ne3A_482 = arith.cmpi ne, %rem3A_480, %ne3A_481 : i32
    %and3A_483 = arith.andi %ne3A_479, %ne3A_482 : i1
    %sub3A_484 = arith.constant 1 : i32
    %sub3A_485 = arith.subi %div3A_464, %sub3A_484 : i32
    %select_n3A_486 = arith.select %and3A_483, %sub3A_485, %div3A_464 : i32
    %mul3A_487 = arith.constant 128 : i32
    %mul3A_488 = arith.muli %select_n3A_486, %mul3A_487 : i32
    %multiple_of3A_489 = tpu.assume_multiple %mul3A_488, 128 : i32
    %dma_start3A_490 = tpu.memref_slice %arg2[%multiple_of3A, %multiple_of3A_489] : memref<64x1000000xf32, #tpu.memory_space<hbm>> -> memref<8x128xf32, #tpu.memory_space<hbm>>
    %dma_start3A_491 = tpu.memref_slice %arg2[%multiple_of3A, %multiple_of3A_489] : memref<64x1000000xf32, #tpu.memory_space<hbm>> -> memref<8x128xf32, #tpu.memory_space<hbm>>
    tpu.enqueue_dma source(%dma_start3A_491 : memref<8x128xf32, #tpu.memory_space<hbm>>) target(%arg20 : memref<8x128xf32, #tpu.memory_space<vmem>>) target_semaphore(%arg36 : memref<!tpu.dma_semaphore, #tpu.memory_space<semaphore_mem>>)
    %slice3A_492 = vector.extract_strided_slice %get3A_60 {offsets = [14], sizes = [1], strides = [1]} : vector<16xi32> to vector<1xi32>
    %squeeze3A_493 = vector.extract %slice3A_492[0] : i32 from vector<1xi32>
    %jit3A_494 = arith.constant 128 : i32
    %div3A_495 = arith.divsi %squeeze3A_493, %jit3A_494 : i32
    %sign3A_496 = arith.constant 0 : i32
    %sign3A_497 = arith.cmpi sgt, %squeeze3A_493, %sign3A_496 : i32
    %sign3A_498 = arith.extui %sign3A_497 : i1 to i32
    %sign3A_499 = arith.constant 0 : i32
    %sign3A_500 = arith.cmpi slt, %squeeze3A_493, %sign3A_499 : i32
    %sign3A_501 = arith.extui %sign3A_500 : i1 to i32
    %sign3A_502 = arith.subi %sign3A_498, %sign3A_501 : i32
    %sign3A_503 = arith.constant 0 : i32
    %sign3A_504 = arith.cmpi sgt, %jit3A_494, %sign3A_503 : i32
    %sign3A_505 = arith.extui %sign3A_504 : i1 to i32
    %sign3A_506 = arith.constant 0 : i32
    %sign3A_507 = arith.cmpi slt, %jit3A_494, %sign3A_506 : i32
    %sign3A_508 = arith.extui %sign3A_507 : i1 to i32
    %sign3A_509 = arith.subi %sign3A_505, %sign3A_508 : i32
    %ne3A_510 = arith.cmpi ne, %sign3A_502, %sign3A_509 : i32
    %rem3A_511 = arith.remsi %squeeze3A_493, %jit3A_494 : i32
    %ne3A_512 = arith.constant 0 : i32
    %ne3A_513 = arith.cmpi ne, %rem3A_511, %ne3A_512 : i32
    %and3A_514 = arith.andi %ne3A_510, %ne3A_513 : i1
    %sub3A_515 = arith.constant 1 : i32
    %sub3A_516 = arith.subi %div3A_495, %sub3A_515 : i32
    %select_n3A_517 = arith.select %and3A_514, %sub3A_516, %div3A_495 : i32
    %mul3A_518 = arith.constant 128 : i32
    %mul3A_519 = arith.muli %select_n3A_517, %mul3A_518 : i32
    %multiple_of3A_520 = tpu.assume_multiple %mul3A_519, 128 : i32
    %dma_start3A_521 = tpu.memref_slice %arg2[%multiple_of3A, %multiple_of3A_520] : memref<64x1000000xf32, #tpu.memory_space<hbm>> -> memref<8x128xf32, #tpu.memory_space<hbm>>
    %dma_start3A_522 = tpu.memref_slice %arg2[%multiple_of3A, %multiple_of3A_520] : memref<64x1000000xf32, #tpu.memory_space<hbm>> -> memref<8x128xf32, #tpu.memory_space<hbm>>
    tpu.enqueue_dma source(%dma_start3A_522 : memref<8x128xf32, #tpu.memory_space<hbm>>) target(%arg21 : memref<8x128xf32, #tpu.memory_space<vmem>>) target_semaphore(%arg37 : memref<!tpu.dma_semaphore, #tpu.memory_space<semaphore_mem>>)
    %slice3A_523 = vector.extract_strided_slice %get3A_60 {offsets = [15], sizes = [1], strides = [1]} : vector<16xi32> to vector<1xi32>
    %squeeze3A_524 = vector.extract %slice3A_523[0] : i32 from vector<1xi32>
    %jit3A_525 = arith.constant 128 : i32
    %div3A_526 = arith.divsi %squeeze3A_524, %jit3A_525 : i32
    %sign3A_527 = arith.constant 0 : i32
    %sign3A_528 = arith.cmpi sgt, %squeeze3A_524, %sign3A_527 : i32
    %sign3A_529 = arith.extui %sign3A_528 : i1 to i32
    %sign3A_530 = arith.constant 0 : i32
    %sign3A_531 = arith.cmpi slt, %squeeze3A_524, %sign3A_530 : i32
    %sign3A_532 = arith.extui %sign3A_531 : i1 to i32
    %sign3A_533 = arith.subi %sign3A_529, %sign3A_532 : i32
    %sign3A_534 = arith.constant 0 : i32
    %sign3A_535 = arith.cmpi sgt, %jit3A_525, %sign3A_534 : i32
    %sign3A_536 = arith.extui %sign3A_535 : i1 to i32
    %sign3A_537 = arith.constant 0 : i32
    %sign3A_538 = arith.cmpi slt, %jit3A_525, %sign3A_537 : i32
    %sign3A_539 = arith.extui %sign3A_538 : i1 to i32
    %sign3A_540 = arith.subi %sign3A_536, %sign3A_539 : i32
    %ne3A_541 = arith.cmpi ne, %sign3A_533, %sign3A_540 : i32
    %rem3A_542 = arith.remsi %squeeze3A_524, %jit3A_525 : i32
    %ne3A_543 = arith.constant 0 : i32
    %ne3A_544 = arith.cmpi ne, %rem3A_542, %ne3A_543 : i32
    %and3A_545 = arith.andi %ne3A_541, %ne3A_544 : i1
    %sub3A_546 = arith.constant 1 : i32
    %sub3A_547 = arith.subi %div3A_526, %sub3A_546 : i32
    %select_n3A_548 = arith.select %and3A_545, %sub3A_547, %div3A_526 : i32
    %mul3A_549 = arith.constant 128 : i32
    %mul3A_550 = arith.muli %select_n3A_548, %mul3A_549 : i32
    %multiple_of3A_551 = tpu.assume_multiple %mul3A_550, 128 : i32
    %dma_start3A_552 = tpu.memref_slice %arg2[%multiple_of3A, %multiple_of3A_551] : memref<64x1000000xf32, #tpu.memory_space<hbm>> -> memref<8x128xf32, #tpu.memory_space<hbm>>
    %dma_start3A_553 = tpu.memref_slice %arg2[%multiple_of3A, %multiple_of3A_551] : memref<64x1000000xf32, #tpu.memory_space<hbm>> -> memref<8x128xf32, #tpu.memory_space<hbm>>
    tpu.enqueue_dma source(%dma_start3A_553 : memref<8x128xf32, #tpu.memory_space<hbm>>) target(%arg22 : memref<8x128xf32, #tpu.memory_space<vmem>>) target_semaphore(%arg38 : memref<!tpu.dma_semaphore, #tpu.memory_space<semaphore_mem>>)
    %scan3A = arith.constant 0 : i32
    %scan3A_554 = arith.constant 0 : i32
    %scan3A_555 = arith.constant 64 : i32
    %scan3A_556 = arith.addi %scan3A_554, %scan3A_555 : i32
    %scan3A_557 = arith.constant 1 : i32
    scf.for %scan3A_561 = %scan3A_554 to %scan3A_556 step %scan3A_557  : i32 {
      %mul3A_562 = arith.constant 16 : i32
      %mul3A_563 = arith.muli %scan3A_561, %mul3A_562 : i32
      %get3A_564 = arith.index_cast %mul3A_563 : i32 to index
      %get3A_565 = tpu.vector_load %arg5[%get3A_564] {strides = array<i32>} : memref<1024xi32, #tpu.memory_space<vmem>>, vector<16xi32>,
      %add3A_566 = arith.constant 1 : i32
      %add3A_567 = arith.addi %scan3A_561, %add3A_566 : i32
      %lt3A_568 = arith.constant 64 : i32
      %lt3A_569 = arith.cmpi slt, %add3A_567, %lt3A_568 : i32
      %add3A_570 = arith.constant 1 : i32
      %add3A_571 = arith.addi %scan3A_561, %add3A_570 : i32
      %mul3A_572 = arith.constant 16 : i32
      %mul3A_573 = arith.muli %add3A_571, %mul3A_572 : i32
      %jit3A_574 = arith.constant 0 : i32
      %select_n3A_575 = arith.select %lt3A_569, %mul3A_573, %jit3A_574 : i32
      %get3A_576 = arith.index_cast %select_n3A_575 : i32 to index
      %get3A_577 = tpu.vector_load %arg5[%get3A_576] {strides = array<i32>} : memref<1024xi32, #tpu.memory_space<vmem>>, vector<16xi32>,
      %dma_wait3A = tpu.memref_slice %arg2[%multiple_of3A, %multiple_of3A_87] : memref<64x1000000xf32, #tpu.memory_space<hbm>> -> memref<8x128xf32, #tpu.memory_space<hbm>>
      %dma_wait3A_578 = tpu.memref_slice %arg2[%multiple_of3A, %multiple_of3A_87] : memref<64x1000000xf32, #tpu.memory_space<hbm>> -> memref<8x128xf32, #tpu.memory_space<hbm>>
      tpu.wait_dma2 semaphore(%arg23 : memref<!tpu.dma_semaphore, #tpu.memory_space<semaphore_mem>>) src(%dma_wait3A_578 : memref<8x128xf32, #tpu.memory_space<hbm>>) dst(%arg7 : memref<8x128xf32, #tpu.memory_space<vmem>>)
      %slice3A_579 = vector.extract_strided_slice %get3A_565 {offsets = [0], sizes = [1], strides = [1]} : vector<16xi32> to vector<1xi32>
      %squeeze3A_580 = vector.extract %slice3A_579[0] : i32 from vector<1xi32>
      %jit3A_581 = arith.constant 128 : i32
      %eq3A_582 = arith.constant 0 : i32
      %eq3A_583 = arith.cmpi eq, %jit3A_581, %eq3A_582 : i32
      %jit3A_584 = arith.constant 1 : i32
      %select_n3A_585 = arith.select %eq3A_583, %jit3A_584, %jit3A_581 : i32
      %rem3A_586 = arith.remsi %squeeze3A_580, %select_n3A_585 : i32
      %ne3A_587 = arith.constant 0 : i32
      %ne3A_588 = arith.cmpi ne, %rem3A_586, %ne3A_587 : i32
      %lt3A_589 = arith.constant 0 : i32
      %lt3A_590 = arith.cmpi slt, %rem3A_586, %lt3A_589 : i32
      %lt3A_591 = arith.constant 0 : i32
      %lt3A_592 = arith.cmpi slt, %select_n3A_585, %lt3A_591 : i32
      %ne3A_593 = arith.xori %lt3A_590, %lt3A_592 : i1
      %and3A_594 = arith.andi %ne3A_593, %ne3A_588 : i1
      %add3A_595 = arith.addi %rem3A_586, %select_n3A_585 : i32
      %select_n3A_596 = arith.select %and3A_594, %add3A_595, %rem3A_586 : i32
      %broadcast_in_dim3A = vector.broadcast %select_n3A_596 : i32 to vector<16xi32>
      %gather3A = tpu.vector_load_idx %arg7[%select_n3A_56, %broadcast_in_dim3A] : memref<8x128xf32, #tpu.memory_space<vmem>>[vector<16xi32>, vector<16xi32>], vector<16xf32>,
      %add3A_597 = arith.constant 1 : i32
      %add3A_598 = arith.addi %scan3A_561, %add3A_597 : i32
      %lt3A_599 = arith.constant 64 : i32
      %lt3A_600 = arith.cmpi slt, %add3A_598, %lt3A_599 : i32
      %convert_element_type3A = arith.extui %lt3A_600 : i1 to i32
      %cond3A = arith.constant 0 : i32
      %cond3A_601 = arith.cmpi ne, %convert_element_type3A, %cond3A : i32
      scf.if %cond3A_601 {
        %slice3A_1117 = vector.extract_strided_slice %get3A_577 {offsets = [0], sizes = [1], strides = [1]} : vector<16xi32> to vector<1xi32>
        %squeeze3A_1118 = vector.extract %slice3A_1117[0] : i32 from vector<1xi32>
        %jit3A_1119 = arith.constant 128 : i32
        %div3A_1120 = arith.divsi %squeeze3A_1118, %jit3A_1119 : i32
        %sign3A_1121 = arith.constant 0 : i32
        %sign3A_1122 = arith.cmpi sgt, %squeeze3A_1118, %sign3A_1121 : i32
        %sign3A_1123 = arith.extui %sign3A_1122 : i1 to i32
        %sign3A_1124 = arith.constant 0 : i32
        %sign3A_1125 = arith.cmpi slt, %squeeze3A_1118, %sign3A_1124 : i32
        %sign3A_1126 = arith.extui %sign3A_1125 : i1 to i32
        %sign3A_1127 = arith.subi %sign3A_1123, %sign3A_1126 : i32
        %sign3A_1128 = arith.constant 0 : i32
        %sign3A_1129 = arith.cmpi sgt, %jit3A_1119, %sign3A_1128 : i32
        %sign3A_1130 = arith.extui %sign3A_1129 : i1 to i32
        %sign3A_1131 = arith.constant 0 : i32
        %sign3A_1132 = arith.cmpi slt, %jit3A_1119, %sign3A_1131 : i32
        %sign3A_1133 = arith.extui %sign3A_1132 : i1 to i32
        %sign3A_1134 = arith.subi %sign3A_1130, %sign3A_1133 : i32
        %ne3A_1135 = arith.cmpi ne, %sign3A_1127, %sign3A_1134 : i32
        %rem3A_1136 = arith.remsi %squeeze3A_1118, %jit3A_1119 : i32
        %ne3A_1137 = arith.constant 0 : i32
        %ne3A_1138 = arith.cmpi ne, %rem3A_1136, %ne3A_1137 : i32
        %and3A_1139 = arith.andi %ne3A_1135, %ne3A_1138 : i1
        %sub3A_1140 = arith.constant 1 : i32
        %sub3A_1141 = arith.subi %div3A_1120, %sub3A_1140 : i32
        %select_n3A_1142 = arith.select %and3A_1139, %sub3A_1141, %div3A_1120 : i32
        %mul3A_1143 = arith.constant 128 : i32
        %mul3A_1144 = arith.muli %select_n3A_1142, %mul3A_1143 : i32
        %multiple_of3A_1145 = tpu.assume_multiple %mul3A_1144, 128 : i32
        %dma_start3A_1146 = tpu.memref_slice %arg2[%multiple_of3A, %multiple_of3A_1145] : memref<64x1000000xf32, #tpu.memory_space<hbm>> -> memref<8x128xf32, #tpu.memory_space<hbm>>
        %dma_start3A_1147 = tpu.memref_slice %arg2[%multiple_of3A, %multiple_of3A_1145] : memref<64x1000000xf32, #tpu.memory_space<hbm>> -> memref<8x128xf32, #tpu.memory_space<hbm>>
        tpu.enqueue_dma source(%dma_start3A_1147 : memref<8x128xf32, #tpu.memory_space<hbm>>) target(%arg7 : memref<8x128xf32, #tpu.memory_space<vmem>>) target_semaphore(%arg23 : memref<!tpu.dma_semaphore, #tpu.memory_space<semaphore_mem>>)
      } else {
      }
      %mul3A_602 = arith.constant 16 : i32
      %mul3A_603 = arith.muli %scan3A_561, %mul3A_602 : i32
      %add3A_604 = arith.constant 0 : i32
      %add3A_605 = arith.addi %mul3A_603, %add3A_604 : i32
      %broadcast_in_dim3A_606 = vector.broadcast %add3A_605 : i32 to vector<16xi32>
      tpu.vector_store_idx %arg6[%select_n3A_56, %broadcast_in_dim3A_606], %gather3A masked %lt3A_59 : memref<8x1024xf32, #tpu.memory_space<vmem>>[vector<16xi32>, vector<16xi32>], vector<16xf32>, vector<16xi1>
      %dma_wait3A_607 = tpu.memref_slice %arg2[%multiple_of3A, %multiple_of3A_117] : memref<64x1000000xf32, #tpu.memory_space<hbm>> -> memref<8x128xf32, #tpu.memory_space<hbm>>
      %dma_wait3A_608 = tpu.memref_slice %arg2[%multiple_of3A, %multiple_of3A_117] : memref<64x1000000xf32, #tpu.memory_space<hbm>> -> memref<8x128xf32, #tpu.memory_space<hbm>>
      tpu.wait_dma2 semaphore(%arg24 : memref<!tpu.dma_semaphore, #tpu.memory_space<semaphore_mem>>) src(%dma_wait3A_608 : memref<8x128xf32, #tpu.memory_space<hbm>>) dst(%arg8 : memref<8x128xf32, #tpu.memory_space<vmem>>)
      %slice3A_609 = vector.extract_strided_slice %get3A_565 {offsets = [1], sizes = [1], strides = [1]} : vector<16xi32> to vector<1xi32>
      %squeeze3A_610 = vector.extract %slice3A_609[0] : i32 from vector<1xi32>
      %jit3A_611 = arith.constant 128 : i32
      %eq3A_612 = arith.constant 0 : i32
      %eq3A_613 = arith.cmpi eq, %jit3A_611, %eq3A_612 : i32
      %jit3A_614 = arith.constant 1 : i32
      %select_n3A_615 = arith.select %eq3A_613, %jit3A_614, %jit3A_611 : i32
      %rem3A_616 = arith.remsi %squeeze3A_610, %select_n3A_615 : i32
      %ne3A_617 = arith.constant 0 : i32
      %ne3A_618 = arith.cmpi ne, %rem3A_616, %ne3A_617 : i32
      %lt3A_619 = arith.constant 0 : i32
      %lt3A_620 = arith.cmpi slt, %rem3A_616, %lt3A_619 : i32
      %lt3A_621 = arith.constant 0 : i32
      %lt3A_622 = arith.cmpi slt, %select_n3A_615, %lt3A_621 : i32
      %ne3A_623 = arith.xori %lt3A_620, %lt3A_622 : i1
      %and3A_624 = arith.andi %ne3A_623, %ne3A_618 : i1
      %add3A_625 = arith.addi %rem3A_616, %select_n3A_615 : i32
      %select_n3A_626 = arith.select %and3A_624, %add3A_625, %rem3A_616 : i32
      %broadcast_in_dim3A_627 = vector.broadcast %select_n3A_626 : i32 to vector<16xi32>
      %gather3A_628 = tpu.vector_load_idx %arg8[%select_n3A_56, %broadcast_in_dim3A_627] : memref<8x128xf32, #tpu.memory_space<vmem>>[vector<16xi32>, vector<16xi32>], vector<16xf32>,
      %add3A_629 = arith.constant 1 : i32
      %add3A_630 = arith.addi %scan3A_561, %add3A_629 : i32
      %lt3A_631 = arith.constant 64 : i32
      %lt3A_632 = arith.cmpi slt, %add3A_630, %lt3A_631 : i32
      %convert_element_type3A_633 = arith.extui %lt3A_632 : i1 to i32
      %cond3A_634 = arith.constant 0 : i32
      %cond3A_635 = arith.cmpi ne, %convert_element_type3A_633, %cond3A_634 : i32
      scf.if %cond3A_635 {
        %slice3A_1117 = vector.extract_strided_slice %get3A_577 {offsets = [1], sizes = [1], strides = [1]} : vector<16xi32> to vector<1xi32>
        %squeeze3A_1118 = vector.extract %slice3A_1117[0] : i32 from vector<1xi32>
        %jit3A_1119 = arith.constant 128 : i32
        %div3A_1120 = arith.divsi %squeeze3A_1118, %jit3A_1119 : i32
        %sign3A_1121 = arith.constant 0 : i32
        %sign3A_1122 = arith.cmpi sgt, %squeeze3A_1118, %sign3A_1121 : i32
        %sign3A_1123 = arith.extui %sign3A_1122 : i1 to i32
        %sign3A_1124 = arith.constant 0 : i32
        %sign3A_1125 = arith.cmpi slt, %squeeze3A_1118, %sign3A_1124 : i32
        %sign3A_1126 = arith.extui %sign3A_1125 : i1 to i32
        %sign3A_1127 = arith.subi %sign3A_1123, %sign3A_1126 : i32
        %sign3A_1128 = arith.constant 0 : i32
        %sign3A_1129 = arith.cmpi sgt, %jit3A_1119, %sign3A_1128 : i32
        %sign3A_1130 = arith.extui %sign3A_1129 : i1 to i32
        %sign3A_1131 = arith.constant 0 : i32
        %sign3A_1132 = arith.cmpi slt, %jit3A_1119, %sign3A_1131 : i32
        %sign3A_1133 = arith.extui %sign3A_1132 : i1 to i32
        %sign3A_1134 = arith.subi %sign3A_1130, %sign3A_1133 : i32
        %ne3A_1135 = arith.cmpi ne, %sign3A_1127, %sign3A_1134 : i32
        %rem3A_1136 = arith.remsi %squeeze3A_1118, %jit3A_1119 : i32
        %ne3A_1137 = arith.constant 0 : i32
        %ne3A_1138 = arith.cmpi ne, %rem3A_1136, %ne3A_1137 : i32
        %and3A_1139 = arith.andi %ne3A_1135, %ne3A_1138 : i1
        %sub3A_1140 = arith.constant 1 : i32
        %sub3A_1141 = arith.subi %div3A_1120, %sub3A_1140 : i32
        %select_n3A_1142 = arith.select %and3A_1139, %sub3A_1141, %div3A_1120 : i32
        %mul3A_1143 = arith.constant 128 : i32
        %mul3A_1144 = arith.muli %select_n3A_1142, %mul3A_1143 : i32
        %multiple_of3A_1145 = tpu.assume_multiple %mul3A_1144, 128 : i32
        %dma_start3A_1146 = tpu.memref_slice %arg2[%multiple_of3A, %multiple_of3A_1145] : memref<64x1000000xf32, #tpu.memory_space<hbm>> -> memref<8x128xf32, #tpu.memory_space<hbm>>
        %dma_start3A_1147 = tpu.memref_slice %arg2[%multiple_of3A, %multiple_of3A_1145] : memref<64x1000000xf32, #tpu.memory_space<hbm>> -> memref<8x128xf32, #tpu.memory_space<hbm>>
        tpu.enqueue_dma source(%dma_start3A_1147 : memref<8x128xf32, #tpu.memory_space<hbm>>) target(%arg8 : memref<8x128xf32, #tpu.memory_space<vmem>>) target_semaphore(%arg24 : memref<!tpu.dma_semaphore, #tpu.memory_space<semaphore_mem>>)
      } else {
      }
      %mul3A_636 = arith.constant 16 : i32
      %mul3A_637 = arith.muli %scan3A_561, %mul3A_636 : i32
      %add3A_638 = arith.constant 1 : i32
      %add3A_639 = arith.addi %mul3A_637, %add3A_638 : i32
      %broadcast_in_dim3A_640 = vector.broadcast %add3A_639 : i32 to vector<16xi32>
      tpu.vector_store_idx %arg6[%select_n3A_56, %broadcast_in_dim3A_640], %gather3A_628 masked %lt3A_59 : memref<8x1024xf32, #tpu.memory_space<vmem>>[vector<16xi32>, vector<16xi32>], vector<16xf32>, vector<16xi1>
      %dma_wait3A_641 = tpu.memref_slice %arg2[%multiple_of3A, %multiple_of3A_148] : memref<64x1000000xf32, #tpu.memory_space<hbm>> -> memref<8x128xf32, #tpu.memory_space<hbm>>
      %dma_wait3A_642 = tpu.memref_slice %arg2[%multiple_of3A, %multiple_of3A_148] : memref<64x1000000xf32, #tpu.memory_space<hbm>> -> memref<8x128xf32, #tpu.memory_space<hbm>>
      tpu.wait_dma2 semaphore(%arg25 : memref<!tpu.dma_semaphore, #tpu.memory_space<semaphore_mem>>) src(%dma_wait3A_642 : memref<8x128xf32, #tpu.memory_space<hbm>>) dst(%arg9 : memref<8x128xf32, #tpu.memory_space<vmem>>)
      %slice3A_643 = vector.extract_strided_slice %get3A_565 {offsets = [2], sizes = [1], strides = [1]} : vector<16xi32> to vector<1xi32>
      %squeeze3A_644 = vector.extract %slice3A_643[0] : i32 from vector<1xi32>
      %jit3A_645 = arith.constant 128 : i32
      %eq3A_646 = arith.constant 0 : i32
      %eq3A_647 = arith.cmpi eq, %jit3A_645, %eq3A_646 : i32
      %jit3A_648 = arith.constant 1 : i32
      %select_n3A_649 = arith.select %eq3A_647, %jit3A_648, %jit3A_645 : i32
      %rem3A_650 = arith.remsi %squeeze3A_644, %select_n3A_649 : i32
      %ne3A_651 = arith.constant 0 : i32
      %ne3A_652 = arith.cmpi ne, %rem3A_650, %ne3A_651 : i32
      %lt3A_653 = arith.constant 0 : i32
      %lt3A_654 = arith.cmpi slt, %rem3A_650, %lt3A_653 : i32
      %lt3A_655 = arith.constant 0 : i32
      %lt3A_656 = arith.cmpi slt, %select_n3A_649, %lt3A_655 : i32
      %ne3A_657 = arith.xori %lt3A_654, %lt3A_656 : i1
      %and3A_658 = arith.andi %ne3A_657, %ne3A_652 : i1
      %add3A_659 = arith.addi %rem3A_650, %select_n3A_649 : i32
      %select_n3A_660 = arith.select %and3A_658, %add3A_659, %rem3A_650 : i32
      %broadcast_in_dim3A_661 = vector.broadcast %select_n3A_660 : i32 to vector<16xi32>
      %gather3A_662 = tpu.vector_load_idx %arg9[%select_n3A_56, %broadcast_in_dim3A_661] : memref<8x128xf32, #tpu.memory_space<vmem>>[vector<16xi32>, vector<16xi32>], vector<16xf32>,
      %add3A_663 = arith.constant 1 : i32
      %add3A_664 = arith.addi %scan3A_561, %add3A_663 : i32
      %lt3A_665 = arith.constant 64 : i32
      %lt3A_666 = arith.cmpi slt, %add3A_664, %lt3A_665 : i32
      %convert_element_type3A_667 = arith.extui %lt3A_666 : i1 to i32
      %cond3A_668 = arith.constant 0 : i32
      %cond3A_669 = arith.cmpi ne, %convert_element_type3A_667, %cond3A_668 : i32
      scf.if %cond3A_669 {
        %slice3A_1117 = vector.extract_strided_slice %get3A_577 {offsets = [2], sizes = [1], strides = [1]} : vector<16xi32> to vector<1xi32>
        %squeeze3A_1118 = vector.extract %slice3A_1117[0] : i32 from vector<1xi32>
        %jit3A_1119 = arith.constant 128 : i32
        %div3A_1120 = arith.divsi %squeeze3A_1118, %jit3A_1119 : i32
        %sign3A_1121 = arith.constant 0 : i32
        %sign3A_1122 = arith.cmpi sgt, %squeeze3A_1118, %sign3A_1121 : i32
        %sign3A_1123 = arith.extui %sign3A_1122 : i1 to i32
        %sign3A_1124 = arith.constant 0 : i32
        %sign3A_1125 = arith.cmpi slt, %squeeze3A_1118, %sign3A_1124 : i32
        %sign3A_1126 = arith.extui %sign3A_1125 : i1 to i32
        %sign3A_1127 = arith.subi %sign3A_1123, %sign3A_1126 : i32
        %sign3A_1128 = arith.constant 0 : i32
        %sign3A_1129 = arith.cmpi sgt, %jit3A_1119, %sign3A_1128 : i32
        %sign3A_1130 = arith.extui %sign3A_1129 : i1 to i32
        %sign3A_1131 = arith.constant 0 : i32
        %sign3A_1132 = arith.cmpi slt, %jit3A_1119, %sign3A_1131 : i32
        %sign3A_1133 = arith.extui %sign3A_1132 : i1 to i32
        %sign3A_1134 = arith.subi %sign3A_1130, %sign3A_1133 : i32
        %ne3A_1135 = arith.cmpi ne, %sign3A_1127, %sign3A_1134 : i32
        %rem3A_1136 = arith.remsi %squeeze3A_1118, %jit3A_1119 : i32
        %ne3A_1137 = arith.constant 0 : i32
        %ne3A_1138 = arith.cmpi ne, %rem3A_1136, %ne3A_1137 : i32
        %and3A_1139 = arith.andi %ne3A_1135, %ne3A_1138 : i1
        %sub3A_1140 = arith.constant 1 : i32
        %sub3A_1141 = arith.subi %div3A_1120, %sub3A_1140 : i32
        %select_n3A_1142 = arith.select %and3A_1139, %sub3A_1141, %div3A_1120 : i32
        %mul3A_1143 = arith.constant 128 : i32
        %mul3A_1144 = arith.muli %select_n3A_1142, %mul3A_1143 : i32
        %multiple_of3A_1145 = tpu.assume_multiple %mul3A_1144, 128 : i32
        %dma_start3A_1146 = tpu.memref_slice %arg2[%multiple_of3A, %multiple_of3A_1145] : memref<64x1000000xf32, #tpu.memory_space<hbm>> -> memref<8x128xf32, #tpu.memory_space<hbm>>
        %dma_start3A_1147 = tpu.memref_slice %arg2[%multiple_of3A, %multiple_of3A_1145] : memref<64x1000000xf32, #tpu.memory_space<hbm>> -> memref<8x128xf32, #tpu.memory_space<hbm>>
        tpu.enqueue_dma source(%dma_start3A_1147 : memref<8x128xf32, #tpu.memory_space<hbm>>) target(%arg9 : memref<8x128xf32, #tpu.memory_space<vmem>>) target_semaphore(%arg25 : memref<!tpu.dma_semaphore, #tpu.memory_space<semaphore_mem>>)
      } else {
      }
      %mul3A_670 = arith.constant 16 : i32
      %mul3A_671 = arith.muli %scan3A_561, %mul3A_670 : i32
      %add3A_672 = arith.constant 2 : i32
      %add3A_673 = arith.addi %mul3A_671, %add3A_672 : i32
      %broadcast_in_dim3A_674 = vector.broadcast %add3A_673 : i32 to vector<16xi32>
      tpu.vector_store_idx %arg6[%select_n3A_56, %broadcast_in_dim3A_674], %gather3A_662 masked %lt3A_59 : memref<8x1024xf32, #tpu.memory_space<vmem>>[vector<16xi32>, vector<16xi32>], vector<16xf32>, vector<16xi1>
      %dma_wait3A_675 = tpu.memref_slice %arg2[%multiple_of3A, %multiple_of3A_179] : memref<64x1000000xf32, #tpu.memory_space<hbm>> -> memref<8x128xf32, #tpu.memory_space<hbm>>
      %dma_wait3A_676 = tpu.memref_slice %arg2[%multiple_of3A, %multiple_of3A_179] : memref<64x1000000xf32, #tpu.memory_space<hbm>> -> memref<8x128xf32, #tpu.memory_space<hbm>>
      tpu.wait_dma2 semaphore(%arg26 : memref<!tpu.dma_semaphore, #tpu.memory_space<semaphore_mem>>) src(%dma_wait3A_676 : memref<8x128xf32, #tpu.memory_space<hbm>>) dst(%arg10 : memref<8x128xf32, #tpu.memory_space<vmem>>)
      %slice3A_677 = vector.extract_strided_slice %get3A_565 {offsets = [3], sizes = [1], strides = [1]} : vector<16xi32> to vector<1xi32>
      %squeeze3A_678 = vector.extract %slice3A_677[0] : i32 from vector<1xi32>
      %jit3A_679 = arith.constant 128 : i32
      %eq3A_680 = arith.constant 0 : i32
      %eq3A_681 = arith.cmpi eq, %jit3A_679, %eq3A_680 : i32
      %jit3A_682 = arith.constant 1 : i32
      %select_n3A_683 = arith.select %eq3A_681, %jit3A_682, %jit3A_679 : i32
      %rem3A_684 = arith.remsi %squeeze3A_678, %select_n3A_683 : i32
      %ne3A_685 = arith.constant 0 : i32
      %ne3A_686 = arith.cmpi ne, %rem3A_684, %ne3A_685 : i32
      %lt3A_687 = arith.constant 0 : i32
      %lt3A_688 = arith.cmpi slt, %rem3A_684, %lt3A_687 : i32
      %lt3A_689 = arith.constant 0 : i32
      %lt3A_690 = arith.cmpi slt, %select_n3A_683, %lt3A_689 : i32
      %ne3A_691 = arith.xori %lt3A_688, %lt3A_690 : i1
      %and3A_692 = arith.andi %ne3A_691, %ne3A_686 : i1
      %add3A_693 = arith.addi %rem3A_684, %select_n3A_683 : i32
      %select_n3A_694 = arith.select %and3A_692, %add3A_693, %rem3A_684 : i32
      %broadcast_in_dim3A_695 = vector.broadcast %select_n3A_694 : i32 to vector<16xi32>
      %gather3A_696 = tpu.vector_load_idx %arg10[%select_n3A_56, %broadcast_in_dim3A_695] : memref<8x128xf32, #tpu.memory_space<vmem>>[vector<16xi32>, vector<16xi32>], vector<16xf32>,
      %add3A_697 = arith.constant 1 : i32
      %add3A_698 = arith.addi %scan3A_561, %add3A_697 : i32
      %lt3A_699 = arith.constant 64 : i32
      %lt3A_700 = arith.cmpi slt, %add3A_698, %lt3A_699 : i32
      %convert_element_type3A_701 = arith.extui %lt3A_700 : i1 to i32
      %cond3A_702 = arith.constant 0 : i32
      %cond3A_703 = arith.cmpi ne, %convert_element_type3A_701, %cond3A_702 : i32
      scf.if %cond3A_703 {
        %slice3A_1117 = vector.extract_strided_slice %get3A_577 {offsets = [3], sizes = [1], strides = [1]} : vector<16xi32> to vector<1xi32>
        %squeeze3A_1118 = vector.extract %slice3A_1117[0] : i32 from vector<1xi32>
        %jit3A_1119 = arith.constant 128 : i32
        %div3A_1120 = arith.divsi %squeeze3A_1118, %jit3A_1119 : i32
        %sign3A_1121 = arith.constant 0 : i32
        %sign3A_1122 = arith.cmpi sgt, %squeeze3A_1118, %sign3A_1121 : i32
        %sign3A_1123 = arith.extui %sign3A_1122 : i1 to i32
        %sign3A_1124 = arith.constant 0 : i32
        %sign3A_1125 = arith.cmpi slt, %squeeze3A_1118, %sign3A_1124 : i32
        %sign3A_1126 = arith.extui %sign3A_1125 : i1 to i32
        %sign3A_1127 = arith.subi %sign3A_1123, %sign3A_1126 : i32
        %sign3A_1128 = arith.constant 0 : i32
        %sign3A_1129 = arith.cmpi sgt, %jit3A_1119, %sign3A_1128 : i32
        %sign3A_1130 = arith.extui %sign3A_1129 : i1 to i32
        %sign3A_1131 = arith.constant 0 : i32
        %sign3A_1132 = arith.cmpi slt, %jit3A_1119, %sign3A_1131 : i32
        %sign3A_1133 = arith.extui %sign3A_1132 : i1 to i32
        %sign3A_1134 = arith.subi %sign3A_1130, %sign3A_1133 : i32
        %ne3A_1135 = arith.cmpi ne, %sign3A_1127, %sign3A_1134 : i32
        %rem3A_1136 = arith.remsi %squeeze3A_1118, %jit3A_1119 : i32
        %ne3A_1137 = arith.constant 0 : i32
        %ne3A_1138 = arith.cmpi ne, %rem3A_1136, %ne3A_1137 : i32
        %and3A_1139 = arith.andi %ne3A_1135, %ne3A_1138 : i1
        %sub3A_1140 = arith.constant 1 : i32
        %sub3A_1141 = arith.subi %div3A_1120, %sub3A_1140 : i32
        %select_n3A_1142 = arith.select %and3A_1139, %sub3A_1141, %div3A_1120 : i32
        %mul3A_1143 = arith.constant 128 : i32
        %mul3A_1144 = arith.muli %select_n3A_1142, %mul3A_1143 : i32
        %multiple_of3A_1145 = tpu.assume_multiple %mul3A_1144, 128 : i32
        %dma_start3A_1146 = tpu.memref_slice %arg2[%multiple_of3A, %multiple_of3A_1145] : memref<64x1000000xf32, #tpu.memory_space<hbm>> -> memref<8x128xf32, #tpu.memory_space<hbm>>
        %dma_start3A_1147 = tpu.memref_slice %arg2[%multiple_of3A, %multiple_of3A_1145] : memref<64x1000000xf32, #tpu.memory_space<hbm>> -> memref<8x128xf32, #tpu.memory_space<hbm>>
        tpu.enqueue_dma source(%dma_start3A_1147 : memref<8x128xf32, #tpu.memory_space<hbm>>) target(%arg10 : memref<8x128xf32, #tpu.memory_space<vmem>>) target_semaphore(%arg26 : memref<!tpu.dma_semaphore, #tpu.memory_space<semaphore_mem>>)
      } else {
      }
      %mul3A_704 = arith.constant 16 : i32
      %mul3A_705 = arith.muli %scan3A_561, %mul3A_704 : i32
      %add3A_706 = arith.constant 3 : i32
      %add3A_707 = arith.addi %mul3A_705, %add3A_706 : i32
      %broadcast_in_dim3A_708 = vector.broadcast %add3A_707 : i32 to vector<16xi32>
      tpu.vector_store_idx %arg6[%select_n3A_56, %broadcast_in_dim3A_708], %gather3A_696 masked %lt3A_59 : memref<8x1024xf32, #tpu.memory_space<vmem>>[vector<16xi32>, vector<16xi32>], vector<16xf32>, vector<16xi1>
      %dma_wait3A_709 = tpu.memref_slice %arg2[%multiple_of3A, %multiple_of3A_210] : memref<64x1000000xf32, #tpu.memory_space<hbm>> -> memref<8x128xf32, #tpu.memory_space<hbm>>
      %dma_wait3A_710 = tpu.memref_slice %arg2[%multiple_of3A, %multiple_of3A_210] : memref<64x1000000xf32, #tpu.memory_space<hbm>> -> memref<8x128xf32, #tpu.memory_space<hbm>>
      tpu.wait_dma2 semaphore(%arg27 : memref<!tpu.dma_semaphore, #tpu.memory_space<semaphore_mem>>) src(%dma_wait3A_710 : memref<8x128xf32, #tpu.memory_space<hbm>>) dst(%arg11 : memref<8x128xf32, #tpu.memory_space<vmem>>)
      %slice3A_711 = vector.extract_strided_slice %get3A_565 {offsets = [4], sizes = [1], strides = [1]} : vector<16xi32> to vector<1xi32>
      %squeeze3A_712 = vector.extract %slice3A_711[0] : i32 from vector<1xi32>
      %jit3A_713 = arith.constant 128 : i32
      %eq3A_714 = arith.constant 0 : i32
      %eq3A_715 = arith.cmpi eq, %jit3A_713, %eq3A_714 : i32
      %jit3A_716 = arith.constant 1 : i32
      %select_n3A_717 = arith.select %eq3A_715, %jit3A_716, %jit3A_713 : i32
      %rem3A_718 = arith.remsi %squeeze3A_712, %select_n3A_717 : i32
      %ne3A_719 = arith.constant 0 : i32
      %ne3A_720 = arith.cmpi ne, %rem3A_718, %ne3A_719 : i32
      %lt3A_721 = arith.constant 0 : i32
      %lt3A_722 = arith.cmpi slt, %rem3A_718, %lt3A_721 : i32
      %lt3A_723 = arith.constant 0 : i32
      %lt3A_724 = arith.cmpi slt, %select_n3A_717, %lt3A_723 : i32
      %ne3A_725 = arith.xori %lt3A_722, %lt3A_724 : i1
      %and3A_726 = arith.andi %ne3A_725, %ne3A_720 : i1
      %add3A_727 = arith.addi %rem3A_718, %select_n3A_717 : i32
      %select_n3A_728 = arith.select %and3A_726, %add3A_727, %rem3A_718 : i32
      %broadcast_in_dim3A_729 = vector.broadcast %select_n3A_728 : i32 to vector<16xi32>
      %gather3A_730 = tpu.vector_load_idx %arg11[%select_n3A_56, %broadcast_in_dim3A_729] : memref<8x128xf32, #tpu.memory_space<vmem>>[vector<16xi32>, vector<16xi32>], vector<16xf32>,
      %add3A_731 = arith.constant 1 : i32
      %add3A_732 = arith.addi %scan3A_561, %add3A_731 : i32
      %lt3A_733 = arith.constant 64 : i32
      %lt3A_734 = arith.cmpi slt, %add3A_732, %lt3A_733 : i32
      %convert_element_type3A_735 = arith.extui %lt3A_734 : i1 to i32
      %cond3A_736 = arith.constant 0 : i32
      %cond3A_737 = arith.cmpi ne, %convert_element_type3A_735, %cond3A_736 : i32
      scf.if %cond3A_737 {
        %slice3A_1117 = vector.extract_strided_slice %get3A_577 {offsets = [4], sizes = [1], strides = [1]} : vector<16xi32> to vector<1xi32>
        %squeeze3A_1118 = vector.extract %slice3A_1117[0] : i32 from vector<1xi32>
        %jit3A_1119 = arith.constant 128 : i32
        %div3A_1120 = arith.divsi %squeeze3A_1118, %jit3A_1119 : i32
        %sign3A_1121 = arith.constant 0 : i32
        %sign3A_1122 = arith.cmpi sgt, %squeeze3A_1118, %sign3A_1121 : i32
        %sign3A_1123 = arith.extui %sign3A_1122 : i1 to i32
        %sign3A_1124 = arith.constant 0 : i32
        %sign3A_1125 = arith.cmpi slt, %squeeze3A_1118, %sign3A_1124 : i32
        %sign3A_1126 = arith.extui %sign3A_1125 : i1 to i32
        %sign3A_1127 = arith.subi %sign3A_1123, %sign3A_1126 : i32
        %sign3A_1128 = arith.constant 0 : i32
        %sign3A_1129 = arith.cmpi sgt, %jit3A_1119, %sign3A_1128 : i32
        %sign3A_1130 = arith.extui %sign3A_1129 : i1 to i32
        %sign3A_1131 = arith.constant 0 : i32
        %sign3A_1132 = arith.cmpi slt, %jit3A_1119, %sign3A_1131 : i32
        %sign3A_1133 = arith.extui %sign3A_1132 : i1 to i32
        %sign3A_1134 = arith.subi %sign3A_1130, %sign3A_1133 : i32
        %ne3A_1135 = arith.cmpi ne, %sign3A_1127, %sign3A_1134 : i32
        %rem3A_1136 = arith.remsi %squeeze3A_1118, %jit3A_1119 : i32
        %ne3A_1137 = arith.constant 0 : i32
        %ne3A_1138 = arith.cmpi ne, %rem3A_1136, %ne3A_1137 : i32
        %and3A_1139 = arith.andi %ne3A_1135, %ne3A_1138 : i1
        %sub3A_1140 = arith.constant 1 : i32
        %sub3A_1141 = arith.subi %div3A_1120, %sub3A_1140 : i32
        %select_n3A_1142 = arith.select %and3A_1139, %sub3A_1141, %div3A_1120 : i32
        %mul3A_1143 = arith.constant 128 : i32
        %mul3A_1144 = arith.muli %select_n3A_1142, %mul3A_1143 : i32
        %multiple_of3A_1145 = tpu.assume_multiple %mul3A_1144, 128 : i32
        %dma_start3A_1146 = tpu.memref_slice %arg2[%multiple_of3A, %multiple_of3A_1145] : memref<64x1000000xf32, #tpu.memory_space<hbm>> -> memref<8x128xf32, #tpu.memory_space<hbm>>
        %dma_start3A_1147 = tpu.memref_slice %arg2[%multiple_of3A, %multiple_of3A_1145] : memref<64x1000000xf32, #tpu.memory_space<hbm>> -> memref<8x128xf32, #tpu.memory_space<hbm>>
        tpu.enqueue_dma source(%dma_start3A_1147 : memref<8x128xf32, #tpu.memory_space<hbm>>) target(%arg11 : memref<8x128xf32, #tpu.memory_space<vmem>>) target_semaphore(%arg27 : memref<!tpu.dma_semaphore, #tpu.memory_space<semaphore_mem>>)
      } else {
      }
      %mul3A_738 = arith.constant 16 : i32
      %mul3A_739 = arith.muli %scan3A_561, %mul3A_738 : i32
      %add3A_740 = arith.constant 4 : i32
      %add3A_741 = arith.addi %mul3A_739, %add3A_740 : i32
      %broadcast_in_dim3A_742 = vector.broadcast %add3A_741 : i32 to vector<16xi32>
      tpu.vector_store_idx %arg6[%select_n3A_56, %broadcast_in_dim3A_742], %gather3A_730 masked %lt3A_59 : memref<8x1024xf32, #tpu.memory_space<vmem>>[vector<16xi32>, vector<16xi32>], vector<16xf32>, vector<16xi1>
      %dma_wait3A_743 = tpu.memref_slice %arg2[%multiple_of3A, %multiple_of3A_241] : memref<64x1000000xf32, #tpu.memory_space<hbm>> -> memref<8x128xf32, #tpu.memory_space<hbm>>
      %dma_wait3A_744 = tpu.memref_slice %arg2[%multiple_of3A, %multiple_of3A_241] : memref<64x1000000xf32, #tpu.memory_space<hbm>> -> memref<8x128xf32, #tpu.memory_space<hbm>>
      tpu.wait_dma2 semaphore(%arg28 : memref<!tpu.dma_semaphore, #tpu.memory_space<semaphore_mem>>) src(%dma_wait3A_744 : memref<8x128xf32, #tpu.memory_space<hbm>>) dst(%arg12 : memref<8x128xf32, #tpu.memory_space<vmem>>)
      %slice3A_745 = vector.extract_strided_slice %get3A_565 {offsets = [5], sizes = [1], strides = [1]} : vector<16xi32> to vector<1xi32>
      %squeeze3A_746 = vector.extract %slice3A_745[0] : i32 from vector<1xi32>
      %jit3A_747 = arith.constant 128 : i32
      %eq3A_748 = arith.constant 0 : i32
      %eq3A_749 = arith.cmpi eq, %jit3A_747, %eq3A_748 : i32
      %jit3A_750 = arith.constant 1 : i32
      %select_n3A_751 = arith.select %eq3A_749, %jit3A_750, %jit3A_747 : i32
      %rem3A_752 = arith.remsi %squeeze3A_746, %select_n3A_751 : i32
      %ne3A_753 = arith.constant 0 : i32
      %ne3A_754 = arith.cmpi ne, %rem3A_752, %ne3A_753 : i32
      %lt3A_755 = arith.constant 0 : i32
      %lt3A_756 = arith.cmpi slt, %rem3A_752, %lt3A_755 : i32
      %lt3A_757 = arith.constant 0 : i32
      %lt3A_758 = arith.cmpi slt, %select_n3A_751, %lt3A_757 : i32
      %ne3A_759 = arith.xori %lt3A_756, %lt3A_758 : i1
      %and3A_760 = arith.andi %ne3A_759, %ne3A_754 : i1
      %add3A_761 = arith.addi %rem3A_752, %select_n3A_751 : i32
      %select_n3A_762 = arith.select %and3A_760, %add3A_761, %rem3A_752 : i32
      %broadcast_in_dim3A_763 = vector.broadcast %select_n3A_762 : i32 to vector<16xi32>
      %gather3A_764 = tpu.vector_load_idx %arg12[%select_n3A_56, %broadcast_in_dim3A_763] : memref<8x128xf32, #tpu.memory_space<vmem>>[vector<16xi32>, vector<16xi32>], vector<16xf32>,
      %add3A_765 = arith.constant 1 : i32
      %add3A_766 = arith.addi %scan3A_561, %add3A_765 : i32
      %lt3A_767 = arith.constant 64 : i32
      %lt3A_768 = arith.cmpi slt, %add3A_766, %lt3A_767 : i32
      %convert_element_type3A_769 = arith.extui %lt3A_768 : i1 to i32
      %cond3A_770 = arith.constant 0 : i32
      %cond3A_771 = arith.cmpi ne, %convert_element_type3A_769, %cond3A_770 : i32
      scf.if %cond3A_771 {
        %slice3A_1117 = vector.extract_strided_slice %get3A_577 {offsets = [5], sizes = [1], strides = [1]} : vector<16xi32> to vector<1xi32>
        %squeeze3A_1118 = vector.extract %slice3A_1117[0] : i32 from vector<1xi32>
        %jit3A_1119 = arith.constant 128 : i32
        %div3A_1120 = arith.divsi %squeeze3A_1118, %jit3A_1119 : i32
        %sign3A_1121 = arith.constant 0 : i32
        %sign3A_1122 = arith.cmpi sgt, %squeeze3A_1118, %sign3A_1121 : i32
        %sign3A_1123 = arith.extui %sign3A_1122 : i1 to i32
        %sign3A_1124 = arith.constant 0 : i32
        %sign3A_1125 = arith.cmpi slt, %squeeze3A_1118, %sign3A_1124 : i32
        %sign3A_1126 = arith.extui %sign3A_1125 : i1 to i32
        %sign3A_1127 = arith.subi %sign3A_1123, %sign3A_1126 : i32
        %sign3A_1128 = arith.constant 0 : i32
        %sign3A_1129 = arith.cmpi sgt, %jit3A_1119, %sign3A_1128 : i32
        %sign3A_1130 = arith.extui %sign3A_1129 : i1 to i32
        %sign3A_1131 = arith.constant 0 : i32
        %sign3A_1132 = arith.cmpi slt, %jit3A_1119, %sign3A_1131 : i32
        %sign3A_1133 = arith.extui %sign3A_1132 : i1 to i32
        %sign3A_1134 = arith.subi %sign3A_1130, %sign3A_1133 : i32
        %ne3A_1135 = arith.cmpi ne, %sign3A_1127, %sign3A_1134 : i32
        %rem3A_1136 = arith.remsi %squeeze3A_1118, %jit3A_1119 : i32
        %ne3A_1137 = arith.constant 0 : i32
        %ne3A_1138 = arith.cmpi ne, %rem3A_1136, %ne3A_1137 : i32
        %and3A_1139 = arith.andi %ne3A_1135, %ne3A_1138 : i1
        %sub3A_1140 = arith.constant 1 : i32
        %sub3A_1141 = arith.subi %div3A_1120, %sub3A_1140 : i32
        %select_n3A_1142 = arith.select %and3A_1139, %sub3A_1141, %div3A_1120 : i32
        %mul3A_1143 = arith.constant 128 : i32
        %mul3A_1144 = arith.muli %select_n3A_1142, %mul3A_1143 : i32
        %multiple_of3A_1145 = tpu.assume_multiple %mul3A_1144, 128 : i32
        %dma_start3A_1146 = tpu.memref_slice %arg2[%multiple_of3A, %multiple_of3A_1145] : memref<64x1000000xf32, #tpu.memory_space<hbm>> -> memref<8x128xf32, #tpu.memory_space<hbm>>
        %dma_start3A_1147 = tpu.memref_slice %arg2[%multiple_of3A, %multiple_of3A_1145] : memref<64x1000000xf32, #tpu.memory_space<hbm>> -> memref<8x128xf32, #tpu.memory_space<hbm>>
        tpu.enqueue_dma source(%dma_start3A_1147 : memref<8x128xf32, #tpu.memory_space<hbm>>) target(%arg12 : memref<8x128xf32, #tpu.memory_space<vmem>>) target_semaphore(%arg28 : memref<!tpu.dma_semaphore, #tpu.memory_space<semaphore_mem>>)
      } else {
      }
      %mul3A_772 = arith.constant 16 : i32
      %mul3A_773 = arith.muli %scan3A_561, %mul3A_772 : i32
      %add3A_774 = arith.constant 5 : i32
      %add3A_775 = arith.addi %mul3A_773, %add3A_774 : i32
      %broadcast_in_dim3A_776 = vector.broadcast %add3A_775 : i32 to vector<16xi32>
      tpu.vector_store_idx %arg6[%select_n3A_56, %broadcast_in_dim3A_776], %gather3A_764 masked %lt3A_59 : memref<8x1024xf32, #tpu.memory_space<vmem>>[vector<16xi32>, vector<16xi32>], vector<16xf32>, vector<16xi1>
      %dma_wait3A_777 = tpu.memref_slice %arg2[%multiple_of3A, %multiple_of3A_272] : memref<64x1000000xf32, #tpu.memory_space<hbm>> -> memref<8x128xf32, #tpu.memory_space<hbm>>
      %dma_wait3A_778 = tpu.memref_slice %arg2[%multiple_of3A, %multiple_of3A_272] : memref<64x1000000xf32, #tpu.memory_space<hbm>> -> memref<8x128xf32, #tpu.memory_space<hbm>>
      tpu.wait_dma2 semaphore(%arg29 : memref<!tpu.dma_semaphore, #tpu.memory_space<semaphore_mem>>) src(%dma_wait3A_778 : memref<8x128xf32, #tpu.memory_space<hbm>>) dst(%arg13 : memref<8x128xf32, #tpu.memory_space<vmem>>)
      %slice3A_779 = vector.extract_strided_slice %get3A_565 {offsets = [6], sizes = [1], strides = [1]} : vector<16xi32> to vector<1xi32>
      %squeeze3A_780 = vector.extract %slice3A_779[0] : i32 from vector<1xi32>
      %jit3A_781 = arith.constant 128 : i32
      %eq3A_782 = arith.constant 0 : i32
      %eq3A_783 = arith.cmpi eq, %jit3A_781, %eq3A_782 : i32
      %jit3A_784 = arith.constant 1 : i32
      %select_n3A_785 = arith.select %eq3A_783, %jit3A_784, %jit3A_781 : i32
      %rem3A_786 = arith.remsi %squeeze3A_780, %select_n3A_785 : i32
      %ne3A_787 = arith.constant 0 : i32
      %ne3A_788 = arith.cmpi ne, %rem3A_786, %ne3A_787 : i32
      %lt3A_789 = arith.constant 0 : i32
      %lt3A_790 = arith.cmpi slt, %rem3A_786, %lt3A_789 : i32
      %lt3A_791 = arith.constant 0 : i32
      %lt3A_792 = arith.cmpi slt, %select_n3A_785, %lt3A_791 : i32
      %ne3A_793 = arith.xori %lt3A_790, %lt3A_792 : i1
      %and3A_794 = arith.andi %ne3A_793, %ne3A_788 : i1
      %add3A_795 = arith.addi %rem3A_786, %select_n3A_785 : i32
      %select_n3A_796 = arith.select %and3A_794, %add3A_795, %rem3A_786 : i32
      %broadcast_in_dim3A_797 = vector.broadcast %select_n3A_796 : i32 to vector<16xi32>
      %gather3A_798 = tpu.vector_load_idx %arg13[%select_n3A_56, %broadcast_in_dim3A_797] : memref<8x128xf32, #tpu.memory_space<vmem>>[vector<16xi32>, vector<16xi32>], vector<16xf32>,
      %add3A_799 = arith.constant 1 : i32
      %add3A_800 = arith.addi %scan3A_561, %add3A_799 : i32
      %lt3A_801 = arith.constant 64 : i32
      %lt3A_802 = arith.cmpi slt, %add3A_800, %lt3A_801 : i32
      %convert_element_type3A_803 = arith.extui %lt3A_802 : i1 to i32
      %cond3A_804 = arith.constant 0 : i32
      %cond3A_805 = arith.cmpi ne, %convert_element_type3A_803, %cond3A_804 : i32
      scf.if %cond3A_805 {
        %slice3A_1117 = vector.extract_strided_slice %get3A_577 {offsets = [6], sizes = [1], strides = [1]} : vector<16xi32> to vector<1xi32>
        %squeeze3A_1118 = vector.extract %slice3A_1117[0] : i32 from vector<1xi32>
        %jit3A_1119 = arith.constant 128 : i32
        %div3A_1120 = arith.divsi %squeeze3A_1118, %jit3A_1119 : i32
        %sign3A_1121 = arith.constant 0 : i32
        %sign3A_1122 = arith.cmpi sgt, %squeeze3A_1118, %sign3A_1121 : i32
        %sign3A_1123 = arith.extui %sign3A_1122 : i1 to i32
        %sign3A_1124 = arith.constant 0 : i32
        %sign3A_1125 = arith.cmpi slt, %squeeze3A_1118, %sign3A_1124 : i32
        %sign3A_1126 = arith.extui %sign3A_1125 : i1 to i32
        %sign3A_1127 = arith.subi %sign3A_1123, %sign3A_1126 : i32
        %sign3A_1128 = arith.constant 0 : i32
        %sign3A_1129 = arith.cmpi sgt, %jit3A_1119, %sign3A_1128 : i32
        %sign3A_1130 = arith.extui %sign3A_1129 : i1 to i32
        %sign3A_1131 = arith.constant 0 : i32
        %sign3A_1132 = arith.cmpi slt, %jit3A_1119, %sign3A_1131 : i32
        %sign3A_1133 = arith.extui %sign3A_1132 : i1 to i32
        %sign3A_1134 = arith.subi %sign3A_1130, %sign3A_1133 : i32
        %ne3A_1135 = arith.cmpi ne, %sign3A_1127, %sign3A_1134 : i32
        %rem3A_1136 = arith.remsi %squeeze3A_1118, %jit3A_1119 : i32
        %ne3A_1137 = arith.constant 0 : i32
        %ne3A_1138 = arith.cmpi ne, %rem3A_1136, %ne3A_1137 : i32
        %and3A_1139 = arith.andi %ne3A_1135, %ne3A_1138 : i1
        %sub3A_1140 = arith.constant 1 : i32
        %sub3A_1141 = arith.subi %div3A_1120, %sub3A_1140 : i32
        %select_n3A_1142 = arith.select %and3A_1139, %sub3A_1141, %div3A_1120 : i32
        %mul3A_1143 = arith.constant 128 : i32
        %mul3A_1144 = arith.muli %select_n3A_1142, %mul3A_1143 : i32
        %multiple_of3A_1145 = tpu.assume_multiple %mul3A_1144, 128 : i32
        %dma_start3A_1146 = tpu.memref_slice %arg2[%multiple_of3A, %multiple_of3A_1145] : memref<64x1000000xf32, #tpu.memory_space<hbm>> -> memref<8x128xf32, #tpu.memory_space<hbm>>
        %dma_start3A_1147 = tpu.memref_slice %arg2[%multiple_of3A, %multiple_of3A_1145] : memref<64x1000000xf32, #tpu.memory_space<hbm>> -> memref<8x128xf32, #tpu.memory_space<hbm>>
        tpu.enqueue_dma source(%dma_start3A_1147 : memref<8x128xf32, #tpu.memory_space<hbm>>) target(%arg13 : memref<8x128xf32, #tpu.memory_space<vmem>>) target_semaphore(%arg29 : memref<!tpu.dma_semaphore, #tpu.memory_space<semaphore_mem>>)
      } else {
      }
      %mul3A_806 = arith.constant 16 : i32
      %mul3A_807 = arith.muli %scan3A_561, %mul3A_806 : i32
      %add3A_808 = arith.constant 6 : i32
      %add3A_809 = arith.addi %mul3A_807, %add3A_808 : i32
      %broadcast_in_dim3A_810 = vector.broadcast %add3A_809 : i32 to vector<16xi32>
      tpu.vector_store_idx %arg6[%select_n3A_56, %broadcast_in_dim3A_810], %gather3A_798 masked %lt3A_59 : memref<8x1024xf32, #tpu.memory_space<vmem>>[vector<16xi32>, vector<16xi32>], vector<16xf32>, vector<16xi1>
      %dma_wait3A_811 = tpu.memref_slice %arg2[%multiple_of3A, %multiple_of3A_303] : memref<64x1000000xf32, #tpu.memory_space<hbm>> -> memref<8x128xf32, #tpu.memory_space<hbm>>
      %dma_wait3A_812 = tpu.memref_slice %arg2[%multiple_of3A, %multiple_of3A_303] : memref<64x1000000xf32, #tpu.memory_space<hbm>> -> memref<8x128xf32, #tpu.memory_space<hbm>>
      tpu.wait_dma2 semaphore(%arg30 : memref<!tpu.dma_semaphore, #tpu.memory_space<semaphore_mem>>) src(%dma_wait3A_812 : memref<8x128xf32, #tpu.memory_space<hbm>>) dst(%arg14 : memref<8x128xf32, #tpu.memory_space<vmem>>)
      %slice3A_813 = vector.extract_strided_slice %get3A_565 {offsets = [7], sizes = [1], strides = [1]} : vector<16xi32> to vector<1xi32>
      %squeeze3A_814 = vector.extract %slice3A_813[0] : i32 from vector<1xi32>
      %jit3A_815 = arith.constant 128 : i32
      %eq3A_816 = arith.constant 0 : i32
      %eq3A_817 = arith.cmpi eq, %jit3A_815, %eq3A_816 : i32
      %jit3A_818 = arith.constant 1 : i32
      %select_n3A_819 = arith.select %eq3A_817, %jit3A_818, %jit3A_815 : i32
      %rem3A_820 = arith.remsi %squeeze3A_814, %select_n3A_819 : i32
      %ne3A_821 = arith.constant 0 : i32
      %ne3A_822 = arith.cmpi ne, %rem3A_820, %ne3A_821 : i32
      %lt3A_823 = arith.constant 0 : i32
      %lt3A_824 = arith.cmpi slt, %rem3A_820, %lt3A_823 : i32
      %lt3A_825 = arith.constant 0 : i32
      %lt3A_826 = arith.cmpi slt, %select_n3A_819, %lt3A_825 : i32
      %ne3A_827 = arith.xori %lt3A_824, %lt3A_826 : i1
      %and3A_828 = arith.andi %ne3A_827, %ne3A_822 : i1
      %add3A_829 = arith.addi %rem3A_820, %select_n3A_819 : i32
      %select_n3A_830 = arith.select %and3A_828, %add3A_829, %rem3A_820 : i32
      %broadcast_in_dim3A_831 = vector.broadcast %select_n3A_830 : i32 to vector<16xi32>
      %gather3A_832 = tpu.vector_load_idx %arg14[%select_n3A_56, %broadcast_in_dim3A_831] : memref<8x128xf32, #tpu.memory_space<vmem>>[vector<16xi32>, vector<16xi32>], vector<16xf32>,
      %add3A_833 = arith.constant 1 : i32
      %add3A_834 = arith.addi %scan3A_561, %add3A_833 : i32
      %lt3A_835 = arith.constant 64 : i32
      %lt3A_836 = arith.cmpi slt, %add3A_834, %lt3A_835 : i32
      %convert_element_type3A_837 = arith.extui %lt3A_836 : i1 to i32
      %cond3A_838 = arith.constant 0 : i32
      %cond3A_839 = arith.cmpi ne, %convert_element_type3A_837, %cond3A_838 : i32
      scf.if %cond3A_839 {
        %slice3A_1117 = vector.extract_strided_slice %get3A_577 {offsets = [7], sizes = [1], strides = [1]} : vector<16xi32> to vector<1xi32>
        %squeeze3A_1118 = vector.extract %slice3A_1117[0] : i32 from vector<1xi32>
        %jit3A_1119 = arith.constant 128 : i32
        %div3A_1120 = arith.divsi %squeeze3A_1118, %jit3A_1119 : i32
        %sign3A_1121 = arith.constant 0 : i32
        %sign3A_1122 = arith.cmpi sgt, %squeeze3A_1118, %sign3A_1121 : i32
        %sign3A_1123 = arith.extui %sign3A_1122 : i1 to i32
        %sign3A_1124 = arith.constant 0 : i32
        %sign3A_1125 = arith.cmpi slt, %squeeze3A_1118, %sign3A_1124 : i32
        %sign3A_1126 = arith.extui %sign3A_1125 : i1 to i32
        %sign3A_1127 = arith.subi %sign3A_1123, %sign3A_1126 : i32
        %sign3A_1128 = arith.constant 0 : i32
        %sign3A_1129 = arith.cmpi sgt, %jit3A_1119, %sign3A_1128 : i32
        %sign3A_1130 = arith.extui %sign3A_1129 : i1 to i32
        %sign3A_1131 = arith.constant 0 : i32
        %sign3A_1132 = arith.cmpi slt, %jit3A_1119, %sign3A_1131 : i32
        %sign3A_1133 = arith.extui %sign3A_1132 : i1 to i32
        %sign3A_1134 = arith.subi %sign3A_1130, %sign3A_1133 : i32
        %ne3A_1135 = arith.cmpi ne, %sign3A_1127, %sign3A_1134 : i32
        %rem3A_1136 = arith.remsi %squeeze3A_1118, %jit3A_1119 : i32
        %ne3A_1137 = arith.constant 0 : i32
        %ne3A_1138 = arith.cmpi ne, %rem3A_1136, %ne3A_1137 : i32
        %and3A_1139 = arith.andi %ne3A_1135, %ne3A_1138 : i1
        %sub3A_1140 = arith.constant 1 : i32
        %sub3A_1141 = arith.subi %div3A_1120, %sub3A_1140 : i32
        %select_n3A_1142 = arith.select %and3A_1139, %sub3A_1141, %div3A_1120 : i32
        %mul3A_1143 = arith.constant 128 : i32
        %mul3A_1144 = arith.muli %select_n3A_1142, %mul3A_1143 : i32
        %multiple_of3A_1145 = tpu.assume_multiple %mul3A_1144, 128 : i32
        %dma_start3A_1146 = tpu.memref_slice %arg2[%multiple_of3A, %multiple_of3A_1145] : memref<64x1000000xf32, #tpu.memory_space<hbm>> -> memref<8x128xf32, #tpu.memory_space<hbm>>
        %dma_start3A_1147 = tpu.memref_slice %arg2[%multiple_of3A, %multiple_of3A_1145] : memref<64x1000000xf32, #tpu.memory_space<hbm>> -> memref<8x128xf32, #tpu.memory_space<hbm>>
        tpu.enqueue_dma source(%dma_start3A_1147 : memref<8x128xf32, #tpu.memory_space<hbm>>) target(%arg14 : memref<8x128xf32, #tpu.memory_space<vmem>>) target_semaphore(%arg30 : memref<!tpu.dma_semaphore, #tpu.memory_space<semaphore_mem>>)
      } else {
      }
      %mul3A_840 = arith.constant 16 : i32
      %mul3A_841 = arith.muli %scan3A_561, %mul3A_840 : i32
      %add3A_842 = arith.constant 7 : i32
      %add3A_843 = arith.addi %mul3A_841, %add3A_842 : i32
      %broadcast_in_dim3A_844 = vector.broadcast %add3A_843 : i32 to vector<16xi32>
      tpu.vector_store_idx %arg6[%select_n3A_56, %broadcast_in_dim3A_844], %gather3A_832 masked %lt3A_59 : memref<8x1024xf32, #tpu.memory_space<vmem>>[vector<16xi32>, vector<16xi32>], vector<16xf32>, vector<16xi1>
      %dma_wait3A_845 = tpu.memref_slice %arg2[%multiple_of3A, %multiple_of3A_334] : memref<64x1000000xf32, #tpu.memory_space<hbm>> -> memref<8x128xf32, #tpu.memory_space<hbm>>
      %dma_wait3A_846 = tpu.memref_slice %arg2[%multiple_of3A, %multiple_of3A_334] : memref<64x1000000xf32, #tpu.memory_space<hbm>> -> memref<8x128xf32, #tpu.memory_space<hbm>>
      tpu.wait_dma2 semaphore(%arg31 : memref<!tpu.dma_semaphore, #tpu.memory_space<semaphore_mem>>) src(%dma_wait3A_846 : memref<8x128xf32, #tpu.memory_space<hbm>>) dst(%arg15 : memref<8x128xf32, #tpu.memory_space<vmem>>)
      %slice3A_847 = vector.extract_strided_slice %get3A_565 {offsets = [8], sizes = [1], strides = [1]} : vector<16xi32> to vector<1xi32>
      %squeeze3A_848 = vector.extract %slice3A_847[0] : i32 from vector<1xi32>
      %jit3A_849 = arith.constant 128 : i32
      %eq3A_850 = arith.constant 0 : i32
      %eq3A_851 = arith.cmpi eq, %jit3A_849, %eq3A_850 : i32
      %jit3A_852 = arith.constant 1 : i32
      %select_n3A_853 = arith.select %eq3A_851, %jit3A_852, %jit3A_849 : i32
      %rem3A_854 = arith.remsi %squeeze3A_848, %select_n3A_853 : i32
      %ne3A_855 = arith.constant 0 : i32
      %ne3A_856 = arith.cmpi ne, %rem3A_854, %ne3A_855 : i32
      %lt3A_857 = arith.constant 0 : i32
      %lt3A_858 = arith.cmpi slt, %rem3A_854, %lt3A_857 : i32
      %lt3A_859 = arith.constant 0 : i32
      %lt3A_860 = arith.cmpi slt, %select_n3A_853, %lt3A_859 : i32
      %ne3A_861 = arith.xori %lt3A_858, %lt3A_860 : i1
      %and3A_862 = arith.andi %ne3A_861, %ne3A_856 : i1
      %add3A_863 = arith.addi %rem3A_854, %select_n3A_853 : i32
      %select_n3A_864 = arith.select %and3A_862, %add3A_863, %rem3A_854 : i32
      %broadcast_in_dim3A_865 = vector.broadcast %select_n3A_864 : i32 to vector<16xi32>
      %gather3A_866 = tpu.vector_load_idx %arg15[%select_n3A_56, %broadcast_in_dim3A_865] : memref<8x128xf32, #tpu.memory_space<vmem>>[vector<16xi32>, vector<16xi32>], vector<16xf32>,
      %add3A_867 = arith.constant 1 : i32
      %add3A_868 = arith.addi %scan3A_561, %add3A_867 : i32
      %lt3A_869 = arith.constant 64 : i32
      %lt3A_870 = arith.cmpi slt, %add3A_868, %lt3A_869 : i32
      %convert_element_type3A_871 = arith.extui %lt3A_870 : i1 to i32
      %cond3A_872 = arith.constant 0 : i32
      %cond3A_873 = arith.cmpi ne, %convert_element_type3A_871, %cond3A_872 : i32
      scf.if %cond3A_873 {
        %slice3A_1117 = vector.extract_strided_slice %get3A_577 {offsets = [8], sizes = [1], strides = [1]} : vector<16xi32> to vector<1xi32>
        %squeeze3A_1118 = vector.extract %slice3A_1117[0] : i32 from vector<1xi32>
        %jit3A_1119 = arith.constant 128 : i32
        %div3A_1120 = arith.divsi %squeeze3A_1118, %jit3A_1119 : i32
        %sign3A_1121 = arith.constant 0 : i32
        %sign3A_1122 = arith.cmpi sgt, %squeeze3A_1118, %sign3A_1121 : i32
        %sign3A_1123 = arith.extui %sign3A_1122 : i1 to i32
        %sign3A_1124 = arith.constant 0 : i32
        %sign3A_1125 = arith.cmpi slt, %squeeze3A_1118, %sign3A_1124 : i32
        %sign3A_1126 = arith.extui %sign3A_1125 : i1 to i32
        %sign3A_1127 = arith.subi %sign3A_1123, %sign3A_1126 : i32
        %sign3A_1128 = arith.constant 0 : i32
        %sign3A_1129 = arith.cmpi sgt, %jit3A_1119, %sign3A_1128 : i32
        %sign3A_1130 = arith.extui %sign3A_1129 : i1 to i32
        %sign3A_1131 = arith.constant 0 : i32
        %sign3A_1132 = arith.cmpi slt, %jit3A_1119, %sign3A_1131 : i32
        %sign3A_1133 = arith.extui %sign3A_1132 : i1 to i32
        %sign3A_1134 = arith.subi %sign3A_1130, %sign3A_1133 : i32
        %ne3A_1135 = arith.cmpi ne, %sign3A_1127, %sign3A_1134 : i32
        %rem3A_1136 = arith.remsi %squeeze3A_1118, %jit3A_1119 : i32
        %ne3A_1137 = arith.constant 0 : i32
        %ne3A_1138 = arith.cmpi ne, %rem3A_1136, %ne3A_1137 : i32
        %and3A_1139 = arith.andi %ne3A_1135, %ne3A_1138 : i1
        %sub3A_1140 = arith.constant 1 : i32
        %sub3A_1141 = arith.subi %div3A_1120, %sub3A_1140 : i32
        %select_n3A_1142 = arith.select %and3A_1139, %sub3A_1141, %div3A_1120 : i32
        %mul3A_1143 = arith.constant 128 : i32
        %mul3A_1144 = arith.muli %select_n3A_1142, %mul3A_1143 : i32
        %multiple_of3A_1145 = tpu.assume_multiple %mul3A_1144, 128 : i32
        %dma_start3A_1146 = tpu.memref_slice %arg2[%multiple_of3A, %multiple_of3A_1145] : memref<64x1000000xf32, #tpu.memory_space<hbm>> -> memref<8x128xf32, #tpu.memory_space<hbm>>
        %dma_start3A_1147 = tpu.memref_slice %arg2[%multiple_of3A, %multiple_of3A_1145] : memref<64x1000000xf32, #tpu.memory_space<hbm>> -> memref<8x128xf32, #tpu.memory_space<hbm>>
        tpu.enqueue_dma source(%dma_start3A_1147 : memref<8x128xf32, #tpu.memory_space<hbm>>) target(%arg15 : memref<8x128xf32, #tpu.memory_space<vmem>>) target_semaphore(%arg31 : memref<!tpu.dma_semaphore, #tpu.memory_space<semaphore_mem>>)
      } else {
      }
      %mul3A_874 = arith.constant 16 : i32
      %mul3A_875 = arith.muli %scan3A_561, %mul3A_874 : i32
      %add3A_876 = arith.constant 8 : i32
      %add3A_877 = arith.addi %mul3A_875, %add3A_876 : i32
      %broadcast_in_dim3A_878 = vector.broadcast %add3A_877 : i32 to vector<16xi32>
      tpu.vector_store_idx %arg6[%select_n3A_56, %broadcast_in_dim3A_878], %gather3A_866 masked %lt3A_59 : memref<8x1024xf32, #tpu.memory_space<vmem>>[vector<16xi32>, vector<16xi32>], vector<16xf32>, vector<16xi1>
      %dma_wait3A_879 = tpu.memref_slice %arg2[%multiple_of3A, %multiple_of3A_365] : memref<64x1000000xf32, #tpu.memory_space<hbm>> -> memref<8x128xf32, #tpu.memory_space<hbm>>
      %dma_wait3A_880 = tpu.memref_slice %arg2[%multiple_of3A, %multiple_of3A_365] : memref<64x1000000xf32, #tpu.memory_space<hbm>> -> memref<8x128xf32, #tpu.memory_space<hbm>>
      tpu.wait_dma2 semaphore(%arg32 : memref<!tpu.dma_semaphore, #tpu.memory_space<semaphore_mem>>) src(%dma_wait3A_880 : memref<8x128xf32, #tpu.memory_space<hbm>>) dst(%arg16 : memref<8x128xf32, #tpu.memory_space<vmem>>)
      %slice3A_881 = vector.extract_strided_slice %get3A_565 {offsets = [9], sizes = [1], strides = [1]} : vector<16xi32> to vector<1xi32>
      %squeeze3A_882 = vector.extract %slice3A_881[0] : i32 from vector<1xi32>
      %jit3A_883 = arith.constant 128 : i32
      %eq3A_884 = arith.constant 0 : i32
      %eq3A_885 = arith.cmpi eq, %jit3A_883, %eq3A_884 : i32
      %jit3A_886 = arith.constant 1 : i32
      %select_n3A_887 = arith.select %eq3A_885, %jit3A_886, %jit3A_883 : i32
      %rem3A_888 = arith.remsi %squeeze3A_882, %select_n3A_887 : i32
      %ne3A_889 = arith.constant 0 : i32
      %ne3A_890 = arith.cmpi ne, %rem3A_888, %ne3A_889 : i32
      %lt3A_891 = arith.constant 0 : i32
      %lt3A_892 = arith.cmpi slt, %rem3A_888, %lt3A_891 : i32
      %lt3A_893 = arith.constant 0 : i32
      %lt3A_894 = arith.cmpi slt, %select_n3A_887, %lt3A_893 : i32
      %ne3A_895 = arith.xori %lt3A_892, %lt3A_894 : i1
      %and3A_896 = arith.andi %ne3A_895, %ne3A_890 : i1
      %add3A_897 = arith.addi %rem3A_888, %select_n3A_887 : i32
      %select_n3A_898 = arith.select %and3A_896, %add3A_897, %rem3A_888 : i32
      %broadcast_in_dim3A_899 = vector.broadcast %select_n3A_898 : i32 to vector<16xi32>
      %gather3A_900 = tpu.vector_load_idx %arg16[%select_n3A_56, %broadcast_in_dim3A_899] : memref<8x128xf32, #tpu.memory_space<vmem>>[vector<16xi32>, vector<16xi32>], vector<16xf32>,
      %add3A_901 = arith.constant 1 : i32
      %add3A_902 = arith.addi %scan3A_561, %add3A_901 : i32
      %lt3A_903 = arith.constant 64 : i32
      %lt3A_904 = arith.cmpi slt, %add3A_902, %lt3A_903 : i32
      %convert_element_type3A_905 = arith.extui %lt3A_904 : i1 to i32
      %cond3A_906 = arith.constant 0 : i32
      %cond3A_907 = arith.cmpi ne, %convert_element_type3A_905, %cond3A_906 : i32
      scf.if %cond3A_907 {
        %slice3A_1117 = vector.extract_strided_slice %get3A_577 {offsets = [9], sizes = [1], strides = [1]} : vector<16xi32> to vector<1xi32>
        %squeeze3A_1118 = vector.extract %slice3A_1117[0] : i32 from vector<1xi32>
        %jit3A_1119 = arith.constant 128 : i32
        %div3A_1120 = arith.divsi %squeeze3A_1118, %jit3A_1119 : i32
        %sign3A_1121 = arith.constant 0 : i32
        %sign3A_1122 = arith.cmpi sgt, %squeeze3A_1118, %sign3A_1121 : i32
        %sign3A_1123 = arith.extui %sign3A_1122 : i1 to i32
        %sign3A_1124 = arith.constant 0 : i32
        %sign3A_1125 = arith.cmpi slt, %squeeze3A_1118, %sign3A_1124 : i32
        %sign3A_1126 = arith.extui %sign3A_1125 : i1 to i32
        %sign3A_1127 = arith.subi %sign3A_1123, %sign3A_1126 : i32
        %sign3A_1128 = arith.constant 0 : i32
        %sign3A_1129 = arith.cmpi sgt, %jit3A_1119, %sign3A_1128 : i32
        %sign3A_1130 = arith.extui %sign3A_1129 : i1 to i32
        %sign3A_1131 = arith.constant 0 : i32
        %sign3A_1132 = arith.cmpi slt, %jit3A_1119, %sign3A_1131 : i32
        %sign3A_1133 = arith.extui %sign3A_1132 : i1 to i32
        %sign3A_1134 = arith.subi %sign3A_1130, %sign3A_1133 : i32
        %ne3A_1135 = arith.cmpi ne, %sign3A_1127, %sign3A_1134 : i32
        %rem3A_1136 = arith.remsi %squeeze3A_1118, %jit3A_1119 : i32
        %ne3A_1137 = arith.constant 0 : i32
        %ne3A_1138 = arith.cmpi ne, %rem3A_1136, %ne3A_1137 : i32
        %and3A_1139 = arith.andi %ne3A_1135, %ne3A_1138 : i1
        %sub3A_1140 = arith.constant 1 : i32
        %sub3A_1141 = arith.subi %div3A_1120, %sub3A_1140 : i32
        %select_n3A_1142 = arith.select %and3A_1139, %sub3A_1141, %div3A_1120 : i32
        %mul3A_1143 = arith.constant 128 : i32
        %mul3A_1144 = arith.muli %select_n3A_1142, %mul3A_1143 : i32
        %multiple_of3A_1145 = tpu.assume_multiple %mul3A_1144, 128 : i32
        %dma_start3A_1146 = tpu.memref_slice %arg2[%multiple_of3A, %multiple_of3A_1145] : memref<64x1000000xf32, #tpu.memory_space<hbm>> -> memref<8x128xf32, #tpu.memory_space<hbm>>
        %dma_start3A_1147 = tpu.memref_slice %arg2[%multiple_of3A, %multiple_of3A_1145] : memref<64x1000000xf32, #tpu.memory_space<hbm>> -> memref<8x128xf32, #tpu.memory_space<hbm>>
        tpu.enqueue_dma source(%dma_start3A_1147 : memref<8x128xf32, #tpu.memory_space<hbm>>) target(%arg16 : memref<8x128xf32, #tpu.memory_space<vmem>>) target_semaphore(%arg32 : memref<!tpu.dma_semaphore, #tpu.memory_space<semaphore_mem>>)
      } else {
      }
      %mul3A_908 = arith.constant 16 : i32
      %mul3A_909 = arith.muli %scan3A_561, %mul3A_908 : i32
      %add3A_910 = arith.constant 9 : i32
      %add3A_911 = arith.addi %mul3A_909, %add3A_910 : i32
      %broadcast_in_dim3A_912 = vector.broadcast %add3A_911 : i32 to vector<16xi32>
      tpu.vector_store_idx %arg6[%select_n3A_56, %broadcast_in_dim3A_912], %gather3A_900 masked %lt3A_59 : memref<8x1024xf32, #tpu.memory_space<vmem>>[vector<16xi32>, vector<16xi32>], vector<16xf32>, vector<16xi1>
      %dma_wait3A_913 = tpu.memref_slice %arg2[%multiple_of3A, %multiple_of3A_396] : memref<64x1000000xf32, #tpu.memory_space<hbm>> -> memref<8x128xf32, #tpu.memory_space<hbm>>
      %dma_wait3A_914 = tpu.memref_slice %arg2[%multiple_of3A, %multiple_of3A_396] : memref<64x1000000xf32, #tpu.memory_space<hbm>> -> memref<8x128xf32, #tpu.memory_space<hbm>>
      tpu.wait_dma2 semaphore(%arg33 : memref<!tpu.dma_semaphore, #tpu.memory_space<semaphore_mem>>) src(%dma_wait3A_914 : memref<8x128xf32, #tpu.memory_space<hbm>>) dst(%arg17 : memref<8x128xf32, #tpu.memory_space<vmem>>)
      %slice3A_915 = vector.extract_strided_slice %get3A_565 {offsets = [10], sizes = [1], strides = [1]} : vector<16xi32> to vector<1xi32>
      %squeeze3A_916 = vector.extract %slice3A_915[0] : i32 from vector<1xi32>
      %jit3A_917 = arith.constant 128 : i32
      %eq3A_918 = arith.constant 0 : i32
      %eq3A_919 = arith.cmpi eq, %jit3A_917, %eq3A_918 : i32
      %jit3A_920 = arith.constant 1 : i32
      %select_n3A_921 = arith.select %eq3A_919, %jit3A_920, %jit3A_917 : i32
      %rem3A_922 = arith.remsi %squeeze3A_916, %select_n3A_921 : i32
      %ne3A_923 = arith.constant 0 : i32
      %ne3A_924 = arith.cmpi ne, %rem3A_922, %ne3A_923 : i32
      %lt3A_925 = arith.constant 0 : i32
      %lt3A_926 = arith.cmpi slt, %rem3A_922, %lt3A_925 : i32
      %lt3A_927 = arith.constant 0 : i32
      %lt3A_928 = arith.cmpi slt, %select_n3A_921, %lt3A_927 : i32
      %ne3A_929 = arith.xori %lt3A_926, %lt3A_928 : i1
      %and3A_930 = arith.andi %ne3A_929, %ne3A_924 : i1
      %add3A_931 = arith.addi %rem3A_922, %select_n3A_921 : i32
      %select_n3A_932 = arith.select %and3A_930, %add3A_931, %rem3A_922 : i32
      %broadcast_in_dim3A_933 = vector.broadcast %select_n3A_932 : i32 to vector<16xi32>
      %gather3A_934 = tpu.vector_load_idx %arg17[%select_n3A_56, %broadcast_in_dim3A_933] : memref<8x128xf32, #tpu.memory_space<vmem>>[vector<16xi32>, vector<16xi32>], vector<16xf32>,
      %add3A_935 = arith.constant 1 : i32
      %add3A_936 = arith.addi %scan3A_561, %add3A_935 : i32
      %lt3A_937 = arith.constant 64 : i32
      %lt3A_938 = arith.cmpi slt, %add3A_936, %lt3A_937 : i32
      %convert_element_type3A_939 = arith.extui %lt3A_938 : i1 to i32
      %cond3A_940 = arith.constant 0 : i32
      %cond3A_941 = arith.cmpi ne, %convert_element_type3A_939, %cond3A_940 : i32
      scf.if %cond3A_941 {
        %slice3A_1117 = vector.extract_strided_slice %get3A_577 {offsets = [10], sizes = [1], strides = [1]} : vector<16xi32> to vector<1xi32>
        %squeeze3A_1118 = vector.extract %slice3A_1117[0] : i32 from vector<1xi32>
        %jit3A_1119 = arith.constant 128 : i32
        %div3A_1120 = arith.divsi %squeeze3A_1118, %jit3A_1119 : i32
        %sign3A_1121 = arith.constant 0 : i32
        %sign3A_1122 = arith.cmpi sgt, %squeeze3A_1118, %sign3A_1121 : i32
        %sign3A_1123 = arith.extui %sign3A_1122 : i1 to i32
        %sign3A_1124 = arith.constant 0 : i32
        %sign3A_1125 = arith.cmpi slt, %squeeze3A_1118, %sign3A_1124 : i32
        %sign3A_1126 = arith.extui %sign3A_1125 : i1 to i32
        %sign3A_1127 = arith.subi %sign3A_1123, %sign3A_1126 : i32
        %sign3A_1128 = arith.constant 0 : i32
        %sign3A_1129 = arith.cmpi sgt, %jit3A_1119, %sign3A_1128 : i32
        %sign3A_1130 = arith.extui %sign3A_1129 : i1 to i32
        %sign3A_1131 = arith.constant 0 : i32
        %sign3A_1132 = arith.cmpi slt, %jit3A_1119, %sign3A_1131 : i32
        %sign3A_1133 = arith.extui %sign3A_1132 : i1 to i32
        %sign3A_1134 = arith.subi %sign3A_1130, %sign3A_1133 : i32
        %ne3A_1135 = arith.cmpi ne, %sign3A_1127, %sign3A_1134 : i32
        %rem3A_1136 = arith.remsi %squeeze3A_1118, %jit3A_1119 : i32
        %ne3A_1137 = arith.constant 0 : i32
        %ne3A_1138 = arith.cmpi ne, %rem3A_1136, %ne3A_1137 : i32
        %and3A_1139 = arith.andi %ne3A_1135, %ne3A_1138 : i1
        %sub3A_1140 = arith.constant 1 : i32
        %sub3A_1141 = arith.subi %div3A_1120, %sub3A_1140 : i32
        %select_n3A_1142 = arith.select %and3A_1139, %sub3A_1141, %div3A_1120 : i32
        %mul3A_1143 = arith.constant 128 : i32
        %mul3A_1144 = arith.muli %select_n3A_1142, %mul3A_1143 : i32
        %multiple_of3A_1145 = tpu.assume_multiple %mul3A_1144, 128 : i32
        %dma_start3A_1146 = tpu.memref_slice %arg2[%multiple_of3A, %multiple_of3A_1145] : memref<64x1000000xf32, #tpu.memory_space<hbm>> -> memref<8x128xf32, #tpu.memory_space<hbm>>
        %dma_start3A_1147 = tpu.memref_slice %arg2[%multiple_of3A, %multiple_of3A_1145] : memref<64x1000000xf32, #tpu.memory_space<hbm>> -> memref<8x128xf32, #tpu.memory_space<hbm>>
        tpu.enqueue_dma source(%dma_start3A_1147 : memref<8x128xf32, #tpu.memory_space<hbm>>) target(%arg17 : memref<8x128xf32, #tpu.memory_space<vmem>>) target_semaphore(%arg33 : memref<!tpu.dma_semaphore, #tpu.memory_space<semaphore_mem>>)
      } else {
      }
      %mul3A_942 = arith.constant 16 : i32
      %mul3A_943 = arith.muli %scan3A_561, %mul3A_942 : i32
      %add3A_944 = arith.constant 10 : i32
      %add3A_945 = arith.addi %mul3A_943, %add3A_944 : i32
      %broadcast_in_dim3A_946 = vector.broadcast %add3A_945 : i32 to vector<16xi32>
      tpu.vector_store_idx %arg6[%select_n3A_56, %broadcast_in_dim3A_946], %gather3A_934 masked %lt3A_59 : memref<8x1024xf32, #tpu.memory_space<vmem>>[vector<16xi32>, vector<16xi32>], vector<16xf32>, vector<16xi1>
      %dma_wait3A_947 = tpu.memref_slice %arg2[%multiple_of3A, %multiple_of3A_427] : memref<64x1000000xf32, #tpu.memory_space<hbm>> -> memref<8x128xf32, #tpu.memory_space<hbm>>
      %dma_wait3A_948 = tpu.memref_slice %arg2[%multiple_of3A, %multiple_of3A_427] : memref<64x1000000xf32, #tpu.memory_space<hbm>> -> memref<8x128xf32, #tpu.memory_space<hbm>>
      tpu.wait_dma2 semaphore(%arg34 : memref<!tpu.dma_semaphore, #tpu.memory_space<semaphore_mem>>) src(%dma_wait3A_948 : memref<8x128xf32, #tpu.memory_space<hbm>>) dst(%arg18 : memref<8x128xf32, #tpu.memory_space<vmem>>)
      %slice3A_949 = vector.extract_strided_slice %get3A_565 {offsets = [11], sizes = [1], strides = [1]} : vector<16xi32> to vector<1xi32>
      %squeeze3A_950 = vector.extract %slice3A_949[0] : i32 from vector<1xi32>
      %jit3A_951 = arith.constant 128 : i32
      %eq3A_952 = arith.constant 0 : i32
      %eq3A_953 = arith.cmpi eq, %jit3A_951, %eq3A_952 : i32
      %jit3A_954 = arith.constant 1 : i32
      %select_n3A_955 = arith.select %eq3A_953, %jit3A_954, %jit3A_951 : i32
      %rem3A_956 = arith.remsi %squeeze3A_950, %select_n3A_955 : i32
      %ne3A_957 = arith.constant 0 : i32
      %ne3A_958 = arith.cmpi ne, %rem3A_956, %ne3A_957 : i32
      %lt3A_959 = arith.constant 0 : i32
      %lt3A_960 = arith.cmpi slt, %rem3A_956, %lt3A_959 : i32
      %lt3A_961 = arith.constant 0 : i32
      %lt3A_962 = arith.cmpi slt, %select_n3A_955, %lt3A_961 : i32
      %ne3A_963 = arith.xori %lt3A_960, %lt3A_962 : i1
      %and3A_964 = arith.andi %ne3A_963, %ne3A_958 : i1
      %add3A_965 = arith.addi %rem3A_956, %select_n3A_955 : i32
      %select_n3A_966 = arith.select %and3A_964, %add3A_965, %rem3A_956 : i32
      %broadcast_in_dim3A_967 = vector.broadcast %select_n3A_966 : i32 to vector<16xi32>
      %gather3A_968 = tpu.vector_load_idx %arg18[%select_n3A_56, %broadcast_in_dim3A_967] : memref<8x128xf32, #tpu.memory_space<vmem>>[vector<16xi32>, vector<16xi32>], vector<16xf32>,
      %add3A_969 = arith.constant 1 : i32
      %add3A_970 = arith.addi %scan3A_561, %add3A_969 : i32
      %lt3A_971 = arith.constant 64 : i32
      %lt3A_972 = arith.cmpi slt, %add3A_970, %lt3A_971 : i32
      %convert_element_type3A_973 = arith.extui %lt3A_972 : i1 to i32
      %cond3A_974 = arith.constant 0 : i32
      %cond3A_975 = arith.cmpi ne, %convert_element_type3A_973, %cond3A_974 : i32
      scf.if %cond3A_975 {
        %slice3A_1117 = vector.extract_strided_slice %get3A_577 {offsets = [11], sizes = [1], strides = [1]} : vector<16xi32> to vector<1xi32>
        %squeeze3A_1118 = vector.extract %slice3A_1117[0] : i32 from vector<1xi32>
        %jit3A_1119 = arith.constant 128 : i32
        %div3A_1120 = arith.divsi %squeeze3A_1118, %jit3A_1119 : i32
        %sign3A_1121 = arith.constant 0 : i32
        %sign3A_1122 = arith.cmpi sgt, %squeeze3A_1118, %sign3A_1121 : i32
        %sign3A_1123 = arith.extui %sign3A_1122 : i1 to i32
        %sign3A_1124 = arith.constant 0 : i32
        %sign3A_1125 = arith.cmpi slt, %squeeze3A_1118, %sign3A_1124 : i32
        %sign3A_1126 = arith.extui %sign3A_1125 : i1 to i32
        %sign3A_1127 = arith.subi %sign3A_1123, %sign3A_1126 : i32
        %sign3A_1128 = arith.constant 0 : i32
        %sign3A_1129 = arith.cmpi sgt, %jit3A_1119, %sign3A_1128 : i32
        %sign3A_1130 = arith.extui %sign3A_1129 : i1 to i32
        %sign3A_1131 = arith.constant 0 : i32
        %sign3A_1132 = arith.cmpi slt, %jit3A_1119, %sign3A_1131 : i32
        %sign3A_1133 = arith.extui %sign3A_1132 : i1 to i32
        %sign3A_1134 = arith.subi %sign3A_1130, %sign3A_1133 : i32
        %ne3A_1135 = arith.cmpi ne, %sign3A_1127, %sign3A_1134 : i32
        %rem3A_1136 = arith.remsi %squeeze3A_1118, %jit3A_1119 : i32
        %ne3A_1137 = arith.constant 0 : i32
        %ne3A_1138 = arith.cmpi ne, %rem3A_1136, %ne3A_1137 : i32
        %and3A_1139 = arith.andi %ne3A_1135, %ne3A_1138 : i1
        %sub3A_1140 = arith.constant 1 : i32
        %sub3A_1141 = arith.subi %div3A_1120, %sub3A_1140 : i32
        %select_n3A_1142 = arith.select %and3A_1139, %sub3A_1141, %div3A_1120 : i32
        %mul3A_1143 = arith.constant 128 : i32
        %mul3A_1144 = arith.muli %select_n3A_1142, %mul3A_1143 : i32
        %multiple_of3A_1145 = tpu.assume_multiple %mul3A_1144, 128 : i32
        %dma_start3A_1146 = tpu.memref_slice %arg2[%multiple_of3A, %multiple_of3A_1145] : memref<64x1000000xf32, #tpu.memory_space<hbm>> -> memref<8x128xf32, #tpu.memory_space<hbm>>
        %dma_start3A_1147 = tpu.memref_slice %arg2[%multiple_of3A, %multiple_of3A_1145] : memref<64x1000000xf32, #tpu.memory_space<hbm>> -> memref<8x128xf32, #tpu.memory_space<hbm>>
        tpu.enqueue_dma source(%dma_start3A_1147 : memref<8x128xf32, #tpu.memory_space<hbm>>) target(%arg18 : memref<8x128xf32, #tpu.memory_space<vmem>>) target_semaphore(%arg34 : memref<!tpu.dma_semaphore, #tpu.memory_space<semaphore_mem>>)
      } else {
      }
      %mul3A_976 = arith.constant 16 : i32
      %mul3A_977 = arith.muli %scan3A_561, %mul3A_976 : i32
      %add3A_978 = arith.constant 11 : i32
      %add3A_979 = arith.addi %mul3A_977, %add3A_978 : i32
      %broadcast_in_dim3A_980 = vector.broadcast %add3A_979 : i32 to vector<16xi32>
      tpu.vector_store_idx %arg6[%select_n3A_56, %broadcast_in_dim3A_980], %gather3A_968 masked %lt3A_59 : memref<8x1024xf32, #tpu.memory_space<vmem>>[vector<16xi32>, vector<16xi32>], vector<16xf32>, vector<16xi1>
      %dma_wait3A_981 = tpu.memref_slice %arg2[%multiple_of3A, %multiple_of3A_458] : memref<64x1000000xf32, #tpu.memory_space<hbm>> -> memref<8x128xf32, #tpu.memory_space<hbm>>
      %dma_wait3A_982 = tpu.memref_slice %arg2[%multiple_of3A, %multiple_of3A_458] : memref<64x1000000xf32, #tpu.memory_space<hbm>> -> memref<8x128xf32, #tpu.memory_space<hbm>>
      tpu.wait_dma2 semaphore(%arg35 : memref<!tpu.dma_semaphore, #tpu.memory_space<semaphore_mem>>) src(%dma_wait3A_982 : memref<8x128xf32, #tpu.memory_space<hbm>>) dst(%arg19 : memref<8x128xf32, #tpu.memory_space<vmem>>)
      %slice3A_983 = vector.extract_strided_slice %get3A_565 {offsets = [12], sizes = [1], strides = [1]} : vector<16xi32> to vector<1xi32>
      %squeeze3A_984 = vector.extract %slice3A_983[0] : i32 from vector<1xi32>
      %jit3A_985 = arith.constant 128 : i32
      %eq3A_986 = arith.constant 0 : i32
      %eq3A_987 = arith.cmpi eq, %jit3A_985, %eq3A_986 : i32
      %jit3A_988 = arith.constant 1 : i32
      %select_n3A_989 = arith.select %eq3A_987, %jit3A_988, %jit3A_985 : i32
      %rem3A_990 = arith.remsi %squeeze3A_984, %select_n3A_989 : i32
      %ne3A_991 = arith.constant 0 : i32
      %ne3A_992 = arith.cmpi ne, %rem3A_990, %ne3A_991 : i32
      %lt3A_993 = arith.constant 0 : i32
      %lt3A_994 = arith.cmpi slt, %rem3A_990, %lt3A_993 : i32
      %lt3A_995 = arith.constant 0 : i32
      %lt3A_996 = arith.cmpi slt, %select_n3A_989, %lt3A_995 : i32
      %ne3A_997 = arith.xori %lt3A_994, %lt3A_996 : i1
      %and3A_998 = arith.andi %ne3A_997, %ne3A_992 : i1
      %add3A_999 = arith.addi %rem3A_990, %select_n3A_989 : i32
      %select_n3A_1000 = arith.select %and3A_998, %add3A_999, %rem3A_990 : i32
      %broadcast_in_dim3A_1001 = vector.broadcast %select_n3A_1000 : i32 to vector<16xi32>
      %gather3A_1002 = tpu.vector_load_idx %arg19[%select_n3A_56, %broadcast_in_dim3A_1001] : memref<8x128xf32, #tpu.memory_space<vmem>>[vector<16xi32>, vector<16xi32>], vector<16xf32>,
      %add3A_1003 = arith.constant 1 : i32
      %add3A_1004 = arith.addi %scan3A_561, %add3A_1003 : i32
      %lt3A_1005 = arith.constant 64 : i32
      %lt3A_1006 = arith.cmpi slt, %add3A_1004, %lt3A_1005 : i32
      %convert_element_type3A_1007 = arith.extui %lt3A_1006 : i1 to i32
      %cond3A_1008 = arith.constant 0 : i32
      %cond3A_1009 = arith.cmpi ne, %convert_element_type3A_1007, %cond3A_1008 : i32
      scf.if %cond3A_1009 {
        %slice3A_1117 = vector.extract_strided_slice %get3A_577 {offsets = [12], sizes = [1], strides = [1]} : vector<16xi32> to vector<1xi32>
        %squeeze3A_1118 = vector.extract %slice3A_1117[0] : i32 from vector<1xi32>
        %jit3A_1119 = arith.constant 128 : i32
        %div3A_1120 = arith.divsi %squeeze3A_1118, %jit3A_1119 : i32
        %sign3A_1121 = arith.constant 0 : i32
        %sign3A_1122 = arith.cmpi sgt, %squeeze3A_1118, %sign3A_1121 : i32
        %sign3A_1123 = arith.extui %sign3A_1122 : i1 to i32
        %sign3A_1124 = arith.constant 0 : i32
        %sign3A_1125 = arith.cmpi slt, %squeeze3A_1118, %sign3A_1124 : i32
        %sign3A_1126 = arith.extui %sign3A_1125 : i1 to i32
        %sign3A_1127 = arith.subi %sign3A_1123, %sign3A_1126 : i32
        %sign3A_1128 = arith.constant 0 : i32
        %sign3A_1129 = arith.cmpi sgt, %jit3A_1119, %sign3A_1128 : i32
        %sign3A_1130 = arith.extui %sign3A_1129 : i1 to i32
        %sign3A_1131 = arith.constant 0 : i32
        %sign3A_1132 = arith.cmpi slt, %jit3A_1119, %sign3A_1131 : i32
        %sign3A_1133 = arith.extui %sign3A_1132 : i1 to i32
        %sign3A_1134 = arith.subi %sign3A_1130, %sign3A_1133 : i32
        %ne3A_1135 = arith.cmpi ne, %sign3A_1127, %sign3A_1134 : i32
        %rem3A_1136 = arith.remsi %squeeze3A_1118, %jit3A_1119 : i32
        %ne3A_1137 = arith.constant 0 : i32
        %ne3A_1138 = arith.cmpi ne, %rem3A_1136, %ne3A_1137 : i32
        %and3A_1139 = arith.andi %ne3A_1135, %ne3A_1138 : i1
        %sub3A_1140 = arith.constant 1 : i32
        %sub3A_1141 = arith.subi %div3A_1120, %sub3A_1140 : i32
        %select_n3A_1142 = arith.select %and3A_1139, %sub3A_1141, %div3A_1120 : i32
        %mul3A_1143 = arith.constant 128 : i32
        %mul3A_1144 = arith.muli %select_n3A_1142, %mul3A_1143 : i32
        %multiple_of3A_1145 = tpu.assume_multiple %mul3A_1144, 128 : i32
        %dma_start3A_1146 = tpu.memref_slice %arg2[%multiple_of3A, %multiple_of3A_1145] : memref<64x1000000xf32, #tpu.memory_space<hbm>> -> memref<8x128xf32, #tpu.memory_space<hbm>>
        %dma_start3A_1147 = tpu.memref_slice %arg2[%multiple_of3A, %multiple_of3A_1145] : memref<64x1000000xf32, #tpu.memory_space<hbm>> -> memref<8x128xf32, #tpu.memory_space<hbm>>
        tpu.enqueue_dma source(%dma_start3A_1147 : memref<8x128xf32, #tpu.memory_space<hbm>>) target(%arg19 : memref<8x128xf32, #tpu.memory_space<vmem>>) target_semaphore(%arg35 : memref<!tpu.dma_semaphore, #tpu.memory_space<semaphore_mem>>)
      } else {
      }
      %mul3A_1010 = arith.constant 16 : i32
      %mul3A_1011 = arith.muli %scan3A_561, %mul3A_1010 : i32
      %add3A_1012 = arith.constant 12 : i32
      %add3A_1013 = arith.addi %mul3A_1011, %add3A_1012 : i32
      %broadcast_in_dim3A_1014 = vector.broadcast %add3A_1013 : i32 to vector<16xi32>
      tpu.vector_store_idx %arg6[%select_n3A_56, %broadcast_in_dim3A_1014], %gather3A_1002 masked %lt3A_59 : memref<8x1024xf32, #tpu.memory_space<vmem>>[vector<16xi32>, vector<16xi32>], vector<16xf32>, vector<16xi1>
      %dma_wait3A_1015 = tpu.memref_slice %arg2[%multiple_of3A, %multiple_of3A_489] : memref<64x1000000xf32, #tpu.memory_space<hbm>> -> memref<8x128xf32, #tpu.memory_space<hbm>>
      %dma_wait3A_1016 = tpu.memref_slice %arg2[%multiple_of3A, %multiple_of3A_489] : memref<64x1000000xf32, #tpu.memory_space<hbm>> -> memref<8x128xf32, #tpu.memory_space<hbm>>
      tpu.wait_dma2 semaphore(%arg36 : memref<!tpu.dma_semaphore, #tpu.memory_space<semaphore_mem>>) src(%dma_wait3A_1016 : memref<8x128xf32, #tpu.memory_space<hbm>>) dst(%arg20 : memref<8x128xf32, #tpu.memory_space<vmem>>)
      %slice3A_1017 = vector.extract_strided_slice %get3A_565 {offsets = [13], sizes = [1], strides = [1]} : vector<16xi32> to vector<1xi32>
      %squeeze3A_1018 = vector.extract %slice3A_1017[0] : i32 from vector<1xi32>
      %jit3A_1019 = arith.constant 128 : i32
      %eq3A_1020 = arith.constant 0 : i32
      %eq3A_1021 = arith.cmpi eq, %jit3A_1019, %eq3A_1020 : i32
      %jit3A_1022 = arith.constant 1 : i32
      %select_n3A_1023 = arith.select %eq3A_1021, %jit3A_1022, %jit3A_1019 : i32
      %rem3A_1024 = arith.remsi %squeeze3A_1018, %select_n3A_1023 : i32
      %ne3A_1025 = arith.constant 0 : i32
      %ne3A_1026 = arith.cmpi ne, %rem3A_1024, %ne3A_1025 : i32
      %lt3A_1027 = arith.constant 0 : i32
      %lt3A_1028 = arith.cmpi slt, %rem3A_1024, %lt3A_1027 : i32
      %lt3A_1029 = arith.constant 0 : i32
      %lt3A_1030 = arith.cmpi slt, %select_n3A_1023, %lt3A_1029 : i32
      %ne3A_1031 = arith.xori %lt3A_1028, %lt3A_1030 : i1
      %and3A_1032 = arith.andi %ne3A_1031, %ne3A_1026 : i1
      %add3A_1033 = arith.addi %rem3A_1024, %select_n3A_1023 : i32
      %select_n3A_1034 = arith.select %and3A_1032, %add3A_1033, %rem3A_1024 : i32
      %broadcast_in_dim3A_1035 = vector.broadcast %select_n3A_1034 : i32 to vector<16xi32>
      %gather3A_1036 = tpu.vector_load_idx %arg20[%select_n3A_56, %broadcast_in_dim3A_1035] : memref<8x128xf32, #tpu.memory_space<vmem>>[vector<16xi32>, vector<16xi32>], vector<16xf32>,
      %add3A_1037 = arith.constant 1 : i32
      %add3A_1038 = arith.addi %scan3A_561, %add3A_1037 : i32
      %lt3A_1039 = arith.constant 64 : i32
      %lt3A_1040 = arith.cmpi slt, %add3A_1038, %lt3A_1039 : i32
      %convert_element_type3A_1041 = arith.extui %lt3A_1040 : i1 to i32
      %cond3A_1042 = arith.constant 0 : i32
      %cond3A_1043 = arith.cmpi ne, %convert_element_type3A_1041, %cond3A_1042 : i32
      scf.if %cond3A_1043 {
        %slice3A_1117 = vector.extract_strided_slice %get3A_577 {offsets = [13], sizes = [1], strides = [1]} : vector<16xi32> to vector<1xi32>
        %squeeze3A_1118 = vector.extract %slice3A_1117[0] : i32 from vector<1xi32>
        %jit3A_1119 = arith.constant 128 : i32
        %div3A_1120 = arith.divsi %squeeze3A_1118, %jit3A_1119 : i32
        %sign3A_1121 = arith.constant 0 : i32
        %sign3A_1122 = arith.cmpi sgt, %squeeze3A_1118, %sign3A_1121 : i32
        %sign3A_1123 = arith.extui %sign3A_1122 : i1 to i32
        %sign3A_1124 = arith.constant 0 : i32
        %sign3A_1125 = arith.cmpi slt, %squeeze3A_1118, %sign3A_1124 : i32
        %sign3A_1126 = arith.extui %sign3A_1125 : i1 to i32
        %sign3A_1127 = arith.subi %sign3A_1123, %sign3A_1126 : i32
        %sign3A_1128 = arith.constant 0 : i32
        %sign3A_1129 = arith.cmpi sgt, %jit3A_1119, %sign3A_1128 : i32
        %sign3A_1130 = arith.extui %sign3A_1129 : i1 to i32
        %sign3A_1131 = arith.constant 0 : i32
        %sign3A_1132 = arith.cmpi slt, %jit3A_1119, %sign3A_1131 : i32
        %sign3A_1133 = arith.extui %sign3A_1132 : i1 to i32
        %sign3A_1134 = arith.subi %sign3A_1130, %sign3A_1133 : i32
        %ne3A_1135 = arith.cmpi ne, %sign3A_1127, %sign3A_1134 : i32
        %rem3A_1136 = arith.remsi %squeeze3A_1118, %jit3A_1119 : i32
        %ne3A_1137 = arith.constant 0 : i32
        %ne3A_1138 = arith.cmpi ne, %rem3A_1136, %ne3A_1137 : i32
        %and3A_1139 = arith.andi %ne3A_1135, %ne3A_1138 : i1
        %sub3A_1140 = arith.constant 1 : i32
        %sub3A_1141 = arith.subi %div3A_1120, %sub3A_1140 : i32
        %select_n3A_1142 = arith.select %and3A_1139, %sub3A_1141, %div3A_1120 : i32
        %mul3A_1143 = arith.constant 128 : i32
        %mul3A_1144 = arith.muli %select_n3A_1142, %mul3A_1143 : i32
        %multiple_of3A_1145 = tpu.assume_multiple %mul3A_1144, 128 : i32
        %dma_start3A_1146 = tpu.memref_slice %arg2[%multiple_of3A, %multiple_of3A_1145] : memref<64x1000000xf32, #tpu.memory_space<hbm>> -> memref<8x128xf32, #tpu.memory_space<hbm>>
        %dma_start3A_1147 = tpu.memref_slice %arg2[%multiple_of3A, %multiple_of3A_1145] : memref<64x1000000xf32, #tpu.memory_space<hbm>> -> memref<8x128xf32, #tpu.memory_space<hbm>>
        tpu.enqueue_dma source(%dma_start3A_1147 : memref<8x128xf32, #tpu.memory_space<hbm>>) target(%arg20 : memref<8x128xf32, #tpu.memory_space<vmem>>) target_semaphore(%arg36 : memref<!tpu.dma_semaphore, #tpu.memory_space<semaphore_mem>>)
      } else {
      }
      %mul3A_1044 = arith.constant 16 : i32
      %mul3A_1045 = arith.muli %scan3A_561, %mul3A_1044 : i32
      %add3A_1046 = arith.constant 13 : i32
      %add3A_1047 = arith.addi %mul3A_1045, %add3A_1046 : i32
      %broadcast_in_dim3A_1048 = vector.broadcast %add3A_1047 : i32 to vector<16xi32>
      tpu.vector_store_idx %arg6[%select_n3A_56, %broadcast_in_dim3A_1048], %gather3A_1036 masked %lt3A_59 : memref<8x1024xf32, #tpu.memory_space<vmem>>[vector<16xi32>, vector<16xi32>], vector<16xf32>, vector<16xi1>
      %dma_wait3A_1049 = tpu.memref_slice %arg2[%multiple_of3A, %multiple_of3A_520] : memref<64x1000000xf32, #tpu.memory_space<hbm>> -> memref<8x128xf32, #tpu.memory_space<hbm>>
      %dma_wait3A_1050 = tpu.memref_slice %arg2[%multiple_of3A, %multiple_of3A_520] : memref<64x1000000xf32, #tpu.memory_space<hbm>> -> memref<8x128xf32, #tpu.memory_space<hbm>>
      tpu.wait_dma2 semaphore(%arg37 : memref<!tpu.dma_semaphore, #tpu.memory_space<semaphore_mem>>) src(%dma_wait3A_1050 : memref<8x128xf32, #tpu.memory_space<hbm>>) dst(%arg21 : memref<8x128xf32, #tpu.memory_space<vmem>>)
      %slice3A_1051 = vector.extract_strided_slice %get3A_565 {offsets = [14], sizes = [1], strides = [1]} : vector<16xi32> to vector<1xi32>
      %squeeze3A_1052 = vector.extract %slice3A_1051[0] : i32 from vector<1xi32>
      %jit3A_1053 = arith.constant 128 : i32
      %eq3A_1054 = arith.constant 0 : i32
      %eq3A_1055 = arith.cmpi eq, %jit3A_1053, %eq3A_1054 : i32
      %jit3A_1056 = arith.constant 1 : i32
      %select_n3A_1057 = arith.select %eq3A_1055, %jit3A_1056, %jit3A_1053 : i32
      %rem3A_1058 = arith.remsi %squeeze3A_1052, %select_n3A_1057 : i32
      %ne3A_1059 = arith.constant 0 : i32
      %ne3A_1060 = arith.cmpi ne, %rem3A_1058, %ne3A_1059 : i32
      %lt3A_1061 = arith.constant 0 : i32
      %lt3A_1062 = arith.cmpi slt, %rem3A_1058, %lt3A_1061 : i32
      %lt3A_1063 = arith.constant 0 : i32
      %lt3A_1064 = arith.cmpi slt, %select_n3A_1057, %lt3A_1063 : i32
      %ne3A_1065 = arith.xori %lt3A_1062, %lt3A_1064 : i1
      %and3A_1066 = arith.andi %ne3A_1065, %ne3A_1060 : i1
      %add3A_1067 = arith.addi %rem3A_1058, %select_n3A_1057 : i32
      %select_n3A_1068 = arith.select %and3A_1066, %add3A_1067, %rem3A_1058 : i32
      %broadcast_in_dim3A_1069 = vector.broadcast %select_n3A_1068 : i32 to vector<16xi32>
      %gather3A_1070 = tpu.vector_load_idx %arg21[%select_n3A_56, %broadcast_in_dim3A_1069] : memref<8x128xf32, #tpu.memory_space<vmem>>[vector<16xi32>, vector<16xi32>], vector<16xf32>,
      %add3A_1071 = arith.constant 1 : i32
      %add3A_1072 = arith.addi %scan3A_561, %add3A_1071 : i32
      %lt3A_1073 = arith.constant 64 : i32
      %lt3A_1074 = arith.cmpi slt, %add3A_1072, %lt3A_1073 : i32
      %convert_element_type3A_1075 = arith.extui %lt3A_1074 : i1 to i32
      %cond3A_1076 = arith.constant 0 : i32
      %cond3A_1077 = arith.cmpi ne, %convert_element_type3A_1075, %cond3A_1076 : i32
      scf.if %cond3A_1077 {
        %slice3A_1117 = vector.extract_strided_slice %get3A_577 {offsets = [14], sizes = [1], strides = [1]} : vector<16xi32> to vector<1xi32>
        %squeeze3A_1118 = vector.extract %slice3A_1117[0] : i32 from vector<1xi32>
        %jit3A_1119 = arith.constant 128 : i32
        %div3A_1120 = arith.divsi %squeeze3A_1118, %jit3A_1119 : i32
        %sign3A_1121 = arith.constant 0 : i32
        %sign3A_1122 = arith.cmpi sgt, %squeeze3A_1118, %sign3A_1121 : i32
        %sign3A_1123 = arith.extui %sign3A_1122 : i1 to i32
        %sign3A_1124 = arith.constant 0 : i32
        %sign3A_1125 = arith.cmpi slt, %squeeze3A_1118, %sign3A_1124 : i32
        %sign3A_1126 = arith.extui %sign3A_1125 : i1 to i32
        %sign3A_1127 = arith.subi %sign3A_1123, %sign3A_1126 : i32
        %sign3A_1128 = arith.constant 0 : i32
        %sign3A_1129 = arith.cmpi sgt, %jit3A_1119, %sign3A_1128 : i32
        %sign3A_1130 = arith.extui %sign3A_1129 : i1 to i32
        %sign3A_1131 = arith.constant 0 : i32
        %sign3A_1132 = arith.cmpi slt, %jit3A_1119, %sign3A_1131 : i32
        %sign3A_1133 = arith.extui %sign3A_1132 : i1 to i32
        %sign3A_1134 = arith.subi %sign3A_1130, %sign3A_1133 : i32
        %ne3A_1135 = arith.cmpi ne, %sign3A_1127, %sign3A_1134 : i32
        %rem3A_1136 = arith.remsi %squeeze3A_1118, %jit3A_1119 : i32
        %ne3A_1137 = arith.constant 0 : i32
        %ne3A_1138 = arith.cmpi ne, %rem3A_1136, %ne3A_1137 : i32
        %and3A_1139 = arith.andi %ne3A_1135, %ne3A_1138 : i1
        %sub3A_1140 = arith.constant 1 : i32
        %sub3A_1141 = arith.subi %div3A_1120, %sub3A_1140 : i32
        %select_n3A_1142 = arith.select %and3A_1139, %sub3A_1141, %div3A_1120 : i32
        %mul3A_1143 = arith.constant 128 : i32
        %mul3A_1144 = arith.muli %select_n3A_1142, %mul3A_1143 : i32
        %multiple_of3A_1145 = tpu.assume_multiple %mul3A_1144, 128 : i32
        %dma_start3A_1146 = tpu.memref_slice %arg2[%multiple_of3A, %multiple_of3A_1145] : memref<64x1000000xf32, #tpu.memory_space<hbm>> -> memref<8x128xf32, #tpu.memory_space<hbm>>
        %dma_start3A_1147 = tpu.memref_slice %arg2[%multiple_of3A, %multiple_of3A_1145] : memref<64x1000000xf32, #tpu.memory_space<hbm>> -> memref<8x128xf32, #tpu.memory_space<hbm>>
        tpu.enqueue_dma source(%dma_start3A_1147 : memref<8x128xf32, #tpu.memory_space<hbm>>) target(%arg21 : memref<8x128xf32, #tpu.memory_space<vmem>>) target_semaphore(%arg37 : memref<!tpu.dma_semaphore, #tpu.memory_space<semaphore_mem>>)
      } else {
      }
      %mul3A_1078 = arith.constant 16 : i32
      %mul3A_1079 = arith.muli %scan3A_561, %mul3A_1078 : i32
      %add3A_1080 = arith.constant 14 : i32
      %add3A_1081 = arith.addi %mul3A_1079, %add3A_1080 : i32
      %broadcast_in_dim3A_1082 = vector.broadcast %add3A_1081 : i32 to vector<16xi32>
      tpu.vector_store_idx %arg6[%select_n3A_56, %broadcast_in_dim3A_1082], %gather3A_1070 masked %lt3A_59 : memref<8x1024xf32, #tpu.memory_space<vmem>>[vector<16xi32>, vector<16xi32>], vector<16xf32>, vector<16xi1>
      %dma_wait3A_1083 = tpu.memref_slice %arg2[%multiple_of3A, %multiple_of3A_551] : memref<64x1000000xf32, #tpu.memory_space<hbm>> -> memref<8x128xf32, #tpu.memory_space<hbm>>
      %dma_wait3A_1084 = tpu.memref_slice %arg2[%multiple_of3A, %multiple_of3A_551] : memref<64x1000000xf32, #tpu.memory_space<hbm>> -> memref<8x128xf32, #tpu.memory_space<hbm>>
      tpu.wait_dma2 semaphore(%arg38 : memref<!tpu.dma_semaphore, #tpu.memory_space<semaphore_mem>>) src(%dma_wait3A_1084 : memref<8x128xf32, #tpu.memory_space<hbm>>) dst(%arg22 : memref<8x128xf32, #tpu.memory_space<vmem>>)
      %slice3A_1085 = vector.extract_strided_slice %get3A_565 {offsets = [15], sizes = [1], strides = [1]} : vector<16xi32> to vector<1xi32>
      %squeeze3A_1086 = vector.extract %slice3A_1085[0] : i32 from vector<1xi32>
      %jit3A_1087 = arith.constant 128 : i32
      %eq3A_1088 = arith.constant 0 : i32
      %eq3A_1089 = arith.cmpi eq, %jit3A_1087, %eq3A_1088 : i32
      %jit3A_1090 = arith.constant 1 : i32
      %select_n3A_1091 = arith.select %eq3A_1089, %jit3A_1090, %jit3A_1087 : i32
      %rem3A_1092 = arith.remsi %squeeze3A_1086, %select_n3A_1091 : i32
      %ne3A_1093 = arith.constant 0 : i32
      %ne3A_1094 = arith.cmpi ne, %rem3A_1092, %ne3A_1093 : i32
      %lt3A_1095 = arith.constant 0 : i32
      %lt3A_1096 = arith.cmpi slt, %rem3A_1092, %lt3A_1095 : i32
      %lt3A_1097 = arith.constant 0 : i32
      %lt3A_1098 = arith.cmpi slt, %select_n3A_1091, %lt3A_1097 : i32
      %ne3A_1099 = arith.xori %lt3A_1096, %lt3A_1098 : i1
      %and3A_1100 = arith.andi %ne3A_1099, %ne3A_1094 : i1
      %add3A_1101 = arith.addi %rem3A_1092, %select_n3A_1091 : i32
      %select_n3A_1102 = arith.select %and3A_1100, %add3A_1101, %rem3A_1092 : i32
      %broadcast_in_dim3A_1103 = vector.broadcast %select_n3A_1102 : i32 to vector<16xi32>
      %gather3A_1104 = tpu.vector_load_idx %arg22[%select_n3A_56, %broadcast_in_dim3A_1103] : memref<8x128xf32, #tpu.memory_space<vmem>>[vector<16xi32>, vector<16xi32>], vector<16xf32>,
      %add3A_1105 = arith.constant 1 : i32
      %add3A_1106 = arith.addi %scan3A_561, %add3A_1105 : i32
      %lt3A_1107 = arith.constant 64 : i32
      %lt3A_1108 = arith.cmpi slt, %add3A_1106, %lt3A_1107 : i32
      %convert_element_type3A_1109 = arith.extui %lt3A_1108 : i1 to i32
      %cond3A_1110 = arith.constant 0 : i32
      %cond3A_1111 = arith.cmpi ne, %convert_element_type3A_1109, %cond3A_1110 : i32
      scf.if %cond3A_1111 {
        %slice3A_1117 = vector.extract_strided_slice %get3A_577 {offsets = [15], sizes = [1], strides = [1]} : vector<16xi32> to vector<1xi32>
        %squeeze3A_1118 = vector.extract %slice3A_1117[0] : i32 from vector<1xi32>
        %jit3A_1119 = arith.constant 128 : i32
        %div3A_1120 = arith.divsi %squeeze3A_1118, %jit3A_1119 : i32
        %sign3A_1121 = arith.constant 0 : i32
        %sign3A_1122 = arith.cmpi sgt, %squeeze3A_1118, %sign3A_1121 : i32
        %sign3A_1123 = arith.extui %sign3A_1122 : i1 to i32
        %sign3A_1124 = arith.constant 0 : i32
        %sign3A_1125 = arith.cmpi slt, %squeeze3A_1118, %sign3A_1124 : i32
        %sign3A_1126 = arith.extui %sign3A_1125 : i1 to i32
        %sign3A_1127 = arith.subi %sign3A_1123, %sign3A_1126 : i32
        %sign3A_1128 = arith.constant 0 : i32
        %sign3A_1129 = arith.cmpi sgt, %jit3A_1119, %sign3A_1128 : i32
        %sign3A_1130 = arith.extui %sign3A_1129 : i1 to i32
        %sign3A_1131 = arith.constant 0 : i32
        %sign3A_1132 = arith.cmpi slt, %jit3A_1119, %sign3A_1131 : i32
        %sign3A_1133 = arith.extui %sign3A_1132 : i1 to i32
        %sign3A_1134 = arith.subi %sign3A_1130, %sign3A_1133 : i32
        %ne3A_1135 = arith.cmpi ne, %sign3A_1127, %sign3A_1134 : i32
        %rem3A_1136 = arith.remsi %squeeze3A_1118, %jit3A_1119 : i32
        %ne3A_1137 = arith.constant 0 : i32
        %ne3A_1138 = arith.cmpi ne, %rem3A_1136, %ne3A_1137 : i32
        %and3A_1139 = arith.andi %ne3A_1135, %ne3A_1138 : i1
        %sub3A_1140 = arith.constant 1 : i32
        %sub3A_1141 = arith.subi %div3A_1120, %sub3A_1140 : i32
        %select_n3A_1142 = arith.select %and3A_1139, %sub3A_1141, %div3A_1120 : i32
        %mul3A_1143 = arith.constant 128 : i32
        %mul3A_1144 = arith.muli %select_n3A_1142, %mul3A_1143 : i32
        %multiple_of3A_1145 = tpu.assume_multiple %mul3A_1144, 128 : i32
        %dma_start3A_1146 = tpu.memref_slice %arg2[%multiple_of3A, %multiple_of3A_1145] : memref<64x1000000xf32, #tpu.memory_space<hbm>> -> memref<8x128xf32, #tpu.memory_space<hbm>>
        %dma_start3A_1147 = tpu.memref_slice %arg2[%multiple_of3A, %multiple_of3A_1145] : memref<64x1000000xf32, #tpu.memory_space<hbm>> -> memref<8x128xf32, #tpu.memory_space<hbm>>
        tpu.enqueue_dma source(%dma_start3A_1147 : memref<8x128xf32, #tpu.memory_space<hbm>>) target(%arg22 : memref<8x128xf32, #tpu.memory_space<vmem>>) target_semaphore(%arg38 : memref<!tpu.dma_semaphore, #tpu.memory_space<semaphore_mem>>)
      } else {
      }
      %mul3A_1112 = arith.constant 16 : i32
      %mul3A_1113 = arith.muli %scan3A_561, %mul3A_1112 : i32
      %add3A_1114 = arith.constant 15 : i32
      %add3A_1115 = arith.addi %mul3A_1113, %add3A_1114 : i32
      %broadcast_in_dim3A_1116 = vector.broadcast %add3A_1115 : i32 to vector<16xi32>
      tpu.vector_store_idx %arg6[%select_n3A_56, %broadcast_in_dim3A_1116], %gather3A_1104 masked %lt3A_59 : memref<8x1024xf32, #tpu.memory_space<vmem>>[vector<16xi32>, vector<16xi32>], vector<16xf32>, vector<16xi1>
    }
    %scan3A_558 = arith.constant 64 : i32
    %mul3A_559 = arith.constant 1024 : i32
    %mul3A_560 = arith.muli %select_n3A_30, %mul3A_559 : i32
    "tpu.region"() ({
      %run_scoped3A = tpu.sem_alloc : memref<!tpu.dma_semaphore, #tpu.memory_space<semaphore_mem>>
      %dma_start3A_561 = tpu.memref_slice %arg4[%multiple_of3A, %mul3A_560] : memref<64x4096xf32, #tpu.memory_space<hbm>> -> memref<8x1024xf32, #tpu.memory_space<hbm>>
      %dma_start3A_562 = tpu.memref_slice %arg4[%multiple_of3A, %mul3A_560] : memref<64x4096xf32, #tpu.memory_space<hbm>> -> memref<8x1024xf32, #tpu.memory_space<hbm>>
      tpu.enqueue_dma source(%arg6 : memref<8x1024xf32, #tpu.memory_space<vmem>>) target(%dma_start3A_562 : memref<8x1024xf32, #tpu.memory_space<hbm>>) target_semaphore(%run_scoped3A : memref<!tpu.dma_semaphore, #tpu.memory_space<semaphore_mem>>)
      %dma_wait3A = tpu.memref_slice %arg4[%multiple_of3A, %mul3A_560] : memref<64x4096xf32, #tpu.memory_space<hbm>> -> memref<8x1024xf32, #tpu.memory_space<hbm>>
      %dma_wait3A_563 = tpu.memref_slice %arg4[%multiple_of3A, %mul3A_560] : memref<64x4096xf32, #tpu.memory_space<hbm>> -> memref<8x1024xf32, #tpu.memory_space<hbm>>
      tpu.wait_dma2 semaphore(%run_scoped3A : memref<!tpu.dma_semaphore, #tpu.memory_space<semaphore_mem>>) src(%arg6 : memref<8x1024xf32, #tpu.memory_space<vmem>>) dst(%dma_wait3A_563 : memref<8x1024xf32, #tpu.memory_space<hbm>>)
      tpu.yield
    }) : () -> ()
    return
  }
}

</mosaic_0001>

<sc_bundles>
// kernel: kernel.3.cloned.1.call-start
scs
__scs_entry_jumppad:
0x0: {  	(pc) =	sbr.rel $0x88, $3  }
0x1: {  	(tag) =	ssettag $0x0;
	lr =	simm.s32 $0x1  }
0x2: {  	[smem:$0x3FA0] =	sst lr;
	_ =	strace $0xD0000000  }
0x3: {  	_ = 	snop  }
0x4: {  	_ = 	snop  }
0x5: {  	_ = 	snop  }
0x6: {  	_ = 	snop  }
0x7: {  	_ = 	snop  }
__scs_overlays_trampoline_lowered:
0x8: {  	[smem:$0x3FAF] =	sst s0  }
0x9: {  	[smem:$0x3FB0] =	sst s1  }
0xa: {  	[smem:$0x3FB1] =	sst s2  }
0xb: {  	[smem:$0x3FB2] =	sst s3  }
0xc: {  	[smem:$0x3FB3] =	sst s4  }
0xd: {  	[smem:$0x3FB4] =	sst s5  }
0xe: {  	[smem:$0x3FB5] =	sst s6  }
0xf: {  	[smem:$0x3FB6] =	sst s7  }
0x10: {  	[smem:$0x3FB7] =	sst s8  }
0x11: {  	[smem:$0x3FB8] =	sst s9;
	s0 =	simm.s32 @!p0 $0x0  }
0x12: {  	s1 =	sld [smem:$0x3F9E];
	s0 =	simm.s32 @p0 $0x1  }
0x13: {  	[smem:$0x3FB9] =	sst s0;
	s0 =	simm.s32 @!p1 $0x0  }
0x14: {  	s2 =	sld [smem:$0x3F9D];
	s0 =	simm.s32 @p1 $0x1  }
0x15: {  	[smem:$0x3FBA] =	sst s0;
	s0 =	simm.s32 @!p2 $0x0  }
0x16: {  	s3 =	sld [smem:$0x3FDB];
	s0 =	simm.s32 @p2 $0x1  }
0x17: {  	s4 =	simm.s32 $0x1BF5;
	[smem:$0x3FBC] =	sst s0  }
0x18: {  	s0 =	sld [smem:$0x3F9F];
	_ =	swait.ge [sflag:s4], $0x0  }
0x19: {  	s7 =	sld [smem:$0x3FA0]  }
0x1a: {  	s8 =	sadd.s32 $0xFFFFE003, lr  }
0x1b: {  	s9 =	sadd.s32 $0xFFFFFEF7, lr;
	s5 =	simm.s32 $0xFFFFFFFF;
	p2 =	slt.u32 s8, $0xFFFFF086  }
0x1c: {  	p1 =	slt.u32 s9, $0xF7A;
	s5 =	simm.s32 @!p2 $0x0  }
0x1d: {  	s5 =	simm.s32 @p1 $0x1;
	p0 =	seq.s32 s7, s2  }
0x1e: {  	s7 =	smul.u32 @!p0 $0xF7A, s2;
	p2 =	seq.s32 @!p0 s5, $0x0  }
0x1f: {  	s9 =	smul.u32 $0xF7A, s1;
	s8 =	simm.s32 @!p0 $0x1BF5;
	p2 =	por !p2, p0  }
0x20: {  	[sflag:s8] =	ssyncset.s32 @!p0 $0xFFFFF086;
	s6 =	sadd.s32 @!p0 s3, s7;
	s7 =	simm.s32 @!p0 $0x108  }
0x21: {  	s3 =	sadd.s32 s3, s9;
	s6 =	sadd.s32 @!p0 $0x88, s6;
	s7 =	simm.s32 @p2 $0x1082  }
0x22: {  	[simem:s7], [sflag:s8] =	dma.local @!p0 [hbm:s6], $0xF7A  }
0x23: {  	s9 =	sor.u32 $0xD0000000, s2;
	s6 =	simm.s32 $0x108;
	_ =	swait.ge @!p0 [sflag:s8], $0x0  }
0x24: {  	s3 =	sadd.s32 $0x88, s3;
	s6 =	simm.s32 @!p1 $0x1082;
	[sflag:s4] =	ssyncset.s32 $0xFFFFF086  }
0x25: {  	[simem:s6], [sflag:s4] =	dma.local [hbm:s3], $0xF7A  }
0x26: {  	[smem:$0x3FA0] =	sst s1;
	(tag) =	ssettag s2;
	_ =	strace s9  }
0x27: {  	s1 =	sld [smem:$0x3FB0]  }
0x28: {  	s2 =	sld [smem:$0x3FB1]  }
0x29: {  	s4 =	sld [smem:$0x3FB3]  }
0x2a: {  	p0 =	seq.s32 s5, $0x0;
	s5 =	sld [smem:$0x3FB4]  }
0x2b: {  	s6 =	sld [smem:$0x3FB5]  }
0x2c: {  	s7 =	sld [smem:$0x3FB6]  }
0x2d: {  	s3 =	simm.s32 $0x108;
	s8 =	sld [smem:$0x3FB7]  }
0x2e: {  	s3 =	simm.s32 @!p0 $0x1082;
	s9 =	sld [smem:$0x3FB8]  }
0x2f: {  	lr =	sadd.s32 s0, s3;
	s0 =	sld [smem:$0x3FAF]  }
0x30: {  	s3 =	sld [smem:$0x3FB2]  }
0x31: {  	[smem:$0x3FBB] =	sst s10  }
0x32: {  	s10 =	sld [smem:$0x3FB9];
	_ =	sdelay $0x3  }
0x33: {  	p0 =	seq.s32 s10, $0x1;
	s10 =	sld [smem:$0x3FBB];
	_ =	sdelay $0x3  }
0x34: {  	[smem:$0x3FBB] =	sst s10  }
0x35: {  	s10 =	sld [smem:$0x3FBA];
	_ =	sdelay $0x3  }
0x36: {  	p1 =	seq.s32 s10, $0x1;
	s10 =	sld [smem:$0x3FBB];
	_ =	sdelay $0x3  }
0x37: {  	[smem:$0x3FBB] =	sst s10  }
0x38: {  	s10 =	sld [smem:$0x3FBC]  }
0x39: {  	_ = 	snop;
	(pc) =	sbr.ind lr, $3  }
0x3a: {  	_ = 	snop  }
0x3b: {  	_ = 	snop  }
0x3c: {  	p2 =	seq.s32 s10, $0x1;
	s10 =	sld [smem:$0x3FBB]  }
0x3d: {  	_ =	shalt  }
0x3e: {  	_ =	shalt  }
0x3f: {  	_ =	shalt  }
0x40: {  	_ =	shalt  }
0x41: {  	_ =	shalt  }
0x42: {  	_ =	shalt  }
0x43: {  	_ =	shalt  }
0x44: {  	_ =	shalt  }
0x45: {  	_ =	shalt  }
0x46: {  	_ =	shalt  }
0x47: {  	_ =	shalt  }
0x48: {  	_ =	shalt  }
0x49: {  	_ =	shalt  }
0x4a: {  	_ =	shalt  }
0x4b: {  	_ =	shalt  }
0x4c: {  	_ =	shalt  }
0x4d: {  	_ =	shalt  }
0x4e: {  	_ =	shalt  }
0x4f: {  	_ =	shalt  }
0x50: {  	_ =	shalt  }
0x51: {  	_ =	shalt  }
0x52: {  	_ =	shalt  }
0x53: {  	_ =	shalt  }
0x54: {  	_ =	shalt  }
0x55: {  	_ =	shalt  }
0x56: {  	_ =	shalt  }
0x57: {  	_ =	shalt  }
0x58: {  	_ =	shalt  }
0x59: {  	_ =	shalt  }
0x5a: {  	_ =	shalt  }
0x5b: {  	_ =	shalt  }
0x5c: {  	_ =	shalt  }
0x5d: {  	_ =	shalt  }
0x5e: {  	_ =	shalt  }
0x5f: {  	_ =	shalt  }
0x60: {  	_ =	shalt  }
0x61: {  	_ =	shalt  }
0x62: {  	_ =	shalt  }
0x63: {  	_ =	shalt  }
0x64: {  	_ =	shalt  }
0x65: {  	_ =	shalt  }
0x66: {  	_ =	shalt  }
0x67: {  	_ =	shalt  }
0x68: {  	_ =	shalt  }
0x69: {  	_ =	shalt  }
0x6a: {  	_ =	shalt  }
0x6b: {  	_ =	shalt  }
0x6c: {  	_ =	shalt  }
0x6d: {  	_ =	shalt  }
0x6e: {  	_ =	shalt  }
0x6f: {  	_ =	shalt  }
0x70: {  	_ =	shalt  }
0x71: {  	_ =	shalt  }
0x72: {  	_ =	shalt  }
0x73: {  	_ =	shalt  }
0x74: {  	_ =	shalt  }
0x75: {  	_ =	shalt  }
0x76: {  	_ =	shalt  }
0x77: {  	_ =	shalt  }
0x78: {  	_ =	shalt  }
0x79: {  	_ =	shalt  }
0x7a: {  	_ =	shalt  }
0x7b: {  	_ =	shalt  }
0x7c: {  	_ =	shalt  }
0x7d: {  	_ =	shalt  }
0x7e: {  	_ =	shalt  }
0x7f: {  	_ =	shalt  }
0x80: {  	_ =	shalt  }
0x81: {  	_ =	shalt  }
0x82: {  	_ =	shalt  }
0x83: {  	_ =	shalt  }
0x84: {  	_ =	shalt  }
0x85: {  	_ =	shalt  }
0x86: {  	_ =	shalt  }
0x87: {  	_ =	shalt  }
.Lfunc_end0:
.L_simem_size_0:
called_computation_lowered:
.L_overlay_start_0:
0x88: {  	s2 =	sld [smem:$0x3FD9]  }
0x89: {  	s3 =	sld [smem:$0x3FFE];
	_ =	sdelay $0x1  }
0x8a: {  	s1 =	srdreg.scid  }
0x8b: {  	s0 =	sand.u32 $0x1, s1  }
0x8c: {  	s17 =	sshll.u32 s0, $0xA;
	s2 =	sadd.s32 s3, s2  }
0x8d: {  	s2 =	sadd.s32 s2, s17  }
0x8e: {  	[smem:$0x3FC7] =	sst s2  }
0x8f: {  	_ = 	snop  }
0x90: {  	s2 =	sld [smem:$0x3FC9]  }
0x91: {  	s18 =	sld [smem:$0x3FD0];
	(tm) =	ssettm $0x1  }
0x92: {  	s4 =	sld [smem:$0x3FFB];
	_ =	sdelay $0x3  }
0x93: {  	_ =	strace s4  }
0x94: {  	s4 =	sld [smem:$0x3FFC];
	_ =	sdelay $0x3  }
0x95: {  	_ =	strace s4  }
0x96: {  	s4 =	sld [smem:$0x3FFD];
	_ =	sdelay $0x3  }
0x97: {  	_ =	strace s4  }
0x98: {  	_ =	strace $0x8FFFFFFF  }
0x99: {  	s19 =	sld [smem:$0x3FDB];
	_ =	sdelay $0x1  }
0x9a: {  	s5 =	simm.s32 $_scs_section_size  }
0x9b: {  	s6 =	simm.s32 $_size__tile_overlayer_lowered;
	s7 =	simm.s32 $_tile_overlayer_lowered  }
0x9c: {  	s22 =	simm.s32 $0x1BFF;
	s21 =	sshll.u32 s7, $0x1;
	s4 =	sadd.s32 s5, s19  }
0x9d: {  	s8 =	simm.s32 $0x0;
	s20 =	sshll.u32 s6, $0x1;
	s6 =	sadd.s32 s21, s4  }
0x9e: {  	[timem:s8], [sflag:s22] =	dma.local [hbm:s6], s20  }
0x9f: {  	_ =	swait.ge [sflag:s22], s20  }
0xa0: {  	s5 =	ssub.s32 $0x0, s20;
	[sflag:s22] =	ssyncset.done $0x0  }
0xa1: {  	[sflag:s22] =	ssyncadd.s32 s5;
	_ =	sdelay $0x1  }
0xa2: {  	s23 =	simm.s32 $0x1B8B  }
0xa3: {  	_ =	swait.ge [sflag:s23], $0x1  }
0xa4: {  	[sflag:s23] =	ssyncset.done $0x0  }
0xa5: {  	s25 =	simm.s32 $0x1B8E;
	s24 =	sld [smem:$0x3FFE];
	[sflag:s23] =	ssyncadd.s32 $0xFFFFFFFF  }
0xa6: {  	s26 =	simm.s32 $execute0_lowered;
	[smem:$0x3FD2] =	sst s25  }
0xa7: {  	s6 =	sshll.u32 s26, $0x1;
	_ =	strace $0x80000046;
	[dreg:$0x1] =	wrdreg $0xFFFFFFFF  }
0xa8: {  	s28 =	simm.s32 $_size_execute0_lowered;
	s4 =	sadd.s32 s4, s6;
	[dreg:$0x0] =	wrdreg $0x0  }
0xa9: {  	s6 =	sshll.u32 s28, $0x1;
	[dreg:$0x2] =	wrdreg s4  }
0xaa: {  	[dreg:$0x3] =	wrdreg s6  }
0xab: {  	[dreg:$0x4] =	wrdreg $0xC0  }
0xac: {  	_ =	task [dreg:s8], $0x5FFFF  }
0xad: {  	[dreg:$0x1] =	wrdreg $0xFFFFFFFF  }
0xae: {  	[dreg:$0x0] =	wrdreg $0x60  }
0xaf: {  	[dreg:$0x2] =	wrdreg s2  }
0xb0: {  	[dreg:$0x3] =	wrdreg s24  }
0xb1: {  	[dreg:$0x4] =	wrdreg s18  }
0xb2: {  	[dreg:$0x5] =	wrdreg $0x9  }
0xb3: {  	_ =	task.clear_ibuf [dreg:s8], $0x6FFFF;
	_ =	strace $0x90000046  }
0xb4: {  	s29 =	simm.s32 $0x9;
	_ =	strace $0x80000048  }
0xb5: {  	_ =	swait.ge [sflag:s29], $0x1  }
0xb6: {  	[sflag:s29] =	ssyncadd.s32 $0xFFFFFFFF  }
0xb7: {  	_ =	strace $0x90000048  }
0xb8: {  	_ =	sfence  }
0xb9: {  	s30 =	sld [smem:$0x0];
	_ =	sdelay $0x2  }
0xba: {  	s31 =	sshll.u32 s1, $0xD;
	s1 =	sshrl.u32 s1, $0x2  }
0xbb: {  	s3 =	sand.u32 $0x4000, s31;
	s1 =	sadd.s32 s1, s30  }
0xbc: {  	s0 =	sor.u32 s3, s0;
	s1 =	sshll.u32 s1, $0x11  }
0xbd: {  	s0 =	sor.u32 s1, s0  }
0xbe: {  	s0 =	sadd.s32 $0x8F2B, s0  }
0xbf: {  	[sflag:s0] =	ssyncadd.remote.s32 $0x1  }
0xc0: {  	_ =	sfence.sel $0xFFFF  }
0xc1: {  	[dreg:$0x0] =	wrdreg $0xFFFFFFFF;
	(pc) =	sbr.abs _section_cstart, $3  }
0xc2: {  	[dreg:$0x1] =	wrdreg $0xFFFFFFFF  }
0xc3: {  	_ =	task.clear_ibuf [dreg:s8], $0x2FFFF;
	_ =	strace $0x9FFFFFFF  }
0xc4: {  	(tm) =	ssettm $0x7FFFFFFF  }
0xc5: {  	_ =	shalt  }
tec
execute0_lowered:
.L_overlay_start_1:
0x0: {  	(tag) =	ssettag $0x1  }
0x1: {  	s2 =	rddreg [dreg:$0x0]  }
0x2: {  	s0 =	rddreg [dreg:$0x1]  }
0x3: {  	s1 =	rddreg [dreg:$0x2];
	s6 =	stileid.u32;
	s16 =	simm.s32 $0x0  }
0x4: {  	s3 =	srdreg.scid;
	s14 =	simm.s32 $0x11;
	s30 =	simm.s32 $0x1  }
0x5: {  	s31 =	simm.s32 $0x2400;
	s23 =	simm.s32 $0x2800;
	s28 =	simm.s32 $0x3400  }
0x6: {  	s29 =	simm.s32 $0x3800;
	s17 =	simm.s32 $0x3C00;
	s18 =	simm.s32 $0x4000  }
0x7: {  	s19 =	simm.s32 $0x4400;
	s20 =	simm.s32 $0x4800;
	s21 =	simm.s32 $0x4C00  }
0x8: {  	s22 =	simm.s32 $0x5000;
	s4 =	sshll.u32 s6, $0x1;
	[smem:$0x7FF] =	sst s16  }
0x9: {  	s3 =	sand.u32 $0x1, s3;
	s6 =	sshrl.u32 s6, $0x1;
	s4 =	sand.u32 $0x2, s4  }
0xa: {  	_ =	strace $0x80000047;
	s7 =	sshll.u32 s6, $0xC;
	s4 =	sor.u32 s3, s4  }
0xb: {  	s3 =	ssub.s32 $0x2, s3;
	s1 =	sadd.s32 s1, s7;
	s5 =	sshll.u32 s4, $0x7  }
0xc: {  	s24 =	sshrl.u32 s3, $0x1;
	s4 =	sshll.u32 s4, $0xA;
	s0 =	sadd.s32 s5, s0  }
0xd: {  	s3 =	ssub.s32 s3, s24;
	s5 =	smul.u32 $0x7A1400, s6;
	s25 =	sadd.s32 s4, s1  }
0xe: {  	s24 =	simm.s32 $0x2C00;
	s1 =	simm.s32 $0x3;
	s4 =	simm.s32 $0x4  }
0xf: {  	v0 =	vlaneseq.u32;
	s0 =	sadd.s32 $0x800, s0;
	[dreg:$0x5] =	wrdreg s25;
	s26 =	smax.u32 s3, $0x1  }
0x10: {  	v0 =	vand.u32 $0x7, v0;
	s25 =	simm.s32 $0x3000;
	s3 =	simm.s32 $0x5;
	[dreg:$0x4] =	wrdreg s0  }
0x11: {  	v0 =	vmul.u32 $0x80, v0;
	[dreg:$0x6] =	wrdreg s26;
	s26 =	simm.s32 $0x400;
	s0 =	simm.s32 $0x0  }
.LBB2_1:
0x12: {  	[dreg:$0x7] =	wrdreg s0  }
0x13: {  	s9 =	rddreg [dreg:$0x4]  }
0x14: {  	[tilespmem:s16], [sflag:$0x11] =	stream.linear.gather [hbm4b:s9+s16], $0x400, $0x38;
	[tilespmem:$0x6400] =	vst v63  }
0x15: {  	_ =	swait.ge [sflag:s14], $0x400  }
0x16: {  	[sflag:s14] =	ssyncset.done $0x0  }
0x17: {  	[sflag:s14] =	ssyncadd.s32 $0xFFFFFC00  }
0x18: {  	v1 =	vld [tilespmem:$0x0];
	_ =	sdelay $0x4  }
0x19: {  	(v2sf) =	vpush v1, $0x0;
	_ =	sdelay $0x6  }
0x1a: {  	(v2sf) =	vpush v1, $0x1;
	_ =	sdelay $0x7  }
0x1b: {  	(v2sf) =	vpush v1, $0x2;
	s12 =	spop (v2sf)  }
0x1c: {  	s13 =	sand.u32 $0x7F, s12  }
0x1d: {  	s15 =	sshra.s32 s12, $0x1F;
	p0 =	slt.s32 s12, $0x1;
	p1 =	sne.s32 s13, $0x0  }
0x1e: {  	s0 =	sshrl.u32 s15, $0x19;
	p0 =	por !p0, !p1  }
0x1f: {  	s14 =	simm.s32 $0x1;
	s9 =	sadd.s32 s0, s12;
	p0 =	por !p0, !p0  }
0x20: {  	s9 =	sshrl.u32 s9, $0x7;
	s14 =	simm.s32 @!p0 $0x0  }
0x21: {  	s9 =	ssub.s32 s9, s14  }
0x22: {  	s6 =	spop (v2sf);
	s9 =	sshll.u32 s9, $0xA  }
0x23: {  	(v2sf) =	vpush v1, $0x3;
	s7 =	sand.u32 $0x7F, s6;
	s8 =	sshra.s32 s6, $0x1F;
	s9 =	sadd.s32 s5, s9  }
0x24: {  	p1 =	slt.s32 s6, $0x1;
	p2 =	sne.s32 s7, $0x0;
	s9 =	sshrl.u32 s9, $0x3  }
0x25: {  	s10 =	sshrl.u32 s8, $0x19;
	p0 =	por !p1, !p2;
	s9 =	sadd.s32 s2, s9  }
0x26: {  	[tilespmem:s31], [sflag:$0x1] =	stream.linear.gather [hbm4b:s9+s16], $0x400, $0x38;
	[tilespmem:$0x6400] =	vst v63  }
0x27: {  	p0 =	por !p0, !p0;
	s14 =	simm.s32 $0x1;
	s9 =	sadd.s32 s10, s6  }
0x28: {  	s14 =	simm.s32 @!p0 $0x0;
	s9 =	sshrl.u32 s9, $0x7  }
0x29: {  	s9 =	ssub.s32 s9, s14  }
0x2a: {  	s11 =	spop (v2sf);
	s9 =	sshll.u32 s9, $0xA  }
0x2b: {  	(v2sf) =	vpush v1, $0x4;
	s12 =	sand.u32 $0x7F, s11;
	s13 =	sshra.s32 s11, $0x1F;
	s9 =	sadd.s32 s5, s9  }
0x2c: {  	p3 =	slt.s32 s11, $0x1;
	p4 =	sne.s32 s12, $0x0;
	s9 =	sshrl.u32 s9, $0x3  }
0x2d: {  	s0 =	sshrl.u32 s13, $0x19;
	p0 =	por !p3, !p4;
	s9 =	sadd.s32 s2, s9  }
0x2e: {  	[tilespmem:s23], [sflag:$0x2] =	stream.linear.gather [hbm4b:s9+s16], $0x400, $0x38;
	[tilespmem:$0x6400] =	vst v63  }
0x2f: {  	p0 =	por !p0, !p0;
	s14 =	simm.s32 $0x1;
	s9 =	sadd.s32 s0, s11  }
0x30: {  	s14 =	simm.s32 @!p0 $0x0;
	s9 =	sshrl.u32 s9, $0x7  }
0x31: {  	s9 =	ssub.s32 s9, s14  }
0x32: {  	s6 =	spop (v2sf);
	s9 =	sshll.u32 s9, $0xA  }
0x33: {  	(v2sf) =	vpush v1, $0x5;
	s7 =	sand.u32 $0x7F, s6;
	s8 =	sshra.s32 s6, $0x1F;
	s9 =	sadd.s32 s5, s9  }
0x34: {  	p5 =	slt.s32 s6, $0x1;
	p6 =	sne.s32 s7, $0x0;
	s9 =	sshrl.u32 s9, $0x3  }
0x35: {  	s10 =	sshrl.u32 s8, $0x19;
	p0 =	por !p5, !p6;
	s9 =	sadd.s32 s2, s9  }
0x36: {  	[tilespmem:s24], [sflag:$0x3] =	stream.linear.gather [hbm4b:s9+s16], $0x400, $0x38;
	[tilespmem:$0x6400] =	vst v63  }
0x37: {  	p0 =	por !p0, !p0;
	s14 =	simm.s32 $0x1;
	s9 =	sadd.s32 s10, s6  }
0x38: {  	s14 =	simm.s32 @!p0 $0x0;
	s9 =	sshrl.u32 s9, $0x7  }
0x39: {  	s9 =	ssub.s32 s9, s14  }
0x3a: {  	s11 =	spop (v2sf);
	s9 =	sshll.u32 s9, $0xA  }
0x3b: {  	(v2sf) =	vpush v1, $0x6;
	s12 =	sand.u32 $0x7F, s11;
	s13 =	sshra.s32 s11, $0x1F;
	s9 =	sadd.s32 s5, s9  }
0x3c: {  	p1 =	slt.s32 s11, $0x1;
	p2 =	sne.s32 s12, $0x0;
	s9 =	sshrl.u32 s9, $0x3  }
0x3d: {  	s0 =	sshrl.u32 s13, $0x19;
	p0 =	por !p1, !p2;
	s9 =	sadd.s32 s2, s9  }
0x3e: {  	[tilespmem:s25], [sflag:$0x4] =	stream.linear.gather [hbm4b:s9+s16], $0x400, $0x38;
	[tilespmem:$0x6400] =	vst v63  }
0x3f: {  	p0 =	por !p0, !p0;
	s14 =	simm.s32 $0x1;
	s9 =	sadd.s32 s0, s11  }
0x40: {  	s14 =	simm.s32 @!p0 $0x0;
	s9 =	sshrl.u32 s9, $0x7  }
0x41: {  	s9 =	ssub.s32 s9, s14  }
0x42: {  	s6 =	spop (v2sf);
	s9 =	sshll.u32 s9, $0xA  }
0x43: {  	s7 =	sand.u32 $0x7F, s6;
	s8 =	sshra.s32 s6, $0x1F;
	s9 =	sadd.s32 s5, s9  }
0x44: {  	p3 =	slt.s32 s6, $0x1;
	p4 =	sne.s32 s7, $0x0;
	s9 =	sshrl.u32 s9, $0x3  }
0x45: {  	s10 =	sshrl.u32 s8, $0x19;
	p0 =	por !p3, !p4;
	s9 =	sadd.s32 s2, s9  }
0x46: {  	[tilespmem:s28], [sflag:$0x5] =	stream.linear.gather [hbm4b:s9+s16], $0x400, $0x38;
	[tilespmem:$0x6400] =	vst v63  }
0x47: {  	p0 =	por !p0, !p0;
	s14 =	simm.s32 $0x1;
	s9 =	sadd.s32 s10, s6  }
0x48: {  	(v2sf) =	vpush v1, $0x7;
	s14 =	simm.s32 @!p0 $0x0;
	s9 =	sshrl.u32 s9, $0x7  }
0x49: {  	s9 =	ssub.s32 s9, s14  }
0x4a: {  	s11 =	spop (v2sf);
	s9 =	sshll.u32 s9, $0xA  }
0x4b: {  	s12 =	sand.u32 $0x7F, s11;
	s13 =	sshra.s32 s11, $0x1F;
	s9 =	sadd.s32 s5, s9  }
0x4c: {  	p5 =	slt.s32 s11, $0x1;
	p6 =	sne.s32 s12, $0x0;
	s9 =	sshrl.u32 s9, $0x3  }
0x4d: {  	s15 =	sshrl.u32 s13, $0x19;
	p0 =	por !p5, !p6;
	s9 =	sadd.s32 s2, s9  }
0x4e: {  	[tilespmem:s29], [sflag:$0x6] =	stream.linear.gather [hbm4b:s9+s16], $0x400, $0x38;
	[tilespmem:$0x6400] =	vst v63  }
0x4f: {  	(v2sf) =	vpush v1, $0x8;
	p0 =	por !p0, !p0;
	s14 =	simm.s32 $0x1;
	s9 =	sadd.s32 s15, s11  }
0x50: {  	s14 =	simm.s32 @!p0 $0x0;
	s9 =	sshrl.u32 s9, $0x7  }
0x51: {  	s9 =	ssub.s32 s9, s14  }
0x52: {  	s9 =	sshll.u32 s9, $0xA  }
0x53: {  	s9 =	sadd.s32 s5, s9  }
0x54: {  	s9 =	sshrl.u32 s9, $0x3  }
0x55: {  	s9 =	sadd.s32 s2, s9  }
0x56: {  	[tilespmem:s17], [sflag:$0x7] =	stream.linear.gather [hbm4b:s9+s16], $0x400, $0x38;
	[tilespmem:$0x6400] =	vst v63  }
0x57: {  	s17 =	spop (v2sf)  }
0x58: {  	(v2sf) =	vpush v1, $0x9;
	s0 =	sand.u32 $0x7F, s17  }
0x59: {  	s6 =	sshra.s32 s17, $0x1F;
	p1 =	slt.s32 s17, $0x1;
	p2 =	sne.s32 s0, $0x0  }
0x5a: {  	s7 =	sshrl.u32 s6, $0x19;
	p0 =	por !p1, !p2  }
0x5b: {  	s14 =	simm.s32 $0x1;
	s9 =	sadd.s32 s7, s17;
	p0 =	por !p0, !p0  }
0x5c: {  	s9 =	sshrl.u32 s9, $0x7;
	s14 =	simm.s32 @!p0 $0x0  }
0x5d: {  	s9 =	ssub.s32 s9, s14  }
0x5e: {  	s8 =	spop (v2sf);
	s9 =	sshll.u32 s9, $0xA  }
0x5f: {  	s10 =	sand.u32 $0x7F, s8;
	s11 =	sshra.s32 s8, $0x1F;
	s9 =	sadd.s32 s5, s9  }
0x60: {  	p3 =	slt.s32 s8, $0x1;
	p4 =	sne.s32 s10, $0x0;
	s9 =	sshrl.u32 s9, $0x3  }
0x61: {  	s12 =	sshrl.u32 s11, $0x19;
	p0 =	por !p3, !p4;
	s9 =	sadd.s32 s2, s9  }
0x62: {  	[tilespmem:s18], [sflag:$0x8] =	stream.linear.gather [hbm4b:s9+s16], $0x400, $0x38;
	[tilespmem:$0x6400] =	vst v63  }
0x63: {  	p0 =	por !p0, !p0;
	s14 =	simm.s32 $0x1;
	s9 =	sadd.s32 s12, s8  }
0x64: {  	s14 =	simm.s32 @!p0 $0x0;
	s9 =	sshrl.u32 s9, $0x7  }
0x65: {  	(v2sf) =	vpush v1, $0xA;
	s9 =	ssub.s32 s9, s14  }
0x66: {  	s9 =	sshll.u32 s9, $0xA  }
0x67: {  	s13 =	spop (v2sf);
	s9 =	sadd.s32 s5, s9  }
0x68: {  	s17 =	sand.u32 $0x7F, s13;
	p5 =	slt.s32 s13, $0x1;
	s9 =	sshrl.u32 s9, $0x3  }
0x69: {  	p6 =	sne.s32 s17, $0x0;
	s18 =	sshra.s32 s13, $0x1F;
	s9 =	sadd.s32 s2, s9  }
0x6a: {  	[tilespmem:s19], [sflag:$0x9] =	stream.linear.gather [hbm4b:s9+s16], $0x400, $0x38;
	[tilespmem:$0x6400] =	vst v63  }
0x6b: {  	p0 =	por !p5, !p6;
	s19 =	sshrl.u32 s18, $0x19  }
0x6c: {  	(v2sf) =	vpush v1, $0xB;
	p0 =	por !p0, !p0;
	s14 =	simm.s32 $0x1;
	s9 =	sadd.s32 s19, s13  }
0x6d: {  	s14 =	simm.s32 @!p0 $0x0;
	s9 =	sshrl.u32 s9, $0x7  }
0x6e: {  	s9 =	ssub.s32 s9, s14  }
0x6f: {  	s9 =	sshll.u32 s9, $0xA  }
0x70: {  	s9 =	sadd.s32 s5, s9  }
0x71: {  	s9 =	sshrl.u32 s9, $0x3  }
0x72: {  	s9 =	sadd.s32 s2, s9  }
0x73: {  	[tilespmem:s20], [sflag:$0xA] =	stream.linear.gather [hbm4b:s9+s16], $0x400, $0x38;
	[tilespmem:$0x6400] =	vst v63  }
0x74: {  	(v2sf) =	vpush v1, $0xC;
	s20 =	spop (v2sf)  }
0x75: {  	s0 =	sand.u32 $0x7F, s20  }
0x76: {  	s6 =	sshra.s32 s20, $0x1F;
	p1 =	slt.s32 s20, $0x1;
	p2 =	sne.s32 s0, $0x0  }
0x77: {  	s7 =	sshrl.u32 s6, $0x19;
	p0 =	por !p1, !p2  }
0x78: {  	s14 =	simm.s32 $0x1;
	s9 =	sadd.s32 s7, s20;
	p0 =	por !p0, !p0  }
0x79: {  	s9 =	sshrl.u32 s9, $0x7;
	s14 =	simm.s32 @!p0 $0x0  }
0x7a: {  	s9 =	ssub.s32 s9, s14  }
0x7b: {  	s8 =	spop (v2sf);
	s9 =	sshll.u32 s9, $0xA  }
0x7c: {  	(v2sf) =	vpush v1, $0xD;
	s10 =	sand.u32 $0x7F, s8;
	s11 =	sshra.s32 s8, $0x1F;
	s9 =	sadd.s32 s5, s9  }
0x7d: {  	p3 =	slt.s32 s8, $0x1;
	p4 =	sne.s32 s10, $0x0;
	s9 =	sshrl.u32 s9, $0x3  }
0x7e: {  	s12 =	sshrl.u32 s11, $0x19;
	p0 =	por !p3, !p4;
	s9 =	sadd.s32 s2, s9  }
0x7f: {  	[tilespmem:s21], [sflag:$0xB] =	stream.linear.gather [hbm4b:s9+s16], $0x400, $0x38;
	[tilespmem:$0x6400] =	vst v63  }
0x80: {  	p0 =	por !p0, !p0;
	s14 =	simm.s32 $0x1;
	s9 =	sadd.s32 s12, s8  }
0x81: {  	s14 =	simm.s32 @!p0 $0x0;
	s9 =	sshrl.u32 s9, $0x7  }
0x82: {  	s9 =	ssub.s32 s9, s14  }
0x83: {  	s13 =	spop (v2sf);
	s9 =	sshll.u32 s9, $0xA  }
0x84: {  	(v2sf) =	vpush v1, $0xE;
	s15 =	sand.u32 $0x7F, s13;
	s17 =	sshra.s32 s13, $0x1F;
	s9 =	sadd.s32 s5, s9  }
0x85: {  	p5 =	slt.s32 s13, $0x1;
	p6 =	sne.s32 s15, $0x0;
	s9 =	sshrl.u32 s9, $0x3  }
0x86: {  	s18 =	sshrl.u32 s17, $0x19;
	p0 =	por !p5, !p6;
	s9 =	sadd.s32 s2, s9  }
0x87: {  	[tilespmem:s22], [sflag:$0xC] =	stream.linear.gather [hbm4b:s9+s16], $0x400, $0x38;
	[tilespmem:$0x6400] =	vst v63  }
0x88: {  	p0 =	por !p0, !p0;
	s14 =	simm.s32 $0x1;
	s9 =	sadd.s32 s18, s13  }
0x89: {  	s14 =	simm.s32 @!p0 $0x0;
	s9 =	sshrl.u32 s9, $0x7  }
0x8a: {  	s9 =	ssub.s32 s9, s14  }
0x8b: {  	s7 =	simm.s32 $0x5400;
	s19 =	spop (v2sf);
	s9 =	sshll.u32 s9, $0xA  }
0x8c: {  	(v2sf) =	vpush v1, $0xF;
	s20 =	sand.u32 $0x7F, s19;
	p1 =	slt.s32 s19, $0x1;
	s9 =	sadd.s32 s5, s9  }
0x8d: {  	p2 =	sne.s32 s20, $0x0;
	s21 =	sshra.s32 s19, $0x1F;
	s9 =	sshrl.u32 s9, $0x3  }
0x8e: {  	p0 =	por !p1, !p2;
	s22 =	sshrl.u32 s21, $0x19;
	s9 =	sadd.s32 s2, s9  }
0x8f: {  	[tilespmem:s7], [sflag:$0xD] =	stream.linear.gather [hbm4b:s9+s16], $0x400, $0x38;
	[tilespmem:$0x6400] =	vst v63  }
0x90: {  	p0 =	por !p0, !p0;
	s14 =	simm.s32 $0x1;
	s9 =	sadd.s32 s22, s19  }
0x91: {  	s14 =	simm.s32 @!p0 $0x0;
	s9 =	sshrl.u32 s9, $0x7  }
0x92: {  	s9 =	ssub.s32 s9, s14  }
0x93: {  	s8 =	simm.s32 $0x5800;
	s0 =	spop (v2sf);
	s9 =	sshll.u32 s9, $0xA  }
0x94: {  	s6 =	sand.u32 $0x7F, s0;
	s10 =	sshra.s32 s0, $0x1F;
	s9 =	sadd.s32 s5, s9  }
0x95: {  	p3 =	slt.s32 s0, $0x1;
	p4 =	sne.s32 s6, $0x0;
	s9 =	sshrl.u32 s9, $0x3  }
0x96: {  	s11 =	sshrl.u32 s10, $0x19;
	p0 =	por !p3, !p4;
	s9 =	sadd.s32 s2, s9  }
0x97: {  	[tilespmem:s8], [sflag:$0xE] =	stream.linear.gather [hbm4b:s9+s16], $0x400, $0x38;
	[tilespmem:$0x6400] =	vst v63  }
0x98: {  	p0 =	por !p0, !p0;
	s14 =	simm.s32 $0x1;
	s9 =	sadd.s32 s11, s0  }
0x99: {  	s14 =	simm.s32 @!p0 $0x0;
	s9 =	sshrl.u32 s9, $0x7  }
0x9a: {  	s9 =	ssub.s32 s9, s14  }
0x9b: {  	s12 =	simm.s32 $0x5C00;
	s13 =	spop (v2sf);
	s9 =	sshll.u32 s9, $0xA  }
0x9c: {  	s17 =	sand.u32 $0x7F, s13;
	s18 =	sshra.s32 s13, $0x1F;
	s9 =	sadd.s32 s5, s9  }
0x9d: {  	p5 =	slt.s32 s13, $0x1;
	p6 =	sne.s32 s17, $0x0;
	s9 =	sshrl.u32 s9, $0x3  }
0x9e: {  	s19 =	sshrl.u32 s18, $0x19;
	p0 =	por !p5, !p6;
	s9 =	sadd.s32 s2, s9  }
0x9f: {  	[tilespmem:s12], [sflag:$0xF] =	stream.linear.gather [hbm4b:s9+s16], $0x400, $0x38;
	[tilespmem:$0x6400] =	vst v63  }
0xa0: {  	p0 =	por !p0, !p0;
	s14 =	simm.s32 $0x1;
	s9 =	sadd.s32 s19, s13  }
0xa1: {  	s14 =	simm.s32 @!p0 $0x0;
	s9 =	sshrl.u32 s9, $0x7  }
0xa2: {  	s9 =	ssub.s32 s9, s14  }
0xa3: {  	s9 =	sshll.u32 s9, $0xA  }
0xa4: {  	s9 =	sadd.s32 s5, s9  }
0xa5: {  	s9 =	sshrl.u32 s9, $0x3  }
0xa6: {  	s20 =	simm.s32 $0x6000;
	s9 =	sadd.s32 s2, s9  }
0xa7: {  	[tilespmem:s20], [sflag:$0x10] =	stream.linear.gather [hbm4b:s9+s16], $0x400, $0x38;
	[tilespmem:$0x6400] =	vst v63  }
0xa8: {  	v1 =	vld [tilespmem:s16+$0x0];
	_ =	sdelay $0x1  }
0xa9: {  	p0 =	por $0x0, $0x0;
	s9 =	simm.s32 $0x10  }
0xaa: {  	s9 =	simm.s32 @p0 $0x0  }
0xab: {  	v2 =	vld [tilespmem:s9+$0x0]  }
0xac: {  	(v2sf) =	vpush v1, $0x0  }
0xad: {  	(v2sf) =	vpush v1, $0x1  }
0xae: {  	(v2sf) =	vpush v1, $0x2;
	_ =	sdelay $0x1  }
0xaf: {  	(v2sf) =	vpush @!p0 v2, $0x0;
	_ =	sdelay $0x1  }
0xb0: {  	(v2sf) =	vpush @!p0 v2, $0x1;
	_ =	sdelay $0x2  }
0xb1: {  	(v2sf) =	vpush @!p0 v2, $0x2;
	_ =	sdelay $0x4  }
0xb2: {  	s6 =	simm.s32 $0x3C00;
	s10 =	simm.s32 $0x1  }
0xb3: {  	v6 =	vmov s10;
	s10 =	simm.s32 $0x2;
	s22 =	simm.s32 $0x0;
	s21 =	spop (v2sf)  }
0xb4: {  	s0 =	simm.s32 $0x4000;
	s11 =	simm.s32 $0x4400;
	s18 =	spop (v2sf)  }
0xb5: {  	s12 =	simm.s32 $0x4800;
	s13 =	simm.s32 $0x4C00;
	s17 =	spop (v2sf)  }
0xb6: {  	s20 =	simm.s32 @!p0 $0x2400;
	s16 =	simm.s32 $0x5;
	_ =	swait.ge [sflag:s30], $0x400  }
0xb7: {  	s9 =	sand.u32 $0x7F, s21;
	s18 =	sand.u32 $0x7F, s18;
	s14 =	spop @!p0 (v2sf)  }
0xb8: {  	s17 =	sand.u32 $0x7F, s17;
	[sflag:s30] =	ssyncset.done $0x0;
	s15 =	sand.u32 @!p0 $0x7F, s14  }
0xb9: {  	p1 =	slt.s32 @!p0 s14, $0x1;
	[sflag:s30] =	ssyncadd.s32 $0xFFFFFC00;
	s19 =	spop @!p0 (v2sf)  }
0xba: {  	p2 =	sne.s32 @!p0 s15, $0x0;
	s15 =	sshra.s32 @!p0 s14, $0x1F;
	s21 =	sand.u32 @!p0 $0x7F, s19  }
0xbb: {  	v4 =	vmov s22;
	s22 =	sshra.s32 @!p0 s19, $0x1F;
	p1 =	por @!p0 !p1, !p2;
	s15 =	sshrl.u32 @!p0 s15, $0x19  }
0xbc: {  	p2 =	sne.s32 @!p0 s21, $0x0;
	s21 =	sshrl.u32 @!p0 s22, $0x19;
	s22 =	spop @!p0 (v2sf)  }
0xbd: {  	(v2sf) =	vpush @!p0 v2, $0x3;
	p1 =	por @!p0 !p1, !p1;
	s14 =	sadd.s32 @!p0 s15, s14;
	s15 =	simm.s32 @!p0 $0x1  }
0xbe: {  	v3 =	vor.u32 s9, v0;
	v29 =	vor.u32 s18, v0;
	(v2sf) =	vpush v1, $0x3;
	s18 =	sshra.s32 @!p0 s22, $0x1F;
	p1 =	por !p1, p0;
	s9 =	sshrl.u32 @!p0 s14, $0x7  }
0xbf: {  	s14 =	simm.s32 @!p0 $0x0;
	s18 =	sshrl.u32 @!p0 s18, $0x19;
	s15 =	simm.s32 @p1 $0x0  }
0xc0: {  	p1 =	slt.s32 @!p0 s19, $0x1;
	s19 =	sadd.s32 @!p0 s21, s19;
	s21 =	sand.u32 @!p0 $0x7F, s22  }
0xc1: {  	v5 =	vshll.u32 v4, $0x3;
	(v2sf) =	vpush @!p0 v2, $0x4;
	s18 =	sadd.s32 @!p0 s18, s22;
	s9 =	ssub.s32 @!p0 s9, s15;
	s15 =	simm.s32 $0x6  }
0xc2: {  	v4 =	vand.u32 $0x70, v4;
	v5 =	vand.u32 $0x1C00, v5;
	p1 =	por @!p0 !p1, !p2;
	s19 =	sshrl.u32 @!p0 s19, $0x7;
	s9 =	sshll.u32 @!p0 s9, $0xA  }
0xc3: {  	v4 =	vor.u32 v5, v4;
	s18 =	sshrl.u32 @!p0 s18, $0x7;
	p1 =	por @!p0 !p1, !p1;
	s9 =	sadd.s32 @!p0 s5, s9  }
0xc4: {  	v4 =	vor.u32 v0, v4;
	v3 =	vld.idx.msk [tilespmem:v3+s31+$0x0], $0xffff;
	p2 =	por !p1, p0;
	p1 =	sne.s32 @!p0 s21, $0x0;
	s21 =	simm.s32 @!p0 $0x1  }
0xc5: {  	s9 =	sshrl.u32 @!p0 s9, $0x3;
	s21 =	simm.s32 @p2 $0x0;
	p2 =	slt.s32 @!p0 s22, $0x1  }
0xc6: {  	s22 =	simm.s32 $0x3;
	s9 =	sadd.s32 @!p0 s2, s9;
	s19 =	ssub.s32 @!p0 s19, s21  }
0xc7: {  	[tilespmem:s20], [sflag:$0x1] =	stream.linear.gather @!p0 [hbm4b:s9+s14], $0x400, $0x38;
	[tilespmem:$0x6400] =	vst v63  }
0xc8: {  	s21 =	simm.s32 @!p0 $0x2800;
	p1 =	por @!p0 !p2, !p1;
	s9 =	simm.s32 $0x2  }
0xc9: {  	(v2sf) =	vpush v1, $0x4;
	s19 =	sshll.u32 @!p0 s19, $0xA;
	p1 =	por @!p0 !p1, !p1;
	s20 =	simm.s32 @!p0 $0x1;
	[tilespmem:v4+s26+$0x0] =	vst.idx.msk $0xff, v3  }
0xca: {  	s19 =	sadd.s32 @!p0 s5, s19;
	p1 =	por !p1, p0;
	_ =	swait.ge [sflag:s10], $0x400  }
0xcb: {  	v3 =	vshll.u32 v6, $0x3;
	s19 =	sshrl.u32 @!p0 s19, $0x3;
	s20 =	simm.s32 @p1 $0x0;
	[sflag:s10] =	ssyncset.done $0x0  }
0xcc: {  	v30 =	vand.u32 $0x71, v6;
	v3 =	vand.u32 $0x1C00, v3;
	s19 =	sadd.s32 @!p0 s2, s19;
	s18 =	ssub.s32 @!p0 s18, s20;
	s20 =	spop @!p0 (v2sf)  }
0xcd: {  	v3 =	vor.u32 v3, v30;
	[sflag:s10] =	ssyncadd.s32 $0xFFFFFC00;
	s18 =	sshll.u32 @!p0 s18, $0xA;
	s10 =	spop (v2sf)  }
0xce: {  	(v2sf) =	vpush @!p0 v2, $0x5;
	v3 =	vor.u32 v0, v3;
	v31 =	vld.idx.msk [tilespmem:v29+s23+$0x0], $0xffff;
	[tilespmem:s21], [sflag:$0x2] =	stream.linear.gather @!p0 [hbm4b:s19+s14], $0x400, $0x38  }
0xcf: {  	p2 =	slt.s32 @!p0 s20, $0x1;
	s19 =	sand.u32 @!p0 $0x7F, s20;
	s18 =	sadd.s32 @!p0 s5, s18  }
0xd0: {  	s21 =	spop @!p0 (v2sf);
	s23 =	sand.u32 $0x7F, s10;
	p1 =	sne.s32 @!p0 s19, $0x0  }
0xd1: {  	v32 =	vor.u32 s17, v0;
	s17 =	sshrl.u32 @!p0 s18, $0x3;
	s18 =	sshra.s32 @!p0 s20, $0x1F;
	p1 =	por @!p0 !p2, !p1  }
0xd2: {  	s19 =	sand.u32 @!p0 $0x7F, s21;
	v35 =	vor.u32 s23, v0;
	s23 =	simm.s32 $0x6;
	p1 =	por @!p0 !p1, !p1  }
0xd3: {  	(v2sf) =	vpush v1, $0x5;
	p2 =	slt.s32 @!p0 s21, $0x1;
	p1 =	por !p1, p0;
	[tilespmem:v3+s26+$0x0] =	vst.idx.msk $0xff, v31;
	v3 =	vmov s9;
	s9 =	sadd.s32 @!p0 s2, s17  }
0xd4: {  	s17 =	sshrl.u32 @!p0 s18, $0x19;
	s18 =	simm.s32 @!p0 $0x2C00;
	_ =	swait.ge [sflag:s1], $0x400  }
0xd5: {  	v33 =	vshll.u32 v3, $0x3;
	s17 =	sadd.s32 @!p0 s17, s20;
	s20 =	simm.s32 @!p0 $0x1;
	[sflag:s1] =	ssyncset.done $0x0  }
0xd6: {  	v3 =	vand.u32 $0x72, v3;
	v4 =	vand.u32 $0x1C00, v33;
	s17 =	sshrl.u32 @!p0 s17, $0x7;
	s20 =	simm.s32 @p1 $0x0;
	p1 =	sne.s32 @!p0 s19, $0x0  }
0xd7: {  	(v2sf) =	vpush @!p0 v2, $0x6;
	[sflag:s1] =	ssyncadd.s32 $0xFFFFFC00;
	v3 =	vor.u32 v4, v3;
	s17 =	ssub.s32 @!p0 s17, s20;
	s20 =	sshra.s32 @!p0 s21, $0x1F  }
0xd8: {  	v34 =	vld.idx.msk [tilespmem:v32+s24+$0x0], $0xffff;
	v3 =	vor.u32 v0, v3;
	[tilespmem:s18], [sflag:$0x3] =	stream.linear.gather @!p0 [hbm4b:s9+s14], $0x400, $0x38  }
0xd9: {  	p1 =	por @!p0 !p2, !p1;
	s17 =	sshll.u32 @!p0 s17, $0xA;
	s24 =	spop (v2sf)  }
0xda: {  	s18 =	sshrl.u32 @!p0 s20, $0x19;
	p1 =	por @!p0 !p1, !p1;
	s20 =	simm.s32 @!p0 $0x1  }
0xdb: {  	(v2sf) =	vpush v1, $0x6;
	s17 =	sadd.s32 @!p0 s5, s17;
	s18 =	sadd.s32 @!p0 s18, s21;
	p1 =	por !p1, p0  }
0xdc: {  	(v2sf) =	vpush @!p0 v2, $0x7;
	s21 =	simm.s32 @!p0 $0x3000;
	s18 =	sshrl.u32 @!p0 s18, $0x7;
	s20 =	simm.s32 @p1 $0x0  }
0xdd: {  	v36 =	vmov s22;
	s9 =	sshrl.u32 @!p0 s17, $0x3;
	s18 =	ssub.s32 @!p0 s18, s20;
	s17 =	spop @!p0 (v2sf);
	[tilespmem:v3+s26+$0x0] =	vst.idx.msk $0xff, v34  }
0xde: {  	s19 =	sand.u32 $0x7F, s24;
	s18 =	sshll.u32 @!p0 s18, $0xA;
	v3 =	vshll.u32 v36, $0x3;
	_ =	swait.ge [sflag:s4], $0x400  }
0xdf: {  	v37 =	vand.u32 $0x73, v36;
	s20 =	sand.u32 @!p0 $0x7F, s17;
	p1 =	slt.s32 @!p0 s17, $0x1;
	v3 =	vand.u32 $0x1C00, v3;
	[sflag:s4] =	ssyncset.done $0x0  }
0xe0: {  	s18 =	sadd.s32 @!p0 s5, s18;
	p2 =	sne.s32 @!p0 s20, $0x0;
	v3 =	vor.u32 v3, v37;
	(v2sf) =	vpush v1, $0x7;
	[sflag:s4] =	ssyncadd.s32 $0xFFFFFC00  }
0xe1: {  	s9 =	sadd.s32 @!p0 s2, s9;
	s18 =	sshrl.u32 @!p0 s18, $0x3;
	p1 =	por @!p0 !p1, !p2;
	v3 =	vor.u32 v0, v3;
	v38 =	vld.idx.msk [tilespmem:v35+s25+$0x0], $0xffff  }
0xe2: {  	s1 =	spop (v2sf);
	s18 =	sadd.s32 @!p0 s2, s18;
	p1 =	por @!p0 !p1, !p1  }
0xe3: {  	[tilespmem:s21], [sflag:$0x4] =	stream.linear.gather @!p0 [hbm4b:s9+s14], $0x400, $0x38;
	[tilespmem:$0x6400] =	vst v63  }
0xe4: {  	s20 =	sand.u32 $0x7F, s1;
	s9 =	simm.s32 @!p0 $0x3400;
	s21 =	sshra.s32 @!p0 s17, $0x1F  }
0xe5: {  	v39 =	vor.u32 s19, v0;
	s25 =	simm.s32 $0x4;
	p1 =	por !p1, p0;
	s21 =	sshrl.u32 @!p0 s21, $0x19  }
0xe6: {  	(v2sf) =	vpush @!p0 v2, $0x8;
	v40 =	vmov s25;
	s17 =	sadd.s32 @!p0 s21, s17;
	s21 =	simm.s32 @!p0 $0x1;
	s19 =	spop @!p0 (v2sf);
	[tilespmem:v3+s26+$0x0] =	vst.idx.msk $0xff, v38  }
0xe7: {  	s21 =	simm.s32 @p1 $0x0;
	s17 =	sshrl.u32 @!p0 s17, $0x7;
	v3 =	vshll.u32 v40, $0x3;
	_ =	swait.ge [sflag:s3], $0x400  }
0xe8: {  	v41 =	vand.u32 $0x74, v40;
	s17 =	ssub.s32 @!p0 s17, s21;
	s21 =	sshra.s32 @!p0 s19, $0x1F;
	v3 =	vand.u32 $0x1C00, v3;
	[sflag:s3] =	ssyncset.done $0x0;
	(v2sf) =	vpush v1, $0x8  }
0xe9: {  	v44 =	vmov s16;
	p1 =	slt.s32 @!p0 s19, $0x1;
	s16 =	sshrl.u32 @!p0 s21, $0x19;
	v3 =	vor.u32 v3, v41;
	[sflag:s3] =	ssyncadd.s32 $0xFFFFFC00;
	(v2sf) =	vpush @!p0 v2, $0x9  }
0xea: {  	s17 =	sshll.u32 @!p0 s17, $0xA;
	s4 =	spop (v2sf);
	s16 =	sadd.s32 @!p0 s16, s19;
	v3 =	vor.u32 v0, v3;
	v42 =	vld.idx.msk [tilespmem:v39+s28+$0x0], $0xffff  }
0xeb: {  	v43 =	vor.u32 s20, v0;
	s21 =	simm.s32 @!p0 $0x3C00;
	s20 =	spop @!p0 (v2sf);
	s16 =	sshrl.u32 @!p0 s16, $0x7  }
0xec: {  	s24 =	sand.u32 $0x7F, s4;
	s4 =	simm.s32 $0x7;
	s3 =	simm.s32 $0x9  }
0xed: {  	[tilespmem:s9], [sflag:$0x5] =	stream.linear.gather @!p0 [hbm4b:s18+s14], $0x400, $0x38;
	[tilespmem:$0x6400] =	vst v63  }
0xee: {  	v48 =	vmov s15;
	s9 =	sand.u32 @!p0 $0x7F, s19;
	s19 =	simm.s32 @!p0 $0x3800;
	s15 =	sand.u32 @!p0 $0x7F, s20  }
0xef: {  	p2 =	sne.s32 @!p0 s9, $0x0;
	s9 =	sadd.s32 @!p0 s5, s17;
	s10 =	spop (v2sf);
	[tilespmem:v3+s26+$0x0] =	vst.idx.msk $0xff, v42  }
0xf0: {  	s17 =	simm.s32 @!p0 $0x1;
	p1 =	por @!p0 !p1, !p2;
	v3 =	vshll.u32 v44, $0x3;
	_ =	swait.ge [sflag:s23], $0x400  }
0xf1: {  	v45 =	vand.u32 $0x75, v44;
	s9 =	sshrl.u32 @!p0 s9, $0x3;
	p1 =	por @!p0 !p1, !p1;
	v3 =	vand.u32 $0x1C00, v3;
	[sflag:s23] =	ssyncset.done $0x0;
	(v2sf) =	vpush v1, $0x9  }
0xf2: {  	p2 =	sne.s32 @!p0 s15, $0x0;
	p1 =	por !p1, p0;
	v3 =	vor.u32 v3, v45;
	[sflag:s23] =	ssyncadd.s32 $0xFFFFFC00;
	(v2sf) =	vpush @!p0 v2, $0xA  }
0xf3: {  	s9 =	sadd.s32 @!p0 s2, s9;
	s17 =	simm.s32 @p1 $0x0;
	p1 =	slt.s32 @!p0 s20, $0x1;
	v3 =	vor.u32 v0, v3;
	v46 =	vld.idx.msk [tilespmem:v43+s29+$0x0], $0xffff  }
0xf4: {  	s28 =	sand.u32 $0x7F, s10;
	s16 =	ssub.s32 @!p0 s16, s17;
	p1 =	por @!p0 !p1, !p2  }
0xf5: {  	v51 =	vor.u32 s28, v0;
	s28 =	simm.s32 $0x9;
	s16 =	sshll.u32 @!p0 s16, $0xA;
	s18 =	spop @!p0 (v2sf)  }
0xf6: {  	[tilespmem:s19], [sflag:$0x6] =	stream.linear.gather @!p0 [hbm4b:s9+s14], $0x400, $0x38;
	[tilespmem:$0x6400] =	vst v63  }
0xf7: {  	v47 =	vor.u32 s24, v0;
	p1 =	por @!p0 !p1, !p1;
	v60 =	vmov s28;
	s28 =	simm.s32 $0x5000;
	s25 =	spop (v2sf)  }
0xf8: {  	p1 =	por !p1, p0;
	s23 =	simm.s32 $0x8;
	s17 =	spop @!p0 (v2sf);
	[tilespmem:v3+s26+$0x0] =	vst.idx.msk $0xff, v46  }
0xf9: {  	v49 =	vand.u32 $0x76, v48;
	s9 =	sadd.s32 @!p0 s5, s16;
	s19 =	sshra.s32 @!p0 s20, $0x1F;
	v3 =	vshll.u32 v48, $0x3;
	_ =	swait.ge [sflag:s4], $0x400  }
0xfa: {  	s29 =	simm.s32 $0x7;
	v56 =	vmov s23;
	s23 =	simm.s32 $0xA;
	v3 =	vand.u32 $0x1C00, v3;
	(v2sf) =	vpush v1, $0xA;
	[sflag:s4] =	ssyncset.done $0x0  }
0xfb: {  	s9 =	sshrl.u32 @!p0 s9, $0x3;
	s15 =	sshrl.u32 @!p0 s19, $0x19;
	v3 =	vor.u32 v3, v49;
	(v2sf) =	vpush @!p0 v2, $0xB;
	[sflag:s4] =	ssyncadd.s32 $0xFFFFFC00  }
0xfc: {  	s19 =	simm.s32 @!p0 $0x1;
	s9 =	sadd.s32 @!p0 s2, s9;
	s15 =	sadd.s32 @!p0 s15, s20;
	v3 =	vor.u32 v0, v3;
	v50 =	vld.idx.msk [tilespmem:v47+s6+$0x0], $0xffff  }
0xfd: {  	s19 =	simm.s32 @p1 $0x0;
	s20 =	sand.u32 @!p0 $0x7F, s18;
	s15 =	sshrl.u32 @!p0 s15, $0x7  }
0xfe: {  	p1 =	slt.s32 @!p0 s18, $0x1;
	p2 =	sne.s32 @!p0 s20, $0x0;
	s15 =	ssub.s32 @!p0 s15, s19  }
0xff: {  	[tilespmem:s21], [sflag:$0x7] =	stream.linear.gather @!p0 [hbm4b:s9+s14], $0x400, $0x38;
	[tilespmem:$0x6400] =	vst v63  }
0x100: {  	s19 =	sshra.s32 @!p0 s18, $0x1F;
	s15 =	sshll.u32 @!p0 s15, $0xA;
	s1 =	spop (v2sf)  }
0x101: {  	v52 =	vmov s29;
	s22 =	sadd.s32 @!p0 s5, s15;
	s6 =	simm.s32 $0x8;
	(v2sf) =	vpush v1, $0xB;
	s15 =	spop @!p0 (v2sf);
	[tilespmem:v3+s26+$0x0] =	vst.idx.msk $0xff, v50  }
0x102: {  	p1 =	por @!p0 !p1, !p2;
	s19 =	sshrl.u32 @!p0 s19, $0x19;
	v3 =	vshll.u32 v52, $0x3;
	_ =	swait.ge [sflag:s6], $0x400  }
0x103: {  	v53 =	vand.u32 $0x77, v52;
	p1 =	por @!p0 !p1, !p1;
	s16 =	sand.u32 $0x7F, s25;
	v3 =	vand.u32 $0x1C00, v3;
	[sflag:s6] =	ssyncset.done $0x0  }
0x104: {  	s18 =	sadd.s32 @!p0 s19, s18;
	s21 =	sshrl.u32 @!p0 s22, $0x3;
	v3 =	vor.u32 v3, v53;
	(v2sf) =	vpush @!p0 v2, $0xC;
	[sflag:s6] =	ssyncadd.s32 $0xFFFFFC00  }
0x105: {  	p1 =	por !p1, p0;
	s19 =	sadd.s32 @!p0 s2, s21;
	s21 =	simm.s32 @!p0 $0x1;
	v3 =	vor.u32 v0, v3;
	v54 =	vld.idx.msk [tilespmem:v51+s0+$0x0], $0xffff  }
0x106: {  	s20 =	sshrl.u32 @!p0 s18, $0x7;
	s18 =	simm.s32 @!p0 $0x4000;
	s21 =	simm.s32 @p1 $0x0  }
0x107: {  	p1 =	slt.s32 @!p0 s17, $0x1;
	s20 =	ssub.s32 @!p0 s20, s21;
	s21 =	simm.s32 @!p0 $0x1  }
0x108: {  	[tilespmem:s18], [sflag:$0x8] =	stream.linear.gather @!p0 [hbm4b:s19+s14], $0x400, $0x38;
	[tilespmem:$0x6400] =	vst v63  }
0x109: {  	v55 =	vor.u32 s16, v0;
	s25 =	sand.u32 $0x7F, s1;
	s19 =	sand.u32 @!p0 $0x7F, s17;
	s24 =	spop (v2sf)  }
0x10a: {  	(v2sf) =	vpush v1, $0xC;
	p2 =	sne.s32 @!p0 s19, $0x0;
	s19 =	sshll.u32 @!p0 s20, $0xA;
	s16 =	spop @!p0 (v2sf);
	[tilespmem:v3+s26+$0x0] =	vst.idx.msk $0xff, v54  }
0x10b: {  	s20 =	sshra.s32 @!p0 s17, $0x1F;
	p1 =	por @!p0 !p1, !p2;
	v3 =	vshll.u32 v56, $0x3;
	_ =	swait.ge [sflag:s3], $0x400  }
0x10c: {  	v57 =	vand.u32 $0x78, v56;
	s19 =	sadd.s32 @!p0 s5, s19;
	s20 =	sshrl.u32 @!p0 s20, $0x19;
	v3 =	vand.u32 $0x1C00, v3;
	(v2sf) =	vpush @!p0 v2, $0xD;
	[sflag:s3] =	ssyncset.done $0x0  }
0x10d: {  	p1 =	por @!p0 !p1, !p1;
	s19 =	sshrl.u32 @!p0 s19, $0x3;
	v3 =	vor.u32 v3, v57;
	[sflag:s3] =	ssyncadd.s32 $0xFFFFFC00;
	(v2sf) =	vpush v1, $0xD  }
0x10e: {  	s17 =	sadd.s32 @!p0 s20, s17;
	p1 =	por !p1, p0;
	s19 =	sadd.s32 @!p0 s2, s19;
	v3 =	vor.u32 v0, v3;
	v58 =	vld.idx.msk [tilespmem:v55+s11+$0x0], $0xffff  }
0x10f: {  	s9 =	sshrl.u32 @!p0 s17, $0x7;
	s17 =	simm.s32 @!p0 $0x4400;
	s21 =	simm.s32 @p1 $0x0  }
0x110: {  	p1 =	slt.s32 @!p0 s15, $0x1;
	s0 =	sand.u32 $0x7F, s24;
	s21 =	ssub.s32 @!p0 s9, s21  }
0x111: {  	[tilespmem:s17], [sflag:$0x9] =	stream.linear.gather @!p0 [hbm4b:s19+s14], $0x400, $0x38;
	[tilespmem:$0x6400] =	vst v63  }
0x112: {  	v59 =	vor.u32 s25, v0;
	s20 =	sshll.u32 @!p0 s21, $0xA;
	s21 =	sshra.s32 @!p0 s15, $0x1F;
	s29 =	spop (v2sf)  }
0x113: {  	s17 =	sand.u32 @!p0 $0x7F, s15;
	s11 =	simm.s32 $0xA;
	(v2sf) =	vpush @!p0 v2, $0xE;
	s19 =	spop @!p0 (v2sf);
	[tilespmem:v3+s26+$0x0] =	vst.idx.msk $0xff, v58  }
0x114: {  	p2 =	sne.s32 @!p0 s17, $0x0;
	s17 =	sadd.s32 @!p0 s5, s20;
	v3 =	vshll.u32 v60, $0x3;
	_ =	swait.ge [sflag:s11], $0x400  }
0x115: {  	v61 =	vand.u32 $0x79, v60;
	s20 =	simm.s32 @!p0 $0x4800;
	s17 =	sshrl.u32 @!p0 s17, $0x3;
	v3 =	vand.u32 $0x1C00, v3;
	[sflag:s11] =	ssyncset.done $0x0  }
0x116: {  	p1 =	por @!p0 !p1, !p2;
	s17 =	sadd.s32 @!p0 s2, s17;
	v3 =	vor.u32 v3, v61;
	[sflag:s11] =	ssyncadd.s32 $0xFFFFFC00  }
0x117: {  	(v2sf) =	vpush v1, $0xE;
	v3 =	vor.u32 v0, v3;
	v62 =	vld.idx.msk [tilespmem:v59+s12+$0x0], $0xffff;
	[tilespmem:s20], [sflag:$0xA] =	stream.linear.gather @!p0 [hbm4b:s17+s14], $0x400, $0x38  }
0x118: {  	p2 =	slt.s32 @!p0 s16, $0x1;
	p1 =	por @!p0 !p1, !p1;
	s17 =	sshrl.u32 @!p0 s21, $0x19  }
0x119: {  	p1 =	por !p1, p0;
	s21 =	simm.s32 @!p0 $0x1;
	s15 =	sadd.s32 @!p0 s17, s15  }
0x11a: {  	s1 =	spop (v2sf);
	s21 =	simm.s32 @p1 $0x0;
	s18 =	sshrl.u32 @!p0 s15, $0x7  }
0x11b: {  	(v2sf) =	vpush @!p0 v2, $0xF;
	v2 =	vor.u32 s0, v0;
	s12 =	simm.s32 $0xB;
	s18 =	ssub.s32 @!p0 s18, s21;
	s15 =	spop @!p0 (v2sf)  }
0x11c: {  	s21 =	sand.u32 @!p0 $0x7F, s16;
	(v2sf) =	vpush v1, $0xF;
	s18 =	sshll.u32 @!p0 s18, $0xA;
	s22 =	spop (v2sf);
	[tilespmem:v3+s26+$0x0] =	vst.idx.msk $0xff, v62  }
0x11d: {  	v1 =	vmov s23;
	p1 =	sne.s32 @!p0 s21, $0x0;
	s18 =	sadd.s32 @!p0 s5, s18;
	_ =	swait.ge [sflag:s12], $0x400  }
0x11e: {  	s21 =	simm.s32 @!p0 $0x4C00;
	v3 =	vshll.u32 v1, $0x3;
	s18 =	sshrl.u32 @!p0 s18, $0x3;
	[sflag:s12] =	ssyncset.done $0x0  }
0x11f: {  	v1 =	vand.u32 $0x7A, v1;
	p1 =	por @!p0 !p2, !p1;
	v3 =	vand.u32 $0x1C00, v3;
	s18 =	sadd.s32 @!p0 s2, s18;
	[sflag:s12] =	ssyncadd.s32 $0xFFFFFC00  }
0x120: {  	v1 =	vor.u32 v3, v1;
	v2 =	vld.idx.msk [tilespmem:v2+s13+$0x0], $0xffff;
	[tilespmem:s21], [sflag:$0xB] =	stream.linear.gather @!p0 [hbm4b:s18+s14], $0x400, $0x38  }
0x121: {  	s24 =	simm.s32 $0xB;
	p1 =	por @!p0 !p1, !p1;
	v1 =	vor.u32 v0, v1;
	s18 =	sshra.s32 @!p0 s16, $0x1F  }
0x122: {  	s9 =	sand.u32 $0x7F, s29;
	p1 =	por !p1, p0;
	s18 =	sshrl.u32 @!p0 s18, $0x19  }
0x123: {  	v3 =	vor.u32 s9, v0;
	s9 =	sand.u32 @!p0 $0x7F, s19;
	s16 =	sadd.s32 @!p0 s18, s16;
	s18 =	simm.s32 @!p0 $0x1  }
0x124: {  	p2 =	sne.s32 @!p0 s9, $0x0;
	s16 =	sshrl.u32 @!p0 s16, $0x7;
	s18 =	simm.s32 @p1 $0x0  }
0x125: {  	s9 =	sshra.s32 @!p0 s19, $0x1F;
	s18 =	ssub.s32 @!p0 s16, s18;
	s16 =	spop @!p0 (v2sf)  }
0x126: {  	s13 =	simm.s32 $0xC;
	s9 =	sshrl.u32 @!p0 s9, $0x19;
	s25 =	spop (v2sf);
	[tilespmem:v1+s26+$0x0] =	vst.idx.msk $0xff, v2;
	v1 =	vmov s24  }
0x127: {  	s9 =	sadd.s32 @!p0 s9, s19;
	s21 =	sshll.u32 @!p0 s18, $0xA;
	_ =	swait.ge [sflag:s13], $0x400;
	v2 =	vshll.u32 v1, $0x3  }
0x128: {  	p1 =	slt.s32 @!p0 s19, $0x1;
	s21 =	sadd.s32 @!p0 s5, s21;
	v1 =	vand.u32 $0x7B, v1;
	[sflag:s13] =	ssyncset.done $0x0;
	v2 =	vand.u32 $0x1C00, v2  }
0x129: {  	p1 =	por @!p0 !p1, !p2;
	s21 =	sshrl.u32 @!p0 s21, $0x3;
	[sflag:s13] =	ssyncadd.s32 $0xFFFFFC00;
	v1 =	vor.u32 v2, v1  }
0x12a: {  	s19 =	simm.s32 @!p0 $0x5000;
	p1 =	por @!p0 !p1, !p1;
	s21 =	sadd.s32 @!p0 s2, s21;
	v2 =	vld.idx.msk [tilespmem:v3+s28+$0x0], $0xffff;
	v1 =	vor.u32 v0, v1  }
0x12b: {  	[tilespmem:s19], [sflag:$0xC] =	stream.linear.gather @!p0 [hbm4b:s21+s14], $0x400, $0x38;
	[tilespmem:$0x6400] =	vst v63  }
0x12c: {  	p1 =	por !p1, p0;
	s21 =	simm.s32 @!p0 $0x1  }
0x12d: {  	s20 =	sand.u32 $0x7F, s1;
	s9 =	sshrl.u32 @!p0 s9, $0x7;
	s21 =	simm.s32 @p1 $0x0  }
0x12e: {  	s19 =	spop @!p0 (v2sf);
	v3 =	vor.u32 s20, v0;
	s9 =	ssub.s32 @!p0 s9, s21  }
0x12f: {  	s0 =	simm.s32 $0xD;
	s29 =	spop (v2sf);
	s9 =	sshll.u32 @!p0 s9, $0xA;
	[tilespmem:v1+s26+$0x0] =	vst.idx.msk $0xff, v2  }
0x130: {  	s9 =	sadd.s32 @!p0 s5, s9;
	_ =	swait.ge [sflag:s0], $0x400  }
0x131: {  	s1 =	simm.s32 $0xC;
	s9 =	sshrl.u32 @!p0 s9, $0x3;
	[sflag:s0] =	ssyncset.done $0x0  }
0x132: {  	s21 =	simm.s32 @!p0 $0x5400;
	v1 =	vmov s1;
	s9 =	sadd.s32 @!p0 s2, s9;
	[sflag:s0] =	ssyncadd.s32 $0xFFFFFC00  }
0x133: {  	v2 =	vshll.u32 v1, $0x3;
	v3 =	vld.idx.msk [tilespmem:v3+s7+$0x0], $0xffff;
	[tilespmem:s21], [sflag:$0xD] =	stream.linear.gather @!p0 [hbm4b:s9+s14], $0x400, $0x38  }
0x134: {  	v1 =	vand.u32 $0x7C, v1;
	v2 =	vand.u32 $0x1C00, v2;
	s9 =	sand.u32 @!p0 $0x7F, s15  }
0x135: {  	p1 =	slt.s32 @!p0 s15, $0x1;
	v1 =	vor.u32 v2, v1;
	p2 =	sne.s32 @!p0 s9, $0x0  }
0x136: {  	v1 =	vor.u32 v0, v1;
	s9 =	sshra.s32 @!p0 s15, $0x1F;
	p1 =	por @!p0 !p1, !p2  }
0x137: {  	s9 =	sshrl.u32 @!p0 s9, $0x19;
	p1 =	por @!p0 !p1, !p1  }
0x138: {  	s17 =	simm.s32 @!p0 $0x1;
	s9 =	sadd.s32 @!p0 s9, s15;
	p1 =	por !p1, p0  }
0x139: {  	s7 =	sand.u32 $0x7F, s22;
	s9 =	sshrl.u32 @!p0 s9, $0x7;
	s17 =	simm.s32 @p1 $0x0  }
0x13a: {  	v2 =	vor.u32 s7, v0;
	s9 =	ssub.s32 @!p0 s9, s17  }
0x13b: {  	s7 =	simm.s32 $0xE;
	[tilespmem:v1+s26+$0x0] =	vst.idx.msk $0xff, v3;
	s9 =	sshll.u32 @!p0 s9, $0xA  }
0x13c: {  	_ =	swait.ge [sflag:s7], $0x400;
	s9 =	sadd.s32 @!p0 s5, s9  }
0x13d: {  	s21 =	simm.s32 $0xD;
	[sflag:s7] =	ssyncset.done $0x0;
	s9 =	sshrl.u32 @!p0 s9, $0x3  }
0x13e: {  	s15 =	simm.s32 @!p0 $0x5800;
	v1 =	vmov s21;
	[sflag:s7] =	ssyncadd.s32 $0xFFFFFC00;
	s9 =	sadd.s32 @!p0 s2, s9  }
0x13f: {  	v3 =	vshll.u32 v1, $0x3;
	v2 =	vld.idx.msk [tilespmem:v2+s8+$0x0], $0xffff;
	[tilespmem:s15], [sflag:$0xE] =	stream.linear.gather @!p0 [hbm4b:s9+s14], $0x400, $0x38  }
0x140: {  	v1 =	vand.u32 $0x7D, v1;
	v3 =	vand.u32 $0x1C00, v3;
	s9 =	sand.u32 @!p0 $0x7F, s16  }
0x141: {  	p1 =	slt.s32 @!p0 s16, $0x1;
	v1 =	vor.u32 v3, v1;
	p2 =	sne.s32 @!p0 s9, $0x0  }
0x142: {  	v1 =	vor.u32 v0, v1;
	s9 =	sshra.s32 @!p0 s16, $0x1F;
	p1 =	por @!p0 !p1, !p2  }
0x143: {  	s9 =	sshrl.u32 @!p0 s9, $0x19;
	p1 =	por @!p0 !p1, !p1  }
0x144: {  	s15 =	simm.s32 @!p0 $0x1;
	s9 =	sadd.s32 @!p0 s9, s16;
	p1 =	por !p1, p0  }
0x145: {  	s22 =	sand.u32 $0x7F, s25;
	s9 =	sshrl.u32 @!p0 s9, $0x7;
	s15 =	simm.s32 @p1 $0x0  }
0x146: {  	v3 =	vor.u32 s22, v0;
	s9 =	ssub.s32 @!p0 s9, s15  }
0x147: {  	s1 =	simm.s32 $0xF;
	[tilespmem:v1+s26+$0x0] =	vst.idx.msk $0xff, v2;
	s9 =	sshll.u32 @!p0 s9, $0xA  }
0x148: {  	s23 =	simm.s32 $0xE;
	_ =	swait.ge [sflag:s1], $0x400;
	s9 =	sadd.s32 @!p0 s5, s9  }
0x149: {  	s24 =	simm.s32 $0x5C00;
	v1 =	vmov s23;
	[sflag:s1] =	ssyncset.done $0x0;
	s9 =	sshrl.u32 @!p0 s9, $0x3  }
0x14a: {  	v2 =	vshll.u32 v1, $0x3;
	[sflag:s1] =	ssyncadd.s32 $0xFFFFFC00;
	s15 =	simm.s32 @!p0 $0x5C00;
	s9 =	sadd.s32 @!p0 s2, s9  }
0x14b: {  	v1 =	vand.u32 $0x7E, v1;
	v2 =	vand.u32 $0x1C00, v2;
	v3 =	vld.idx.msk [tilespmem:v3+s24+$0x0], $0xffff;
	[tilespmem:s15], [sflag:$0xF] =	stream.linear.gather @!p0 [hbm4b:s9+s14], $0x400, $0x38  }
0x14c: {  	v1 =	vor.u32 v2, v1;
	s9 =	sand.u32 @!p0 $0x7F, s19  }
0x14d: {  	p2 =	slt.s32 @!p0 s19, $0x1;
	v1 =	vor.u32 v0, v1;
	p1 =	sne.s32 @!p0 s9, $0x0  }
0x14e: {  	s9 =	sshra.s32 @!p0 s19, $0x1F;
	p1 =	por @!p0 !p2, !p1  }
0x14f: {  	s25 =	sand.u32 $0x7F, s29;
	s9 =	sshrl.u32 @!p0 s9, $0x19;
	p1 =	por @!p0 !p1, !p1  }
0x150: {  	s15 =	simm.s32 @!p0 $0x1;
	s9 =	sadd.s32 @!p0 s9, s19;
	p1 =	por !p1, p0  }
0x151: {  	v2 =	vor.u32 s25, v0;
	s9 =	sshrl.u32 @!p0 s9, $0x7;
	s15 =	simm.s32 @p1 $0x0  }
0x152: {  	s8 =	simm.s32 $0x10;
	[tilespmem:v1+s26+$0x0] =	vst.idx.msk $0xff, v3;
	s9 =	ssub.s32 @!p0 s9, s15  }
0x153: {  	s28 =	simm.s32 $0xF;
	_ =	swait.ge [sflag:s8], $0x400;
	s9 =	sshll.u32 @!p0 s9, $0xA  }
0x154: {  	v3 =	vmov s28;
	[sflag:s8] =	ssyncset.done $0x0;
	s9 =	sadd.s32 @!p0 s5, s9  }
0x155: {  	s29 =	simm.s32 $0x6000;
	v63 =	vshll.u32 v3, $0x3;
	[sflag:s8] =	ssyncadd.s32 $0xFFFFFC00;
	s9 =	sshrl.u32 @!p0 s9, $0x3  }
0x156: {  	v1 =	vld.idx.msk [tilespmem:v2+s29+$0x0], $0xffff;
	v2 =	vand.u32 $0x7F, v3;
	v3 =	vand.u32 $0x1C00, v63;
	s15 =	simm.s32 @!p0 $0x6000;
	s9 =	sadd.s32 @!p0 s2, s9  }
0x157: {  	v2 =	vor.u32 v3, v2;
	[tilespmem:s15], [sflag:$0x10] =	stream.linear.gather @!p0 [hbm4b:s9+s14], $0x400, $0x38;
	[tilespmem:$0x6400] =	vst v63  }
0x158: {  	s10 =	simm.s32 $0x5;
	v2 =	vor.u32 v0, v2;
	s14 =	simm.s32 $0x20;
	s15 =	simm.s32 $0x0  }
.LBB2_2:
0x159: {  	s15 =	sadd.s32 $0x10, s15;
	s16 =	smov.u32 s14;
	s14 =	sadd.s32 $0x10, s14  }
0x15a: {  	p0 =	sne.s32 s14, $0x410;
	_ =	sdelay $0x2  }
0x15b: {  	[tilespmem:v2+s26+$0x0] =	vst.idx.msk $0xff, v1  }
0x15c: {  	v1 =	vld [tilespmem:s15+$0x0]  }
0x15d: {  	p1 =	seq.s32 s16, $0x400;
	s9 =	smov.u32 s16  }
0x15e: {  	s9 =	simm.s32 @p1 $0x0  }
0x15f: {  	v2 =	vld [tilespmem:s9+$0x0];
	_ =	sdelay $0x1  }
0x160: {  	(v2sf) =	vpush v1, $0x0  }
0x161: {  	(v2sf) =	vpush v1, $0x1  }
0x162: {  	(v2sf) =	vpush v1, $0x2  }
0x163: {  	(v2sf) =	vpush @!p1 v2, $0x0;
	_ =	sdelay $0x1  }
0x164: {  	(v2sf) =	vpush @!p1 v2, $0x1;
	_ =	sdelay $0x6  }
0x165: {  	s17 =	sadd.s32 $0xFFFFFFF6, s16;
	s18 =	sadd.s32 $0xFFFFFFF9, s16;
	s9 =	sadd.s32 $0xFFFFFFF5, s16;
	(v2sf) =	vpush @!p1 v2, $0x2  }
0x166: {  	s21 =	sadd.s32 $0xFFFFFFF4, s16;
	s20 =	simm.s32 @!p1 $0x3400;
	s19 =	simm.s32 @!p1 $0x3800;
	v4 =	vmov s17;
	v8 =	vmov s18;
	v3 =	vmov s9  }
0x167: {  	s22 =	sadd.s32 $0xFFFFFFF3, s16;
	s18 =	sadd.s32 $0xFFFFFFF2, s16;
	v5 =	vmov s21;
	s9 =	sadd.s32 $0xFFFFFFF1, s16;
	v6 =	vand.u32 $0x75, v3;
	v3 =	vshll.u32 v3, $0x3  }
0x168: {  	s17 =	simm.s32 @!p1 $0x0;
	s21 =	simm.s32 @!p1 $0x2800;
	v10 =	vmov s22;
	v9 =	vmov s18;
	v7 =	vmov s9;
	s9 =	spop (v2sf)  }
0x169: {  	s23 =	sadd.s32 $0xFFFFFFF0, s16;
	s22 =	simm.s32 @!p1 $0x2400;
	v12 =	vshll.u32 v9, $0x3;
	v11 =	vand.u32 $0x71, v7;
	v7 =	vshll.u32 v7, $0x3;
	s24 =	spop (v2sf)  }
0x16a: {  	v13 =	vmov s23;
	s18 =	simm.s32 @!p1 $0x1;
	v12 =	vand.u32 $0x1C00, v12;
	v7 =	vand.u32 $0x1C00, v7;
	s24 =	sand.u32 $0x7F, s24;
	s23 =	spop (v2sf)  }
0x16b: {  	_ =	swait.ge [sflag:s30], $0x400  }
0x16c: {  	v14 =	vshll.u32 v13, $0x3;
	v9 =	vand.u32 $0x72, v9;
	v11 =	vor.u32 v7, v11;
	s9 =	sand.u32 $0x7F, s9;
	s25 =	spop @!p1 (v2sf)  }
0x16d: {  	v7 =	vand.u32 $0x70, v13;
	v13 =	vand.u32 $0x1C00, v14;
	v14 =	vand.u32 $0x79, v8;
	s28 =	sshra.s32 @!p1 s25, $0x1F;
	p2 =	slt.s32 @!p1 s25, $0x1;
	s29 =	sand.u32 @!p1 $0x7F, s25  }
0x16e: {  	v13 =	vor.u32 v13, v7;
	v7 =	vshll.u32 v10, $0x3;
	v15 =	vor.u32 s9, v0;
	s9 =	sshrl.u32 @!p1 s28, $0x19;
	p3 =	sne.s32 @!p1 s29, $0x0;
	s28 =	spop @!p1 (v2sf)  }
0x16f: {  	v10 =	vand.u32 $0x73, v10;
	v7 =	vand.u32 $0x1C00, v7;
	[sflag:s30] =	ssyncset.done $0x0;
	s9 =	sadd.s32 @!p1 s9, s25;
	p2 =	por @!p1 !p2, !p3;
	(v2sf) =	vpush @!p1 v2, $0x3  }
0x170: {  	v3 =	vand.u32 $0x1C00, v3;
	v7 =	vor.u32 v7, v10;
	v10 =	vshll.u32 v5, $0x3;
	s25 =	sand.u32 @!p1 $0x7F, s28;
	s9 =	sshrl.u32 @!p1 s9, $0x7;
	p2 =	por @!p1 !p2, !p2  }
0x171: {  	v16 =	vand.u32 $0x74, v5;
	v5 =	vor.u32 v3, v6;
	v10 =	vand.u32 $0x1C00, v10;
	s29 =	sshra.s32 @!p1 s28, $0x1F;
	p3 =	por !p2, p1;
	p2 =	slt.s32 @!p1 s28, $0x1  }
0x172: {  	s29 =	sshrl.u32 @!p1 s29, $0x19;
	[sflag:s30] =	ssyncadd.s32 $0xFFFFFC00;
	s30 =	simm.s32 @!p1 $0x1  }
0x173: {  	v8 =	vshll.u32 v8, $0x3;
	v3 =	vshll.u32 v4, $0x3;
	v6 =	vor.u32 v10, v16;
	s28 =	sadd.s32 @!p1 s29, s28;
	s30 =	simm.s32 @p3 $0x0  }
0x174: {  	v8 =	vand.u32 $0x1C00, v8;
	v4 =	vand.u32 $0x76, v4;
	v3 =	vand.u32 $0x1C00, v3;
	p3 =	sne.s32 @!p1 s25, $0x0;
	s25 =	sshrl.u32 @!p1 s28, $0x7;
	v10 =	vld.idx.msk [tilespmem:v15+s31+$0x0], $0xffff;
	s9 =	ssub.s32 @!p1 s9, s30  }
0x175: {  	v9 =	vor.u32 v12, v9;
	v4 =	vor.u32 v3, v4;
	v3 =	vor.u32 v8, v14;
	p2 =	por @!p1 !p2, !p3;
	s30 =	simm.s32 @!p1 $0x1;
	s9 =	sshll.u32 @!p1 s9, $0xA  }
0x176: {  	p2 =	por @!p1 !p2, !p2;
	s9 =	sadd.s32 @!p1 s5, s9;
	s28 =	spop @!p1 (v2sf);
	(v2sf) =	vpush v1, $0x3  }
0x177: {  	p2 =	por !p2, p1;
	s9 =	sshrl.u32 @!p1 s9, $0x3;
	s29 =	sand.u32 @!p1 $0x7F, s28  }
0x178: {  	v8 =	vor.u32 v0, v13;
	s30 =	simm.s32 @p2 $0x0;
	s9 =	sadd.s32 @!p1 s2, s9;
	p2 =	sne.s32 @!p1 s29, $0x0;
	(v2sf) =	vpush @!p1 v2, $0x4  }
0x179: {  	p3 =	slt.s32 @!p1 s28, $0x1;
	s25 =	ssub.s32 @!p1 s25, s30;
	s29 =	sshra.s32 @!p1 s28, $0x1F  }
0x17a: {  	s25 =	sshll.u32 @!p1 s25, $0xA;
	s29 =	sshrl.u32 @!p1 s29, $0x19;
	p2 =	por @!p1 !p3, !p2  }
0x17b: {  	s25 =	sadd.s32 @!p1 s5, s25;
	s28 =	sadd.s32 @!p1 s29, s28;
	p2 =	por @!p1 !p2, !p2  }
0x17c: {  	v12 =	vor.u32 s24, v0;
	s24 =	sshrl.u32 @!p1 s25, $0x3;
	s25 =	sshrl.u32 @!p1 s28, $0x7;
	p2 =	por !p2, p1  }
0x17d: {  	[tilespmem:s22], [sflag:$0x1] =	stream.linear.gather @!p1 [hbm4b:s9+s17], $0x400, $0x38;
	[tilespmem:$0x6400] =	vst v63  }
0x17e: {  	s22 =	sand.u32 $0x7F, s23;
	s23 =	simm.s32 @!p1 $0x1  }
0x17f: {  	s28 =	simm.s32 $0x2;
	s9 =	sadd.s32 @!p1 s2, s24;
	[tilespmem:v8+s26+$0x0] =	vst.idx.msk $0xff, v10;
	s23 =	simm.s32 @p2 $0x0;
	(v2sf) =	vpush v1, $0x4  }
0x180: {  	_ =	swait.ge [sflag:s28], $0x400;
	s23 =	ssub.s32 @!p1 s25, s23  }
0x181: {  	s24 =	spop @!p1 (v2sf);
	s23 =	sshll.u32 @!p1 s23, $0xA  }
0x182: {  	[sflag:s28] =	ssyncset.done $0x0;
	s25 =	sand.u32 @!p1 $0x7F, s24;
	s23 =	sadd.s32 @!p1 s5, s23  }
0x183: {  	[sflag:s28] =	ssyncadd.s32 $0xFFFFFC00;
	p2 =	sne.s32 @!p1 s25, $0x0;
	(v2sf) =	vpush @!p1 v2, $0x5;
	s25 =	simm.s32 $0x2800  }
0x184: {  	p3 =	slt.s32 @!p1 s24, $0x1;
	s23 =	sshrl.u32 @!p1 s23, $0x3;
	v8 =	vld.idx.msk [tilespmem:v12+s25+$0x0], $0xffff;
	s25 =	sshra.s32 @!p1 s24, $0x1F  }
0x185: {  	[tilespmem:s21], [sflag:$0x2] =	stream.linear.gather @!p1 [hbm4b:s9+s17], $0x400, $0x38;
	[tilespmem:$0x6400] =	vst v63  }
0x186: {  	s29 =	simm.s32 $0x3;
	v10 =	vor.u32 v0, v11;
	p2 =	por @!p1 !p3, !p2;
	s21 =	sshrl.u32 @!p1 s25, $0x19  }
0x187: {  	s9 =	sadd.s32 @!p1 s2, s23;
	p2 =	por @!p1 !p2, !p2;
	s21 =	sadd.s32 @!p1 s21, s24  }
0x188: {  	p2 =	por !p2, p1;
	s24 =	simm.s32 @!p1 $0x1;
	s23 =	spop (v2sf)  }
0x189: {  	s21 =	sshrl.u32 @!p1 s21, $0x7;
	s24 =	simm.s32 @p2 $0x0;
	s23 =	sand.u32 $0x7F, s23  }
0x18a: {  	v11 =	vor.u32 s22, v0;
	s22 =	simm.s32 @!p1 $0x2C00;
	s21 =	ssub.s32 @!p1 s21, s24;
	s25 =	spop @!p1 (v2sf);
	(v2sf) =	vpush v1, $0x5  }
0x18b: {  	s21 =	sshll.u32 @!p1 s21, $0xA;
	[tilespmem:v10+s26+$0x0] =	vst.idx.msk $0xff, v8;
	s24 =	sshra.s32 @!p1 s25, $0x1F;
	s28 =	sand.u32 @!p1 $0x7F, s25  }
0x18c: {  	s21 =	sadd.s32 @!p1 s5, s21;
	_ =	swait.ge [sflag:s29], $0x400  }
0x18d: {  	p3 =	slt.s32 @!p1 s25, $0x1;
	p2 =	sne.s32 @!p1 s28, $0x0;
	s21 =	sshrl.u32 @!p1 s21, $0x3;
	(v2sf) =	vpush @!p1 v2, $0x6  }
0x18e: {  	s28 =	simm.s32 $0x2C00;
	s24 =	sshrl.u32 @!p1 s24, $0x19;
	[sflag:s29] =	ssyncset.done $0x0  }
0x18f: {  	p2 =	por @!p1 !p3, !p2;
	s24 =	sadd.s32 @!p1 s24, s25;
	[sflag:s29] =	ssyncadd.s32 $0xFFFFFC00  }
0x190: {  	s21 =	sadd.s32 @!p1 s2, s21;
	p2 =	por @!p1 !p2, !p2;
	s24 =	sshrl.u32 @!p1 s24, $0x7;
	v8 =	vld.idx.msk [tilespmem:v11+s28+$0x0], $0xffff  }
0x191: {  	v9 =	vor.u32 v0, v9;
	p2 =	por !p2, p1;
	s28 =	simm.s32 @!p1 $0x1;
	s25 =	spop (v2sf)  }
0x192: {  	s29 =	simm.s32 $0x4;
	s28 =	simm.s32 @p2 $0x0;
	s25 =	sand.u32 $0x7F, s25  }
0x193: {  	[tilespmem:s22], [sflag:$0x3] =	stream.linear.gather @!p1 [hbm4b:s9+s17], $0x400, $0x38;
	[tilespmem:$0x6400] =	vst v63  }
0x194: {  	s9 =	simm.s32 @!p1 $0x3000;
	s22 =	ssub.s32 @!p1 s24, s28;
	s24 =	spop @!p1 (v2sf);
	(v2sf) =	vpush v1, $0x6  }
0x195: {  	v10 =	vor.u32 s23, v0;
	s22 =	sshll.u32 @!p1 s22, $0xA;
	p2 =	slt.s32 @!p1 s24, $0x1;
	s23 =	sand.u32 @!p1 $0x7F, s24;
	(v2sf) =	vpush @!p1 v2, $0x7  }
0x196: {  	s22 =	sadd.s32 @!p1 s5, s22;
	s28 =	sshra.s32 @!p1 s24, $0x1F;
	[tilespmem:v9+s26+$0x0] =	vst.idx.msk $0xff, v8;
	p3 =	sne.s32 @!p1 s23, $0x0  }
0x197: {  	s22 =	sshrl.u32 @!p1 s22, $0x3;
	_ =	swait.ge [sflag:s29], $0x400;
	p2 =	por @!p1 !p2, !p3  }
0x198: {  	s23 =	sadd.s32 @!p1 s2, s22;
	s22 =	sshrl.u32 @!p1 s28, $0x19;
	s28 =	simm.s32 $0x3000  }
0x199: {  	[sflag:s29] =	ssyncset.done $0x0;
	p2 =	por @!p1 !p2, !p2;
	s22 =	sadd.s32 @!p1 s22, s24  }
0x19a: {  	s24 =	simm.s32 @!p1 $0x1;
	[sflag:s29] =	ssyncadd.s32 $0xFFFFFC00;
	p2 =	por !p2, p1  }
0x19b: {  	v8 =	vld.idx.msk [tilespmem:v10+s28+$0x0], $0xffff;
	s24 =	simm.s32 @p2 $0x0;
	s28 =	spop (v2sf);
	(v2sf) =	vpush v1, $0x7  }
0x19c: {  	v7 =	vor.u32 v0, v7;
	[tilespmem:s9], [sflag:$0x4] =	stream.linear.gather @!p1 [hbm4b:s21+s17], $0x400, $0x38;
	[tilespmem:$0x6400] =	vst v63  }
0x19d: {  	s28 =	sand.u32 $0x7F, s28;
	s9 =	sshrl.u32 @!p1 s22, $0x7;
	s21 =	spop @!p1 (v2sf)  }
0x19e: {  	(v2sf) =	vpush @!p1 v2, $0x8;
	s9 =	ssub.s32 @!p1 s9, s24;
	p2 =	slt.s32 @!p1 s21, $0x1;
	s22 =	sand.u32 @!p1 $0x7F, s21  }
0x19f: {  	s9 =	sshll.u32 @!p1 s9, $0xA;
	s24 =	sshra.s32 @!p1 s21, $0x1F;
	p3 =	sne.s32 @!p1 s22, $0x0  }
0x1a0: {  	s9 =	sadd.s32 @!p1 s5, s9;
	s22 =	sshrl.u32 @!p1 s24, $0x19;
	s24 =	simm.s32 $0x3400  }
0x1a1: {  	v9 =	vor.u32 s25, v0;
	p2 =	por @!p1 !p2, !p3;
	s9 =	sshrl.u32 @!p1 s9, $0x3;
	s21 =	sadd.s32 @!p1 s22, s21  }
0x1a2: {  	[tilespmem:v7+s26+$0x0] =	vst.idx.msk $0xff, v8;
	p2 =	por @!p1 !p2, !p2;
	s22 =	sadd.s32 @!p1 s2, s9;
	s9 =	sshrl.u32 @!p1 s21, $0x7  }
0x1a3: {  	s21 =	simm.s32 @!p1 $0x1;
	_ =	swait.ge [sflag:s10], $0x400;
	p2 =	por !p2, p1  }
0x1a4: {  	v8 =	vor.u32 s28, v0;
	s28 =	simm.s32 $0x6;
	[sflag:s10] =	ssyncset.done $0x0;
	s21 =	simm.s32 @p2 $0x0  }
0x1a5: {  	[sflag:s10] =	ssyncadd.s32 $0xFFFFFC00;
	s9 =	ssub.s32 @!p1 s9, s21;
	s21 =	spop (v2sf);
	(v2sf) =	vpush v1, $0x8  }
0x1a6: {  	v7 =	vld.idx.msk [tilespmem:v9+s24+$0x0], $0xffff;
	s21 =	sand.u32 $0x7F, s21;
	s9 =	sshll.u32 @!p1 s9, $0xA;
	s24 =	spop @!p1 (v2sf);
	(v2sf) =	vpush @!p1 v2, $0x9  }
0x1a7: {  	v6 =	vor.u32 v0, v6;
	[tilespmem:s20], [sflag:$0x5] =	stream.linear.gather @!p1 [hbm4b:s23+s17], $0x400, $0x38;
	[tilespmem:$0x6400] =	vst v63  }
0x1a8: {  	s9 =	sadd.s32 @!p1 s5, s9;
	p2 =	slt.s32 @!p1 s24, $0x1;
	s20 =	sand.u32 @!p1 $0x7F, s24  }
0x1a9: {  	s23 =	sshra.s32 @!p1 s24, $0x1F;
	s9 =	sshrl.u32 @!p1 s9, $0x3;
	p3 =	sne.s32 @!p1 s20, $0x0  }
0x1aa: {  	s20 =	sshrl.u32 @!p1 s23, $0x19;
	s9 =	sadd.s32 @!p1 s2, s9;
	p2 =	por @!p1 !p2, !p3  }
0x1ab: {  	s23 =	sadd.s32 @!p1 s20, s24;
	p2 =	por @!p1 !p2, !p2;
	s20 =	spop (v2sf)  }
0x1ac: {  	s23 =	sshrl.u32 @!p1 s23, $0x7;
	p2 =	por !p2, p1;
	[tilespmem:v6+s26+$0x0] =	vst.idx.msk $0xff, v7;
	s20 =	sand.u32 $0x7F, s20  }
0x1ad: {  	s29 =	simm.s32 $0x3800;
	s24 =	simm.s32 @!p1 $0x1;
	_ =	swait.ge [sflag:s28], $0x400  }
0x1ae: {  	s24 =	simm.s32 @p2 $0x0;
	v7 =	vor.u32 s21, v0;
	s21 =	simm.s32 @!p1 $0x1;
	s25 =	spop @!p1 (v2sf)  }
0x1af: {  	s23 =	ssub.s32 @!p1 s23, s24;
	[sflag:s28] =	ssyncset.done $0x0;
	s24 =	sshra.s32 @!p1 s25, $0x1F;
	(v2sf) =	vpush v1, $0x9  }
0x1b0: {  	s23 =	sshll.u32 @!p1 s23, $0xA;
	[sflag:s28] =	ssyncadd.s32 $0xFFFFFC00;
	s28 =	sand.u32 @!p1 $0x7F, s25;
	(v2sf) =	vpush @!p1 v2, $0xA  }
0x1b1: {  	s23 =	sadd.s32 @!p1 s5, s23;
	p2 =	slt.s32 @!p1 s25, $0x1;
	s24 =	sshrl.u32 @!p1 s24, $0x19;
	v6 =	vld.idx.msk [tilespmem:v8+s29+$0x0], $0xffff  }
0x1b2: {  	v5 =	vor.u32 v0, v5;
	[tilespmem:s19], [sflag:$0x6] =	stream.linear.gather @!p1 [hbm4b:s22+s17], $0x400, $0x38;
	[tilespmem:$0x6400] =	vst v63  }
0x1b3: {  	p3 =	sne.s32 @!p1 s28, $0x0;
	s19 =	sshrl.u32 @!p1 s23, $0x3;
	s23 =	sadd.s32 @!p1 s24, s25  }
0x1b4: {  	p2 =	por @!p1 !p2, !p3;
	s22 =	sadd.s32 @!p1 s2, s19;
	s19 =	sshrl.u32 @!p1 s23, $0x7  }
0x1b5: {  	s24 =	simm.s32 @!p1 $0x3C00;
	p2 =	por @!p1 !p2, !p2;
	s23 =	spop (v2sf)  }
0x1b6: {  	p2 =	por !p2, p1;
	s23 =	sand.u32 $0x7F, s23;
	s25 =	spop @!p1 (v2sf)  }
0x1b7: {  	s21 =	simm.s32 @p2 $0x0;
	[tilespmem:v5+s26+$0x0] =	vst.idx.msk $0xff, v6;
	p2 =	slt.s32 @!p1 s25, $0x1;
	s28 =	sand.u32 @!p1 $0x7F, s25  }
0x1b8: {  	_ =	swait.ge [sflag:s4], $0x400  }
0x1b9: {  	s19 =	ssub.s32 @!p1 s19, s21;
	s21 =	simm.s32 $0x3C00;
	p3 =	sne.s32 @!p1 s28, $0x0;
	(v2sf) =	vpush v1, $0xA  }
0x1ba: {  	s19 =	sshll.u32 @!p1 s19, $0xA;
	p2 =	por @!p1 !p2, !p3;
	[sflag:s4] =	ssyncset.done $0x0;
	(v2sf) =	vpush @!p1 v2, $0xB  }
0x1bb: {  	s19 =	sadd.s32 @!p1 s5, s19;
	p2 =	por @!p1 !p2, !p2;
	[sflag:s4] =	ssyncadd.s32 $0xFFFFFC00  }
0x1bc: {  	s28 =	sshra.s32 @!p1 s25, $0x1F;
	s19 =	sshrl.u32 @!p1 s19, $0x3;
	p2 =	por !p2, p1;
	v5 =	vld.idx.msk [tilespmem:v7+s21+$0x0], $0xffff  }
0x1bd: {  	[tilespmem:s24], [sflag:$0x7] =	stream.linear.gather @!p1 [hbm4b:s9+s17], $0x400, $0x38;
	[tilespmem:$0x6400] =	vst v63  }
0x1be: {  	v4 =	vor.u32 v0, v4;
	s24 =	simm.s32 @!p1 $0x1  }
0x1bf: {  	s21 =	sadd.s32 @!p1 s2, s19;
	s9 =	sshrl.u32 @!p1 s28, $0x19;
	s24 =	simm.s32 @p2 $0x0  }
0x1c0: {  	s19 =	sadd.s32 $0xFFFFFFF7, s16;
	s9 =	sadd.s32 @!p1 s9, s25;
	s25 =	spop (v2sf)  }
0x1c1: {  	v6 =	vmov s19;
	s9 =	sshrl.u32 @!p1 s9, $0x7;
	s19 =	sand.u32 $0x7F, s25;
	s25 =	spop @!p1 (v2sf);
	(v2sf) =	vpush v1, $0xB  }
0x1c2: {  	v7 =	vor.u32 s20, v0;
	v8 =	vshll.u32 v6, $0x3;
	s9 =	ssub.s32 @!p1 s9, s24;
	p2 =	slt.s32 @!p1 s25, $0x1;
	s20 =	sand.u32 @!p1 $0x7F, s25  }
0x1c3: {  	s9 =	sshll.u32 @!p1 s9, $0xA;
	s24 =	sshra.s32 @!p1 s25, $0x1F;
	[tilespmem:v4+s26+$0x0] =	vst.idx.msk $0xff, v5;
	v4 =	vand.u32 $0x77, v6;
	v5 =	vand.u32 $0x1C00, v8;
	p3 =	sne.s32 @!p1 s20, $0x0  }
0x1c4: {  	s9 =	sadd.s32 @!p1 s5, s9;
	_ =	swait.ge [sflag:s6], $0x400  }
0x1c5: {  	s28 =	simm.s32 @!p1 $0x1;
	v4 =	vor.u32 v5, v4;
	p2 =	por @!p1 !p2, !p3;
	s9 =	sshrl.u32 @!p1 s9, $0x3;
	(v2sf) =	vpush @!p1 v2, $0xC  }
0x1c6: {  	p2 =	por @!p1 !p2, !p2;
	s20 =	sadd.s32 @!p1 s2, s9;
	[sflag:s6] =	ssyncset.done $0x0  }
0x1c7: {  	s9 =	simm.s32 $0x4000;
	p2 =	por !p2, p1;
	[sflag:s6] =	ssyncadd.s32 $0xFFFFFC00  }
0x1c8: {  	s24 =	sshrl.u32 @!p1 s24, $0x19;
	s28 =	simm.s32 @p2 $0x0;
	v5 =	vld.idx.msk [tilespmem:v7+s9+$0x0], $0xffff;
	s9 =	simm.s32 @!p1 $0x4000  }
0x1c9: {  	v4 =	vor.u32 v0, v4;
	[tilespmem:s9], [sflag:$0x8] =	stream.linear.gather @!p1 [hbm4b:s22+s17], $0x400, $0x38;
	[tilespmem:$0x6400] =	vst v63  }
0x1ca: {  	s24 =	sadd.s32 @!p1 s24, s25;
	s9 =	sadd.s32 $0xFFFFFFF8, s16;
	s22 =	spop (v2sf)  }
0x1cb: {  	v6 =	vmov s9;
	s9 =	sshrl.u32 @!p1 s24, $0x7;
	s22 =	sand.u32 $0x7F, s22;
	s24 =	spop @!p1 (v2sf);
	(v2sf) =	vpush v1, $0xC  }
0x1cc: {  	v7 =	vshll.u32 v6, $0x3;
	s9 =	ssub.s32 @!p1 s9, s28;
	s25 =	sshra.s32 @!p1 s24, $0x1F;
	s28 =	sand.u32 @!p1 $0x7F, s24  }
0x1cd: {  	v8 =	vor.u32 s23, v0;
	v6 =	vand.u32 $0x78, v6;
	v7 =	vand.u32 $0x1C00, v7;
	s9 =	sshll.u32 @!p1 s9, $0xA;
	s23 =	sshrl.u32 @!p1 s25, $0x19;
	p2 =	sne.s32 @!p1 s28, $0x0  }
0x1ce: {  	p3 =	slt.s32 @!p1 s24, $0x1;
	s9 =	sadd.s32 @!p1 s5, s9;
	[tilespmem:v4+s26+$0x0] =	vst.idx.msk $0xff, v5;
	v4 =	vor.u32 v7, v6;
	s25 =	sadd.s32 @!p1 s23, s24  }
0x1cf: {  	s28 =	simm.s32 @!p1 $0x1;
	_ =	swait.ge [sflag:s3], $0x400  }
0x1d0: {  	s9 =	sshrl.u32 @!p1 s9, $0x3;
	p2 =	por @!p1 !p3, !p2;
	s24 =	simm.s32 $0x4400;
	(v2sf) =	vpush @!p1 v2, $0xD  }
0x1d1: {  	s23 =	sadd.s32 @!p1 s2, s9;
	p2 =	por @!p1 !p2, !p2;
	[sflag:s3] =	ssyncset.done $0x0  }
0x1d2: {  	p2 =	por !p2, p1;
	[sflag:s3] =	ssyncadd.s32 $0xFFFFFC00;
	s9 =	spop (v2sf)  }
0x1d3: {  	s25 =	sshrl.u32 @!p1 s25, $0x7;
	s28 =	simm.s32 @p2 $0x0;
	v5 =	vld.idx.msk [tilespmem:v8+s24+$0x0], $0xffff;
	s24 =	simm.s32 @!p1 $0x4400;
	(v2sf) =	vpush v1, $0xD  }
0x1d4: {  	[tilespmem:s24], [sflag:$0x9] =	stream.linear.gather @!p1 [hbm4b:s21+s17], $0x400, $0x38;
	[tilespmem:$0x6400] =	vst v63  }
0x1d5: {  	v4 =	vor.u32 v0, v4;
	s24 =	sand.u32 $0x7F, s9;
	s9 =	ssub.s32 @!p1 s25, s28  }
0x1d6: {  	s21 =	spop @!p1 (v2sf);
	s9 =	sshll.u32 @!p1 s9, $0xA  }
0x1d7: {  	p2 =	slt.s32 @!p1 s21, $0x1;
	s25 =	sand.u32 @!p1 $0x7F, s21;
	s9 =	sadd.s32 @!p1 s5, s9  }
0x1d8: {  	s28 =	sshra.s32 @!p1 s21, $0x1F;
	p3 =	sne.s32 @!p1 s25, $0x0;
	(v2sf) =	vpush @!p1 v2, $0xE;
	s9 =	sshrl.u32 @!p1 s9, $0x3  }
0x1d9: {  	v6 =	vor.u32 s19, v0;
	s25 =	sshrl.u32 @!p1 s28, $0x19;
	p2 =	por @!p1 !p2, !p3;
	s19 =	sadd.s32 @!p1 s2, s9  }
0x1da: {  	s9 =	sadd.s32 @!p1 s25, s21;
	s25 =	simm.s32 @!p1 $0x1;
	[tilespmem:v4+s26+$0x0] =	vst.idx.msk $0xff, v5;
	p2 =	por @!p1 !p2, !p2  }
0x1db: {  	s9 =	sshrl.u32 @!p1 s9, $0x7;
	_ =	swait.ge [sflag:s11], $0x400;
	p2 =	por !p2, p1  }
0x1dc: {  	[sflag:s11] =	ssyncset.done $0x0;
	s25 =	simm.s32 @p2 $0x0;
	s21 =	spop (v2sf)  }
0x1dd: {  	[sflag:s11] =	ssyncadd.s32 $0xFFFFFC00  }
0x1de: {  	s21 =	sand.u32 $0x7F, s21;
	s9 =	ssub.s32 @!p1 s9, s25;
	s25 =	simm.s32 $0x4800  }
0x1df: {  	v4 =	vld.idx.msk [tilespmem:v6+s25+$0x0], $0xffff;
	s25 =	simm.s32 @!p1 $0x4800;
	s9 =	sshll.u32 @!p1 s9, $0xA;
	(v2sf) =	vpush v1, $0xE  }
0x1e0: {  	v3 =	vor.u32 v0, v3;
	[tilespmem:s25], [sflag:$0xA] =	stream.linear.gather @!p1 [hbm4b:s20+s17], $0x400, $0x38;
	[tilespmem:$0x6400] =	vst v63  }
0x1e1: {  	s9 =	sadd.s32 @!p1 s5, s9;
	s25 =	spop @!p1 (v2sf)  }
0x1e2: {  	s9 =	sshrl.u32 @!p1 s9, $0x3;
	p2 =	slt.s32 @!p1 s25, $0x1  }
0x1e3: {  	s28 =	sand.u32 @!p1 $0x7F, s25;
	(v2sf) =	vpush @!p1 v2, $0xF;
	s20 =	sadd.s32 @!p1 s2, s9;
	s9 =	sshra.s32 @!p1 s25, $0x1F  }
0x1e4: {  	p3 =	sne.s32 @!p1 s28, $0x0;
	s9 =	sshrl.u32 @!p1 s9, $0x19;
	s28 =	sadd.s32 $0xFFFFFFFA, s16  }
0x1e5: {  	v2 =	vor.u32 s22, v0;
	p2 =	por @!p1 !p2, !p3;
	s22 =	spop (v2sf);
	s9 =	sadd.s32 @!p1 s9, s25  }
0x1e6: {  	s25 =	simm.s32 @!p1 $0x1;
	[tilespmem:v3+s26+$0x0] =	vst.idx.msk $0xff, v4;
	p2 =	por @!p1 !p2, !p2;
	(v2sf) =	vpush v1, $0xF;
	s9 =	sshrl.u32 @!p1 s9, $0x7  }
0x1e7: {  	v1 =	vmov s28;
	s22 =	sand.u32 $0x7F, s22;
	_ =	swait.ge [sflag:s12], $0x400;
	p2 =	por !p2, p1  }
0x1e8: {  	s28 =	simm.s32 $0x4C00;
	v3 =	vshll.u32 v1, $0x3;
	[sflag:s12] =	ssyncset.done $0x0;
	s25 =	simm.s32 @p2 $0x0  }
0x1e9: {  	v1 =	vand.u32 $0x7A, v1;
	v3 =	vand.u32 $0x1C00, v3;
	[sflag:s12] =	ssyncadd.s32 $0xFFFFFC00;
	s9 =	ssub.s32 @!p1 s9, s25;
	s25 =	spop @!p1 (v2sf)  }
0x1ea: {  	v1 =	vor.u32 v3, v1;
	v2 =	vld.idx.msk [tilespmem:v2+s28+$0x0], $0xffff;
	s28 =	simm.s32 @!p1 $0x4C00;
	s9 =	sshll.u32 @!p1 s9, $0xA;
	s29 =	sand.u32 @!p1 $0x7F, s25  }
0x1eb: {  	[tilespmem:s28], [sflag:$0xB] =	stream.linear.gather @!p1 [hbm4b:s23+s17], $0x400, $0x38;
	[tilespmem:$0x6400] =	vst v63  }
0x1ec: {  	v1 =	vor.u32 v0, v1;
	s9 =	sadd.s32 @!p1 s5, s9  }
0x1ed: {  	p2 =	slt.s32 @!p1 s25, $0x1;
	p3 =	sne.s32 @!p1 s29, $0x0;
	s9 =	sshrl.u32 @!p1 s9, $0x3  }
0x1ee: {  	s28 =	sshra.s32 @!p1 s25, $0x1F;
	p2 =	por @!p1 !p2, !p3;
	s23 =	sadd.s32 @!p1 s2, s9  }
0x1ef: {  	s9 =	sshrl.u32 @!p1 s28, $0x19;
	p2 =	por @!p1 !p2, !p2;
	s28 =	simm.s32 @!p1 $0x1  }
0x1f0: {  	v3 =	vor.u32 s24, v0;
	s9 =	sadd.s32 @!p1 s9, s25;
	p2 =	por !p2, p1;
	s24 =	spop (v2sf)  }
0x1f1: {  	s25 =	sadd.s32 $0xFFFFFFFB, s16;
	s9 =	sshrl.u32 @!p1 s9, $0x7;
	s28 =	simm.s32 @p2 $0x0;
	[tilespmem:v1+s26+$0x0] =	vst.idx.msk $0xff, v2  }
0x1f2: {  	v1 =	vmov s25;
	s24 =	sand.u32 $0x7F, s24;
	s9 =	ssub.s32 @!p1 s9, s28;
	_ =	swait.ge [sflag:s13], $0x400  }
0x1f3: {  	v2 =	vshll.u32 v1, $0x3;
	s9 =	sshll.u32 @!p1 s9, $0xA;
	[sflag:s13] =	ssyncset.done $0x0;
	s28 =	spop @!p1 (v2sf)  }
0x1f4: {  	s29 =	simm.s32 $0x5000;
	s9 =	sadd.s32 @!p1 s5, s9;
	[sflag:s13] =	ssyncadd.s32 $0xFFFFFC00  }
0x1f5: {  	v1 =	vand.u32 $0x7B, v1;
	v2 =	vand.u32 $0x1C00, v2;
	s25 =	sand.u32 @!p1 $0x7F, s28;
	s9 =	sshrl.u32 @!p1 s9, $0x3;
	p3 =	slt.s32 @!p1 s28, $0x1  }
0x1f6: {  	v1 =	vor.u32 v2, v1;
	v3 =	vld.idx.msk [tilespmem:v3+s29+$0x0], $0xffff;
	s29 =	simm.s32 @!p1 $0x5000;
	p2 =	sne.s32 @!p1 s25, $0x0;
	s25 =	sshra.s32 @!p1 s28, $0x1F  }
0x1f7: {  	v1 =	vor.u32 v0, v1;
	s9 =	sadd.s32 @!p1 s2, s9;
	s30 =	spop (v2sf);
	s31 =	sshrl.u32 @!p1 s25, $0x19  }
0x1f8: {  	p2 =	por @!p1 !p3, !p2;
	s25 =	sand.u32 $0x7F, s30;
	s30 =	simm.s32 $0x1  }
0x1f9: {  	s28 =	sadd.s32 @!p1 s31, s28;
	s31 =	simm.s32 $0x2400;
	p2 =	por @!p1 !p2, !p2  }
0x1fa: {  	s28 =	sshrl.u32 @!p1 s28, $0x7;
	p2 =	por !p2, p1  }
0x1fb: {  	v2 =	vor.u32 s21, v0;
	[tilespmem:s29], [sflag:$0xC] =	stream.linear.gather @!p1 [hbm4b:s19+s17], $0x400, $0x38;
	[tilespmem:$0x6400] =	vst v63  }
0x1fc: {  	s18 =	simm.s32 @p2 $0x0;
	s19 =	sadd.s32 $0xFFFFFFFC, s16;
	[tilespmem:v1+s26+$0x0] =	vst.idx.msk $0xff, v3  }
0x1fd: {  	s18 =	ssub.s32 @!p1 s28, s18;
	v1 =	vmov s19;
	_ =	swait.ge [sflag:s0], $0x400  }
0x1fe: {  	s18 =	sshll.u32 @!p1 s18, $0xA;
	v3 =	vshll.u32 v1, $0x3;
	[sflag:s0] =	ssyncset.done $0x0  }
0x1ff: {  	s19 =	simm.s32 $0x5400;
	v1 =	vand.u32 $0x7C, v1;
	s18 =	sadd.s32 @!p1 s5, s18;
	v3 =	vand.u32 $0x1C00, v3;
	[sflag:s0] =	ssyncadd.s32 $0xFFFFFC00  }
0x200: {  	s18 =	sshrl.u32 @!p1 s18, $0x3;
	v1 =	vor.u32 v3, v1;
	v2 =	vld.idx.msk [tilespmem:v2+s19+$0x0], $0xffff;
	s19 =	simm.s32 @!p1 $0x5400  }
0x201: {  	v1 =	vor.u32 v0, v1;
	[tilespmem:s19], [sflag:$0xD] =	stream.linear.gather @!p1 [hbm4b:s20+s17], $0x400, $0x38;
	[tilespmem:$0x6400] =	vst v63  }
0x202: {  	s18 =	sadd.s32 @!p1 s2, s18;
	_ =	sdelay $0x2  }
0x203: {  	v3 =	vor.u32 s22, v0  }
0x204: {  	s19 =	sadd.s32 $0xFFFFFFFD, s16;
	[tilespmem:v1+s26+$0x0] =	vst.idx.msk $0xff, v2  }
0x205: {  	v1 =	vmov s19;
	_ =	swait.ge [sflag:s7], $0x400  }
0x206: {  	v2 =	vshll.u32 v1, $0x3;
	[sflag:s7] =	ssyncset.done $0x0  }
0x207: {  	s19 =	simm.s32 $0x5800;
	v1 =	vand.u32 $0x7D, v1;
	v2 =	vand.u32 $0x1C00, v2;
	[sflag:s7] =	ssyncadd.s32 $0xFFFFFC00  }
0x208: {  	v1 =	vor.u32 v2, v1;
	v3 =	vld.idx.msk [tilespmem:v3+s19+$0x0], $0xffff;
	s19 =	simm.s32 @!p1 $0x5800  }
0x209: {  	v1 =	vor.u32 v0, v1;
	[tilespmem:s19], [sflag:$0xE] =	stream.linear.gather @!p1 [hbm4b:s23+s17], $0x400, $0x38;
	[tilespmem:$0x6400] =	vst v63  }
0x20a: {  	_ =	sdelay $0x2  }
0x20b: {  	v2 =	vor.u32 s24, v0  }
0x20c: {  	s19 =	sadd.s32 $0xFFFFFFFE, s16;
	[tilespmem:v1+s26+$0x0] =	vst.idx.msk $0xff, v3  }
0x20d: {  	v1 =	vmov s19;
	_ =	swait.ge [sflag:s1], $0x400  }
0x20e: {  	v3 =	vshll.u32 v1, $0x3;
	[sflag:s1] =	ssyncset.done $0x0  }
0x20f: {  	s19 =	simm.s32 $0x5C00;
	v1 =	vand.u32 $0x7E, v1;
	v3 =	vand.u32 $0x1C00, v3;
	[sflag:s1] =	ssyncadd.s32 $0xFFFFFC00  }
0x210: {  	v1 =	vor.u32 v3, v1;
	v2 =	vld.idx.msk [tilespmem:v2+s19+$0x0], $0xffff;
	s19 =	simm.s32 @!p1 $0x5C00  }
0x211: {  	v1 =	vor.u32 v0, v1;
	[tilespmem:s19], [sflag:$0xF] =	stream.linear.gather @!p1 [hbm4b:s9+s17], $0x400, $0x38;
	[tilespmem:$0x6400] =	vst v63  }
0x212: {  	_ =	sdelay $0x2  }
0x213: {  	v3 =	vor.u32 s25, v0  }
0x214: {  	s9 =	sadd.s32 $0xFFFFFFFF, s16;
	[tilespmem:v1+s26+$0x0] =	vst.idx.msk $0xff, v2  }
.Ltmp0:
0x215: {  	v1 =	vmov s9;
	_ =	swait.ge [sflag:s8], $0x400;
	(pc) =	sbr.rel @p0 .LBB2_2-.Ltmp0, $4  }
0x216: {  	v2 =	vshll.u32 v1, $0x3;
	[sflag:s8] =	ssyncset.done $0x0  }
0x217: {  	s9 =	simm.s32 $0x6000;
	v4 =	vand.u32 $0x7F, v1;
	v2 =	vand.u32 $0x1C00, v2;
	[sflag:s8] =	ssyncadd.s32 $0xFFFFFC00  }
0x218: {  	v2 =	vor.u32 v2, v4;
	v1 =	vld.idx.msk [tilespmem:v3+s9+$0x0], $0xffff;
	s9 =	simm.s32 @!p1 $0x6000  }
0x219: {  	v2 =	vor.u32 v0, v2;
	[tilespmem:s9], [sflag:$0x10] =	stream.linear.gather @!p1 [hbm4b:s18+s17], $0x400, $0x38;
	[tilespmem:$0x6400] =	vst v63  }
0x21a: {  	_ =	sdelay $0x3  }
0x21b: {  	s16 =	simm.s32 $0x0;
	s9 =	rddreg [dreg:$0x5];
	s14 =	simm.s32 $0x11;
	[tilespmem:v2+s26+$0x0] =	vst.idx.msk $0xff, v1  }
0x21c: {  	[hbm4b:s9+s16] =	stream.linear.scatter [tilespmem:s26], [sflag:$0x11], $0x2000, $0x38;
	[tilespmem:$0x6400] =	vst v63  }
0x21d: {  	_ =	swait.ge [sflag:s14], $0x2000  }
0x21e: {  	s0 =	rddreg [dreg:$0x7]  }
0x21f: {  	s25 =	rddreg [dreg:$0x6];
	s0 =	sadd.s32 $0x1, s0  }
0x220: {  	s23 =	simm.s32 $0x2800;
	s24 =	simm.s32 $0x2C00;
	p0 =	sne.s32 s0, s25  }
.Ltmp1:
0x221: {  	s28 =	simm.s32 $0x3400;
	s29 =	simm.s32 $0x3800;
	(pc) =	sbr.rel @p0 .LBB2_1-.Ltmp1, $4  }
0x222: {  	s17 =	simm.s32 $0x3C00;
	s18 =	simm.s32 $0x4000;
	s19 =	simm.s32 $0x4400  }
0x223: {  	s20 =	simm.s32 $0x4800;
	s21 =	simm.s32 $0x4C00;
	s22 =	simm.s32 $0x5000  }
0x224: {  	s1 =	simm.s32 $0x3;
	s4 =	simm.s32 $0x4;
	[sflag:s14] =	ssyncset.done $0x0  }
0x225: {  	s3 =	simm.s32 $0x5;
	[sflag:s14] =	ssyncadd.s32 $0xFFFFE000;
	s25 =	simm.s32 $0x3000  }
0x226: {  	_ =	sfence.sel $0x180000  }
0x227: {  	[bflag:$0x0] =	sbarrier.arrive $0xFFFF  }
0x228: {  	_ =	strace $0x90000047  }
0x229: {  	s0 =	stileid.u32;
	[bflag:$0x2] =	sbarrier.arrive $0xFFFF  }
0x22a: {  	p0 =	sne.s32 s0, $0x0;
	s0 =	rddreg [dreg:$0x3]  }
0x22b: {  	s0 =	sadd.s32 @!p0 $0x100000, s0  }
0x22c: {  	[sflag:s0] =	ssyncadd.tile.s32 @!p0 $0x1;
	_ =	shalt  }
.Lfunc_end2:
_tile_overlayer_lowered:
.L_overlay_start_2:
0x22d: {  	(tag) =	ssettag $0x2  }
0x22e: {  	s0 =	rddreg [dreg:$0x0];
	s2 =	stileid.u32  }
0x22f: {  	s1 =	rddreg [dreg:$0x1];
	p0 =	sne.s32 s2, $0x0  }
0x230: {  	s3 =	rddreg [dreg:$0x2];
	[bflag:$0x3] =	sbarrier.arrive $0xFFFF;
	s2 =	simm.s32 @!p0 $0x1C11  }
0x231: {  	[timem:s3], [sflag:s2] =	dma.local @!p0 [hbm:s0], s1  }
0x232: {  	s0 =	simm.s32 @!p0 $0x11  }
0x233: {  	_ =	swait.ge @!p0 [sflag:s0], s1  }
0x234: {  	s1 =	ssub.s32 @!p0 $0x0, s1;
	[sflag:s0] =	ssyncset.done @!p0 $0x0  }
0x235: {  	[sflag:s0] =	ssyncadd.s32 @!p0 s1  }
0x236: {  	[bflag:$0x3] =	sbarrier.arrive $0xFFFF  }
0x237: {  	_ =	shalt  }

</sc_bundles>
